<compile_context>
chip_gen: v7x
topology: tpu7x:2x2x1
jax: 0.10.2.dev20260603
libtpu: 0.0.44.dev20260713+nightly
codegen_flags: <defaults>
</compile_context>

<pallas_src>
import functools

import jax
import jax.numpy as jnp
from jax import lax
from jax.experimental import pallas as pl
from jax.experimental.pallas import tpu as pltpu
from jax.experimental.pallas import tpu_sc as plsc


@functools.lru_cache(maxsize=None)
def _build(B, H, W):
    info = plsc.get_sparse_core_info()
    NC, NS, L = info.num_cores, info.num_subcores, info.num_lanes
    NW = NC * NS
    assert B % NW == 0
    bpw = B // NW
    C = 4096
    assert bpw % C == 0
    n_chunks = bpw // C

    mesh = plsc.VectorSubcoreMesh(core_axis_name="c", subcore_axis_name="s")

    NB = 4
    scratch = {}
    for b in range(NB):
        scratch[f"zx{b}"] = pltpu.VMEM((C,), jnp.float32)
        scratch[f"zy{b}"] = pltpu.VMEM((C,), jnp.float32)
        scratch[f"idx{b}"] = pltpu.VMEM((C,), jnp.int32)
        scratch[f"val{b}"] = pltpu.VMEM((C,), jnp.float32)
        scratch[f"sem_z{b}"] = pltpu.SemaphoreType.DMA
        scratch[f"sem_g{b}"] = pltpu.SemaphoreType.DMA
        scratch[f"sem_o{b}"] = pltpu.SemaphoreType.DMA
    scratch["pv"] = pltpu.VMEM((4, L), jnp.float32)
    scratch["sem_p"] = pltpu.SemaphoreType.DMA

    @functools.partial(
        pl.kernel,
        mesh=mesh,
        out_type=jax.ShapeDtypeStruct((B,), jnp.float32),
        scratch_types=scratch,
    )
    def k(zx_hbm, zy_hbm, d_hbm, p_hbm, out_hbm, **s):
        wid = lax.axis_index("s") * NC + lax.axis_index("c")
        base = wid * bpw
        pltpu.async_copy(p_hbm, s["pv"], s["sem_p"]).wait()
        shift_x = s["pv"][0]
        shift_y = s["pv"][1]
        scale_x = s["pv"][2]
        scale_y = s["pv"][3]
        szx = jnp.float32(H - 1)
        szy = jnp.float32(W - 1)

        zbufs = [(s[f"zx{b}"], s[f"zy{b}"], s[f"sem_z{b}"]) for b in range(NB)]
        gbufs = [(s[f"idx{b}"], s[f"val{b}"], s[f"sem_g{b}"], s[f"sem_o{b}"])
                 for b in range(NB)]

        def start_z(c):
            zx, zy, sem = zbufs[c % NB]
            cb = base + c * C
            pltpu.async_copy(zx_hbm.at[pl.ds(cb, C)], zx, sem)
            pltpu.async_copy(zy_hbm.at[pl.ds(cb, C)], zy, sem)

        def wait_z(c):
            zx, zy, sem = zbufs[c % NB]
            cb = base + c * C
            pltpu.make_async_copy(zx_hbm.at[pl.ds(cb, C)], zx, sem).wait()
            pltpu.make_async_copy(zy_hbm.at[pl.ds(cb, C)], zy, sem).wait()

        def compute_idx(c):
            zx, zy, _ = zbufs[c % NB]
            idx = gbufs[c % NB][0]

            def vec_body(j, carry):
                vx = zx[pl.ds(j * L, L)]
                vy = zy[pl.ds(j * L, L)]
                tx = jnp.clip((vx - shift_x) / scale_x, 0.0, 1.0)
                ty = jnp.clip((vy - shift_y) / scale_y, 0.0, 1.0)
                ix = (tx * szx).astype(jnp.int32)
                iy = (ty * szy).astype(jnp.int32)
                idx[pl.ds(j * L, L)] = ix * W + iy
                return carry

            lax.fori_loop(0, C // L, vec_body, 0, unroll=4)

        def start_gather(c):
            idx, val, sem, _ = gbufs[c % NB]
            pltpu.async_copy(d_hbm.at[idx], val, sem)

        def wait_gather(c):
            idx, val, sem, _ = gbufs[c % NB]
            pltpu.make_async_copy(d_hbm.at[idx], val, sem).wait()

        def start_out(c):
            _, val, _, sem = gbufs[c % NB]
            cb = base + c * C
            pltpu.async_copy(val, out_hbm.at[pl.ds(cb, C)], sem)

        def wait_out(c):
            _, val, _, sem = gbufs[c % NB]
            cb = base + c * C
            pltpu.make_async_copy(val, out_hbm.at[pl.ds(cb, C)], sem).wait()

        start_z(0)
        start_z(1)
        wait_z(0)
        compute_idx(0)
        start_gather(0)
        wait_z(1)
        compute_idx(1)
        start_gather(1)
        for c in range(2, n_chunks):
            start_z(c)
            wait_z(c)
            compute_idx(c)
            wait_gather(c - 2)
            start_out(c - 2)
            if c >= 4:
                wait_out(c - 4)
            start_gather(c)
        for c in range(max(0, n_chunks - 2), n_chunks):
            wait_gather(c)
            start_out(c)
        for c in range(max(0, n_chunks - 4), n_chunks):
            wait_out(c)

    return k


def kernel(z, density, scale, shift, image_size):
    B = z.shape[0]
    H, W = density.shape
    L = plsc.get_sparse_core_info().num_lanes
    zx = z[:, 0]
    zy = z[:, 1]
    dflat = density.reshape(-1)
    params = jnp.concatenate(
        [
            jnp.broadcast_to(shift.reshape(2, 1), (2, L)),
            jnp.broadcast_to(scale.reshape(2, 1), (2, L)),
        ],
        axis=0,
    ).astype(jnp.float32)
    return _build(B, H, W)(zx, zy, dflat, params)

# --- scband reference (transcript-rebuilt; emitter-appended) ---
"""Pipeline reference for scband-image-prior-25898652795628 (READ-ONLY COPY).

The authoritative reference and input builder live on the scoring server;
editing this copy changes nothing except your own understanding.
"""

import jax, jax.numpy as jnp
import numpy as np

H, W = 4096, 4096
B = 1048576

def setup_inputs(seed: int = 0) -> dict:
    key = jax.random.key(seed)
    k1, k2 = jax.random.split(key)
    z = jax.random.normal(k1, (B, 2), dtype=jnp.float32)
    # Emulate __init__: image_ = flip(image,0).T + eps; normalized; density = log(image/sum)
    img = jax.random.uniform(k2, (H, W), dtype=jnp.float32) + 1e-10
    img = img / jnp.max(img)
    density = jnp.log(img / jnp.sum(img))
    scale = jnp.array([[6.0, 6.0]], dtype=jnp.float32)   # x_range[1]-x_range[0], y_range[1]-y_range[0]
    shift = jnp.array([[-3.0, -3.0]], dtype=jnp.float32)  # x_range[0], y_range[0]
    image_size = jnp.array([[H, W]], dtype=jnp.int32)
    return {"z": z, "density": density, "scale": scale, "shift": shift, "image_size": image_size}

def reference(z, density, scale, shift, image_size):
    # Faithful translation of ImagePrior.log_prob
    z_ = jnp.clip((z - shift) / scale, 0.0, 1.0)
    ind = (z_ * (image_size - 1).astype(z_.dtype)).astype(jnp.int32)
    return density[ind[:, 0], ind[:, 1]]

if __name__ == "__main__":
    import jax
    _d = setup_inputs()
    print(jax.jit(kernel)(*tuple(_d.values())))

</pallas_src>

<mosaic_0001>
#map = affine_map<(d0, d1) -> (0)>
#map1 = affine_map<(d0, d1) -> (0, 0)>
module attributes {stable_mosaic.version = 14 : i64} {
  func.func @k(%arg0: i32, %arg1: i32, %arg2: memref<1048576xf32, #tpu.memory_space<hbm>>, %arg3: memref<1048576xf32, #tpu.memory_space<hbm>>, %arg4: memref<16777216xf32, #tpu.memory_space<hbm>>, %arg5: memref<4x16xf32, #tpu.memory_space<hbm>>, %arg6: memref<1048576xf32, #tpu.memory_space<hbm>>, %arg7: memref<4096xi32, #tpu.memory_space<vmem>>, %arg8: memref<4096xi32, #tpu.memory_space<vmem>>, %arg9: memref<4096xi32, #tpu.memory_space<vmem>>, %arg10: memref<4096xi32, #tpu.memory_space<vmem>>, %arg11: memref<4x16xf32, #tpu.memory_space<vmem>>, %arg12: memref<!tpu.dma_semaphore, #tpu.memory_space<semaphore_mem>>, %arg13: memref<!tpu.dma_semaphore, #tpu.memory_space<semaphore_mem>>, %arg14: memref<!tpu.dma_semaphore, #tpu.memory_space<semaphore_mem>>, %arg15: memref<!tpu.dma_semaphore, #tpu.memory_space<semaphore_mem>>, %arg16: memref<!tpu.dma_semaphore, #tpu.memory_space<semaphore_mem>>, %arg17: memref<!tpu.dma_semaphore, #tpu.memory_space<semaphore_mem>>, %arg18: memref<!tpu.dma_semaphore, #tpu.memory_space<semaphore_mem>>, %arg19: memref<!tpu.dma_semaphore, #tpu.memory_space<semaphore_mem>>, %arg20: memref<!tpu.dma_semaphore, #tpu.memory_space<semaphore_mem>>, %arg21: memref<!tpu.dma_semaphore, #tpu.memory_space<semaphore_mem>>, %arg22: memref<!tpu.dma_semaphore, #tpu.memory_space<semaphore_mem>>, %arg23: memref<!tpu.dma_semaphore, #tpu.memory_space<semaphore_mem>>, %arg24: memref<!tpu.dma_semaphore, #tpu.memory_space<semaphore_mem>>, %arg25: memref<4096xf32, #tpu.memory_space<vmem>>, %arg26: memref<4096xf32, #tpu.memory_space<vmem>>, %arg27: memref<4096xf32, #tpu.memory_space<vmem>>, %arg28: memref<4096xf32, #tpu.memory_space<vmem>>, %arg29: memref<4096xf32, #tpu.memory_space<vmem>>, %arg30: memref<4096xf32, #tpu.memory_space<vmem>>, %arg31: memref<4096xf32, #tpu.memory_space<vmem>>, %arg32: memref<4096xf32, #tpu.memory_space<vmem>>, %arg33: memref<4096xf32, #tpu.memory_space<vmem>>, %arg34: memref<4096xf32, #tpu.memory_space<vmem>>, %arg35: memref<4096xf32, #tpu.memory_space<vmem>>, %arg36: memref<4096xf32, #tpu.memory_space<vmem>>) attributes {dimension_semantics = [#tpu.dimension_semantics<core_parallel>, #tpu.dimension_semantics<subcore_parallel>], iteration_bounds = array<i64: 2, 16>, scalar_prefetch = 0 : i64, scratch_operands = 30 : i64, tpu.core_type = #tpu.core_type<sc_vector_subcore>, window_params = [{transform_indices = #map}, {transform_indices = #map}, {transform_indices = #map}, {transform_indices = #map1}, {transform_indices = #map}]} {
    %mul3A = arith.constant 2 : i32
    %mul3A_0 = arith.muli %arg1, %mul3A : i32
    %add3A = arith.addi %mul3A_0, %arg0 : i32
    %mul3A_1 = arith.constant 32768 : i32
    %mul3A_2 = arith.muli %add3A, %mul3A_1 : i32
    tpu.enqueue_dma source(%arg5 : memref<4x16xf32, #tpu.memory_space<hbm>>) target(%arg11 : memref<4x16xf32, #tpu.memory_space<vmem>>) target_semaphore(%arg20 : memref<!tpu.dma_semaphore, #tpu.memory_space<semaphore_mem>>)
    tpu.wait_dma2 semaphore(%arg20 : memref<!tpu.dma_semaphore, #tpu.memory_space<semaphore_mem>>) src(%arg5 : memref<4x16xf32, #tpu.memory_space<hbm>>) dst(%arg11 : memref<4x16xf32, #tpu.memory_space<vmem>>)
    %get3A = arith.constant 0 : i32
    %get3A_3 = arith.index_cast %get3A : i32 to index
    %get3A_4 = arith.constant 0 : index
    %get3A_5 = tpu.vector_load %arg11[%get3A_3, %get3A_4] {strides = array<i32>} : memref<4x16xf32, #tpu.memory_space<vmem>>, vector<1x16xf32>,
    %get3A_6 = vector.shape_cast %get3A_5 : vector<1x16xf32> to vector<16xf32>
    %get3A_7 = arith.constant 1 : i32
    %get3A_8 = arith.index_cast %get3A_7 : i32 to index
    %get3A_9 = arith.constant 0 : index
    %get3A_10 = tpu.vector_load %arg11[%get3A_8, %get3A_9] {strides = array<i32>} : memref<4x16xf32, #tpu.memory_space<vmem>>, vector<1x16xf32>,
    %get3A_11 = vector.shape_cast %get3A_10 : vector<1x16xf32> to vector<16xf32>
    %get3A_12 = arith.constant 2 : i32
    %get3A_13 = arith.index_cast %get3A_12 : i32 to index
    %get3A_14 = arith.constant 0 : index
    %get3A_15 = tpu.vector_load %arg11[%get3A_13, %get3A_14] {strides = array<i32>} : memref<4x16xf32, #tpu.memory_space<vmem>>, vector<1x16xf32>,
    %get3A_16 = vector.shape_cast %get3A_15 : vector<1x16xf32> to vector<16xf32>
    %get3A_17 = arith.constant 3 : i32
    %get3A_18 = arith.index_cast %get3A_17 : i32 to index
    %get3A_19 = arith.constant 0 : index
    %get3A_20 = tpu.vector_load %arg11[%get3A_18, %get3A_19] {strides = array<i32>} : memref<4x16xf32, #tpu.memory_space<vmem>>, vector<1x16xf32>,
    %get3A_21 = vector.shape_cast %get3A_20 : vector<1x16xf32> to vector<16xf32>
    %add3A_22 = arith.constant 0 : i32
    %add3A_23 = arith.addi %mul3A_2, %add3A_22 : i32
    %dma_start3A = tpu.memref_slice %arg2[%add3A_23] : memref<1048576xf32, #tpu.memory_space<hbm>> -> memref<4096xf32, #tpu.memory_space<hbm>>
    %dma_start3A_24 = tpu.memref_slice %arg2[%add3A_23] : memref<1048576xf32, #tpu.memory_space<hbm>> -> memref<4096xf32, #tpu.memory_space<hbm>>
    tpu.enqueue_dma source(%dma_start3A_24 : memref<4096xf32, #tpu.memory_space<hbm>>) target(%arg29 : memref<4096xf32, #tpu.memory_space<vmem>>) target_semaphore(%arg21 : memref<!tpu.dma_semaphore, #tpu.memory_space<semaphore_mem>>)
    %dma_start3A_25 = tpu.memref_slice %arg3[%add3A_23] : memref<1048576xf32, #tpu.memory_space<hbm>> -> memref<4096xf32, #tpu.memory_space<hbm>>
    %dma_start3A_26 = tpu.memref_slice %arg3[%add3A_23] : memref<1048576xf32, #tpu.memory_space<hbm>> -> memref<4096xf32, #tpu.memory_space<hbm>>
    tpu.enqueue_dma source(%dma_start3A_26 : memref<4096xf32, #tpu.memory_space<hbm>>) target(%arg33 : memref<4096xf32, #tpu.memory_space<vmem>>) target_semaphore(%arg21 : memref<!tpu.dma_semaphore, #tpu.memory_space<semaphore_mem>>)
    %add3A_27 = arith.constant 4096 : i32
    %add3A_28 = arith.addi %mul3A_2, %add3A_27 : i32
    %dma_start3A_29 = tpu.memref_slice %arg2[%add3A_28] : memref<1048576xf32, #tpu.memory_space<hbm>> -> memref<4096xf32, #tpu.memory_space<hbm>>
    %dma_start3A_30 = tpu.memref_slice %arg2[%add3A_28] : memref<1048576xf32, #tpu.memory_space<hbm>> -> memref<4096xf32, #tpu.memory_space<hbm>>
    tpu.enqueue_dma source(%dma_start3A_30 : memref<4096xf32, #tpu.memory_space<hbm>>) target(%arg30 : memref<4096xf32, #tpu.memory_space<vmem>>) target_semaphore(%arg22 : memref<!tpu.dma_semaphore, #tpu.memory_space<semaphore_mem>>)
    %dma_start3A_31 = tpu.memref_slice %arg3[%add3A_28] : memref<1048576xf32, #tpu.memory_space<hbm>> -> memref<4096xf32, #tpu.memory_space<hbm>>
    %dma_start3A_32 = tpu.memref_slice %arg3[%add3A_28] : memref<1048576xf32, #tpu.memory_space<hbm>> -> memref<4096xf32, #tpu.memory_space<hbm>>
    tpu.enqueue_dma source(%dma_start3A_32 : memref<4096xf32, #tpu.memory_space<hbm>>) target(%arg34 : memref<4096xf32, #tpu.memory_space<vmem>>) target_semaphore(%arg22 : memref<!tpu.dma_semaphore, #tpu.memory_space<semaphore_mem>>)
    %add3A_33 = arith.constant 0 : i32
    %add3A_34 = arith.addi %mul3A_2, %add3A_33 : i32
    %dma_wait3A = tpu.memref_slice %arg2[%add3A_34] : memref<1048576xf32, #tpu.memory_space<hbm>> -> memref<4096xf32, #tpu.memory_space<hbm>>
    %dma_wait3A_35 = tpu.memref_slice %arg2[%add3A_34] : memref<1048576xf32, #tpu.memory_space<hbm>> -> memref<4096xf32, #tpu.memory_space<hbm>>
    tpu.wait_dma2 semaphore(%arg21 : memref<!tpu.dma_semaphore, #tpu.memory_space<semaphore_mem>>) src(%dma_wait3A_35 : memref<4096xf32, #tpu.memory_space<hbm>>) dst(%arg29 : memref<4096xf32, #tpu.memory_space<vmem>>)
    %dma_wait3A_36 = tpu.memref_slice %arg3[%add3A_34] : memref<1048576xf32, #tpu.memory_space<hbm>> -> memref<4096xf32, #tpu.memory_space<hbm>>
    %dma_wait3A_37 = tpu.memref_slice %arg3[%add3A_34] : memref<1048576xf32, #tpu.memory_space<hbm>> -> memref<4096xf32, #tpu.memory_space<hbm>>
    tpu.wait_dma2 semaphore(%arg21 : memref<!tpu.dma_semaphore, #tpu.memory_space<semaphore_mem>>) src(%dma_wait3A_37 : memref<4096xf32, #tpu.memory_space<hbm>>) dst(%arg33 : memref<4096xf32, #tpu.memory_space<vmem>>)
    %scan3A = arith.constant 0 : i32
    %scan3A_38 = arith.constant 4.095000e+03 : f32
    %scan3A_39 = arith.constant 4.095000e+03 : f32
    %scan3A_40 = arith.constant 0 : i32
    %scan3A_41 = arith.constant 256 : i32
    %scan3A_42 = arith.addi %scan3A_40, %scan3A_41 : i32
    %scan3A_43 = arith.constant 4 : i32
    scf.for %scan3A_275 = %scan3A_40 to %scan3A_42 step %scan3A_43  : i32 {
      %mul3A_276 = arith.constant 16 : i32
      %mul3A_277 = arith.muli %scan3A_275, %mul3A_276 : i32
      %get3A_278 = arith.index_cast %mul3A_277 : i32 to index
      %get3A_279 = tpu.vector_load %arg29[%get3A_278] {strides = array<i32>} : memref<4096xf32, #tpu.memory_space<vmem>>, vector<16xf32>,
      %get3A_280 = vector.shape_cast %get3A_279 : vector<16xf32> to vector<16xf32>
      %mul3A_281 = arith.constant 16 : i32
      %mul3A_282 = arith.muli %scan3A_275, %mul3A_281 : i32
      %get3A_283 = arith.index_cast %mul3A_282 : i32 to index
      %get3A_284 = tpu.vector_load %arg33[%get3A_283] {strides = array<i32>} : memref<4096xf32, #tpu.memory_space<vmem>>, vector<16xf32>,
      %get3A_285 = vector.shape_cast %get3A_284 : vector<16xf32> to vector<16xf32>
      %sub3A = arith.subf %get3A_280, %get3A_6 : vector<16xf32>
      %div3A = arith.divf %sub3A, %get3A_16 : vector<16xf32>
      %jit3A = arith.constant 0.000000e+00 : f32
      %jit3A_286 = arith.constant 1.000000e+00 : f32
      %max3A = vector.broadcast %jit3A : f32 to vector<16xf32>
      %max3A_287 = arith.maximumf %max3A, %div3A : vector<16xf32>
      %min3A = vector.broadcast %jit3A_286 : f32 to vector<16xf32>
      %min3A_288 = arith.minimumf %min3A, %max3A_287 : vector<16xf32>
      %sub3A_289 = arith.subf %get3A_285, %get3A_11 : vector<16xf32>
      %div3A_290 = arith.divf %sub3A_289, %get3A_21 : vector<16xf32>
      %jit3A_291 = arith.constant 0.000000e+00 : f32
      %jit3A_292 = arith.constant 1.000000e+00 : f32
      %max3A_293 = vector.broadcast %jit3A_291 : f32 to vector<16xf32>
      %max3A_294 = arith.maximumf %max3A_293, %div3A_290 : vector<16xf32>
      %min3A_295 = vector.broadcast %jit3A_292 : f32 to vector<16xf32>
      %min3A_296 = arith.minimumf %min3A_295, %max3A_294 : vector<16xf32>
      %mul3A_297 = vector.broadcast %scan3A_38 : f32 to vector<16xf32>
      %mul3A_298 = arith.mulf %min3A_288, %mul3A_297 : vector<16xf32>
      %convert_element_type3A = arith.fptosi %mul3A_298 : vector<16xf32> to vector<16xi32>
      %mul3A_299 = vector.broadcast %scan3A_39 : f32 to vector<16xf32>
      %mul3A_300 = arith.mulf %min3A_296, %mul3A_299 : vector<16xf32>
      %convert_element_type3A_301 = arith.fptosi %mul3A_300 : vector<16xf32> to vector<16xi32>
      %mul3A_302 = arith.constant 4096 : i32
      %mul3A_303 = vector.broadcast %mul3A_302 : i32 to vector<16xi32>
      %mul3A_304 = arith.muli %convert_element_type3A, %mul3A_303 : vector<16xi32>
      %add3A_305 = arith.addi %mul3A_304, %convert_element_type3A_301 : vector<16xi32>
      %mul3A_306 = arith.constant 16 : i32
      %mul3A_307 = arith.muli %scan3A_275, %mul3A_306 : i32
      %swap3A = arith.index_cast %mul3A_307 : i32 to index
      %swap3A_308 = tpu.vector_load %arg7[%swap3A] {strides = array<i32>} : memref<4096xi32, #tpu.memory_space<vmem>>, vector<16xi32>,
      %swap3A_309 = vector.shape_cast %swap3A_308 : vector<16xi32> to vector<16xi32>
      %swap3A_310 = vector.shape_cast %add3A_305 : vector<16xi32> to vector<16xi32>
      tpu.vector_store %arg7[%swap3A], %swap3A_310 {strides = array<i32>} : memref<4096xi32, #tpu.memory_space<vmem>>, vector<16xi32>,
      %scan3A_311 = arith.constant 1 : i32
      %scan3A_312 = arith.addi %scan3A_275, %scan3A_311 : i32
      %mul3A_313 = arith.constant 16 : i32
      %mul3A_314 = arith.muli %scan3A_312, %mul3A_313 : i32
      %get3A_315 = arith.index_cast %mul3A_314 : i32 to index
      %get3A_316 = tpu.vector_load %arg29[%get3A_315] {strides = array<i32>} : memref<4096xf32, #tpu.memory_space<vmem>>, vector<16xf32>,
      %get3A_317 = vector.shape_cast %get3A_316 : vector<16xf32> to vector<16xf32>
      %mul3A_318 = arith.constant 16 : i32
      %mul3A_319 = arith.muli %scan3A_312, %mul3A_318 : i32
      %get3A_320 = arith.index_cast %mul3A_319 : i32 to index
      %get3A_321 = tpu.vector_load %arg33[%get3A_320] {strides = array<i32>} : memref<4096xf32, #tpu.memory_space<vmem>>, vector<16xf32>,
      %get3A_322 = vector.shape_cast %get3A_321 : vector<16xf32> to vector<16xf32>
      %sub3A_323 = arith.subf %get3A_317, %get3A_6 : vector<16xf32>
      %div3A_324 = arith.divf %sub3A_323, %get3A_16 : vector<16xf32>
      %jit3A_325 = arith.constant 0.000000e+00 : f32
      %jit3A_326 = arith.constant 1.000000e+00 : f32
      %max3A_327 = vector.broadcast %jit3A_325 : f32 to vector<16xf32>
      %max3A_328 = arith.maximumf %max3A_327, %div3A_324 : vector<16xf32>
      %min3A_329 = vector.broadcast %jit3A_326 : f32 to vector<16xf32>
      %min3A_330 = arith.minimumf %min3A_329, %max3A_328 : vector<16xf32>
      %sub3A_331 = arith.subf %get3A_322, %get3A_11 : vector<16xf32>
      %div3A_332 = arith.divf %sub3A_331, %get3A_21 : vector<16xf32>
      %jit3A_333 = arith.constant 0.000000e+00 : f32
      %jit3A_334 = arith.constant 1.000000e+00 : f32
      %max3A_335 = vector.broadcast %jit3A_333 : f32 to vector<16xf32>
      %max3A_336 = arith.maximumf %max3A_335, %div3A_332 : vector<16xf32>
      %min3A_337 = vector.broadcast %jit3A_334 : f32 to vector<16xf32>
      %min3A_338 = arith.minimumf %min3A_337, %max3A_336 : vector<16xf32>
      %mul3A_339 = vector.broadcast %scan3A_38 : f32 to vector<16xf32>
      %mul3A_340 = arith.mulf %min3A_330, %mul3A_339 : vector<16xf32>
      %convert_element_type3A_341 = arith.fptosi %mul3A_340 : vector<16xf32> to vector<16xi32>
      %mul3A_342 = vector.broadcast %scan3A_39 : f32 to vector<16xf32>
      %mul3A_343 = arith.mulf %min3A_338, %mul3A_342 : vector<16xf32>
      %convert_element_type3A_344 = arith.fptosi %mul3A_343 : vector<16xf32> to vector<16xi32>
      %mul3A_345 = arith.constant 4096 : i32
      %mul3A_346 = vector.broadcast %mul3A_345 : i32 to vector<16xi32>
      %mul3A_347 = arith.muli %convert_element_type3A_341, %mul3A_346 : vector<16xi32>
      %add3A_348 = arith.addi %mul3A_347, %convert_element_type3A_344 : vector<16xi32>
      %mul3A_349 = arith.constant 16 : i32
      %mul3A_350 = arith.muli %scan3A_312, %mul3A_349 : i32
      %swap3A_351 = arith.index_cast %mul3A_350 : i32 to index
      %swap3A_352 = tpu.vector_load %arg7[%swap3A_351] {strides = array<i32>} : memref<4096xi32, #tpu.memory_space<vmem>>, vector<16xi32>,
      %swap3A_353 = vector.shape_cast %swap3A_352 : vector<16xi32> to vector<16xi32>
      %swap3A_354 = vector.shape_cast %add3A_348 : vector<16xi32> to vector<16xi32>
      tpu.vector_store %arg7[%swap3A_351], %swap3A_354 {strides = array<i32>} : memref<4096xi32, #tpu.memory_space<vmem>>, vector<16xi32>,
      %scan3A_355 = arith.constant 2 : i32
      %scan3A_356 = arith.addi %scan3A_275, %scan3A_355 : i32
      %mul3A_357 = arith.constant 16 : i32
      %mul3A_358 = arith.muli %scan3A_356, %mul3A_357 : i32
      %get3A_359 = arith.index_cast %mul3A_358 : i32 to index
      %get3A_360 = tpu.vector_load %arg29[%get3A_359] {strides = array<i32>} : memref<4096xf32, #tpu.memory_space<vmem>>, vector<16xf32>,
      %get3A_361 = vector.shape_cast %get3A_360 : vector<16xf32> to vector<16xf32>
      %mul3A_362 = arith.constant 16 : i32
      %mul3A_363 = arith.muli %scan3A_356, %mul3A_362 : i32
      %get3A_364 = arith.index_cast %mul3A_363 : i32 to index
      %get3A_365 = tpu.vector_load %arg33[%get3A_364] {strides = array<i32>} : memref<4096xf32, #tpu.memory_space<vmem>>, vector<16xf32>,
      %get3A_366 = vector.shape_cast %get3A_365 : vector<16xf32> to vector<16xf32>
      %sub3A_367 = arith.subf %get3A_361, %get3A_6 : vector<16xf32>
      %div3A_368 = arith.divf %sub3A_367, %get3A_16 : vector<16xf32>
      %jit3A_369 = arith.constant 0.000000e+00 : f32
      %jit3A_370 = arith.constant 1.000000e+00 : f32
      %max3A_371 = vector.broadcast %jit3A_369 : f32 to vector<16xf32>
      %max3A_372 = arith.maximumf %max3A_371, %div3A_368 : vector<16xf32>
      %min3A_373 = vector.broadcast %jit3A_370 : f32 to vector<16xf32>
      %min3A_374 = arith.minimumf %min3A_373, %max3A_372 : vector<16xf32>
      %sub3A_375 = arith.subf %get3A_366, %get3A_11 : vector<16xf32>
      %div3A_376 = arith.divf %sub3A_375, %get3A_21 : vector<16xf32>
      %jit3A_377 = arith.constant 0.000000e+00 : f32
      %jit3A_378 = arith.constant 1.000000e+00 : f32
      %max3A_379 = vector.broadcast %jit3A_377 : f32 to vector<16xf32>
      %max3A_380 = arith.maximumf %max3A_379, %div3A_376 : vector<16xf32>
      %min3A_381 = vector.broadcast %jit3A_378 : f32 to vector<16xf32>
      %min3A_382 = arith.minimumf %min3A_381, %max3A_380 : vector<16xf32>
      %mul3A_383 = vector.broadcast %scan3A_38 : f32 to vector<16xf32>
      %mul3A_384 = arith.mulf %min3A_374, %mul3A_383 : vector<16xf32>
      %convert_element_type3A_385 = arith.fptosi %mul3A_384 : vector<16xf32> to vector<16xi32>
      %mul3A_386 = vector.broadcast %scan3A_39 : f32 to vector<16xf32>
      %mul3A_387 = arith.mulf %min3A_382, %mul3A_386 : vector<16xf32>
      %convert_element_type3A_388 = arith.fptosi %mul3A_387 : vector<16xf32> to vector<16xi32>
      %mul3A_389 = arith.constant 4096 : i32
      %mul3A_390 = vector.broadcast %mul3A_389 : i32 to vector<16xi32>
      %mul3A_391 = arith.muli %convert_element_type3A_385, %mul3A_390 : vector<16xi32>
      %add3A_392 = arith.addi %mul3A_391, %convert_element_type3A_388 : vector<16xi32>
      %mul3A_393 = arith.constant 16 : i32
      %mul3A_394 = arith.muli %scan3A_356, %mul3A_393 : i32
      %swap3A_395 = arith.index_cast %mul3A_394 : i32 to index
      %swap3A_396 = tpu.vector_load %arg7[%swap3A_395] {strides = array<i32>} : memref<4096xi32, #tpu.memory_space<vmem>>, vector<16xi32>,
      %swap3A_397 = vector.shape_cast %swap3A_396 : vector<16xi32> to vector<16xi32>
      %swap3A_398 = vector.shape_cast %add3A_392 : vector<16xi32> to vector<16xi32>
      tpu.vector_store %arg7[%swap3A_395], %swap3A_398 {strides = array<i32>} : memref<4096xi32, #tpu.memory_space<vmem>>, vector<16xi32>,
      %scan3A_399 = arith.constant 3 : i32
      %scan3A_400 = arith.addi %scan3A_275, %scan3A_399 : i32
      %mul3A_401 = arith.constant 16 : i32
      %mul3A_402 = arith.muli %scan3A_400, %mul3A_401 : i32
      %get3A_403 = arith.index_cast %mul3A_402 : i32 to index
      %get3A_404 = tpu.vector_load %arg29[%get3A_403] {strides = array<i32>} : memref<4096xf32, #tpu.memory_space<vmem>>, vector<16xf32>,
      %get3A_405 = vector.shape_cast %get3A_404 : vector<16xf32> to vector<16xf32>
      %mul3A_406 = arith.constant 16 : i32
      %mul3A_407 = arith.muli %scan3A_400, %mul3A_406 : i32
      %get3A_408 = arith.index_cast %mul3A_407 : i32 to index
      %get3A_409 = tpu.vector_load %arg33[%get3A_408] {strides = array<i32>} : memref<4096xf32, #tpu.memory_space<vmem>>, vector<16xf32>,
      %get3A_410 = vector.shape_cast %get3A_409 : vector<16xf32> to vector<16xf32>
      %sub3A_411 = arith.subf %get3A_405, %get3A_6 : vector<16xf32>
      %div3A_412 = arith.divf %sub3A_411, %get3A_16 : vector<16xf32>
      %jit3A_413 = arith.constant 0.000000e+00 : f32
      %jit3A_414 = arith.constant 1.000000e+00 : f32
      %max3A_415 = vector.broadcast %jit3A_413 : f32 to vector<16xf32>
      %max3A_416 = arith.maximumf %max3A_415, %div3A_412 : vector<16xf32>
      %min3A_417 = vector.broadcast %jit3A_414 : f32 to vector<16xf32>
      %min3A_418 = arith.minimumf %min3A_417, %max3A_416 : vector<16xf32>
      %sub3A_419 = arith.subf %get3A_410, %get3A_11 : vector<16xf32>
      %div3A_420 = arith.divf %sub3A_419, %get3A_21 : vector<16xf32>
      %jit3A_421 = arith.constant 0.000000e+00 : f32
      %jit3A_422 = arith.constant 1.000000e+00 : f32
      %max3A_423 = vector.broadcast %jit3A_421 : f32 to vector<16xf32>
      %max3A_424 = arith.maximumf %max3A_423, %div3A_420 : vector<16xf32>
      %min3A_425 = vector.broadcast %jit3A_422 : f32 to vector<16xf32>
      %min3A_426 = arith.minimumf %min3A_425, %max3A_424 : vector<16xf32>
      %mul3A_427 = vector.broadcast %scan3A_38 : f32 to vector<16xf32>
      %mul3A_428 = arith.mulf %min3A_418, %mul3A_427 : vector<16xf32>
      %convert_element_type3A_429 = arith.fptosi %mul3A_428 : vector<16xf32> to vector<16xi32>
      %mul3A_430 = vector.broadcast %scan3A_39 : f32 to vector<16xf32>
      %mul3A_431 = arith.mulf %min3A_426, %mul3A_430 : vector<16xf32>
      %convert_element_type3A_432 = arith.fptosi %mul3A_431 : vector<16xf32> to vector<16xi32>
      %mul3A_433 = arith.constant 4096 : i32
      %mul3A_434 = vector.broadcast %mul3A_433 : i32 to vector<16xi32>
      %mul3A_435 = arith.muli %convert_element_type3A_429, %mul3A_434 : vector<16xi32>
      %add3A_436 = arith.addi %mul3A_435, %convert_element_type3A_432 : vector<16xi32>
      %mul3A_437 = arith.constant 16 : i32
      %mul3A_438 = arith.muli %scan3A_400, %mul3A_437 : i32
      %swap3A_439 = arith.index_cast %mul3A_438 : i32 to index
      %swap3A_440 = tpu.vector_load %arg7[%swap3A_439] {strides = array<i32>} : memref<4096xi32, #tpu.memory_space<vmem>>, vector<16xi32>,
      %swap3A_441 = vector.shape_cast %swap3A_440 : vector<16xi32> to vector<16xi32>
      %swap3A_442 = vector.shape_cast %add3A_436 : vector<16xi32> to vector<16xi32>
      tpu.vector_store %arg7[%swap3A_439], %swap3A_442 {strides = array<i32>} : memref<4096xi32, #tpu.memory_space<vmem>>, vector<16xi32>,
    }
    %scan3A_44 = arith.constant 256 : i32
    %dma_start3A_45 = arith.constant 0 : i32
    %dma_start3A_46 = tpu.memref_slice %arg4[%dma_start3A_45] : memref<16777216xf32, #tpu.memory_space<hbm>> -> memref<16777216xf32, #tpu.memory_space<hbm>>
    tpu.enqueue_indirect_dma source(%dma_start3A_46 : memref<16777216xf32, #tpu.memory_space<hbm>>) target(%arg25 : memref<4096xf32, #tpu.memory_space<vmem>>) offsets(%arg7 : memref<4096xi32, #tpu.memory_space<vmem>>) semaphore(%arg12 : memref<!tpu.dma_semaphore, #tpu.memory_space<semaphore_mem>>)
    %add3A_47 = arith.constant 4096 : i32
    %add3A_48 = arith.addi %mul3A_2, %add3A_47 : i32
    %dma_wait3A_49 = tpu.memref_slice %arg2[%add3A_48] : memref<1048576xf32, #tpu.memory_space<hbm>> -> memref<4096xf32, #tpu.memory_space<hbm>>
    %dma_wait3A_50 = tpu.memref_slice %arg2[%add3A_48] : memref<1048576xf32, #tpu.memory_space<hbm>> -> memref<4096xf32, #tpu.memory_space<hbm>>
    tpu.wait_dma2 semaphore(%arg22 : memref<!tpu.dma_semaphore, #tpu.memory_space<semaphore_mem>>) src(%dma_wait3A_50 : memref<4096xf32, #tpu.memory_space<hbm>>) dst(%arg30 : memref<4096xf32, #tpu.memory_space<vmem>>)
    %dma_wait3A_51 = tpu.memref_slice %arg3[%add3A_48] : memref<1048576xf32, #tpu.memory_space<hbm>> -> memref<4096xf32, #tpu.memory_space<hbm>>
    %dma_wait3A_52 = tpu.memref_slice %arg3[%add3A_48] : memref<1048576xf32, #tpu.memory_space<hbm>> -> memref<4096xf32, #tpu.memory_space<hbm>>
    tpu.wait_dma2 semaphore(%arg22 : memref<!tpu.dma_semaphore, #tpu.memory_space<semaphore_mem>>) src(%dma_wait3A_52 : memref<4096xf32, #tpu.memory_space<hbm>>) dst(%arg34 : memref<4096xf32, #tpu.memory_space<vmem>>)
    %scan3A_53 = arith.constant 0 : i32
    %scan3A_54 = arith.constant 4.095000e+03 : f32
    %scan3A_55 = arith.constant 4.095000e+03 : f32
    %scan3A_56 = arith.constant 0 : i32
    %scan3A_57 = arith.constant 256 : i32
    %scan3A_58 = arith.addi %scan3A_56, %scan3A_57 : i32
    %scan3A_59 = arith.constant 4 : i32
    scf.for %scan3A_275 = %scan3A_56 to %scan3A_58 step %scan3A_59  : i32 {
      %mul3A_276 = arith.constant 16 : i32
      %mul3A_277 = arith.muli %scan3A_275, %mul3A_276 : i32
      %get3A_278 = arith.index_cast %mul3A_277 : i32 to index
      %get3A_279 = tpu.vector_load %arg30[%get3A_278] {strides = array<i32>} : memref<4096xf32, #tpu.memory_space<vmem>>, vector<16xf32>,
      %get3A_280 = vector.shape_cast %get3A_279 : vector<16xf32> to vector<16xf32>
      %mul3A_281 = arith.constant 16 : i32
      %mul3A_282 = arith.muli %scan3A_275, %mul3A_281 : i32
      %get3A_283 = arith.index_cast %mul3A_282 : i32 to index
      %get3A_284 = tpu.vector_load %arg34[%get3A_283] {strides = array<i32>} : memref<4096xf32, #tpu.memory_space<vmem>>, vector<16xf32>,
      %get3A_285 = vector.shape_cast %get3A_284 : vector<16xf32> to vector<16xf32>
      %sub3A = arith.subf %get3A_280, %get3A_6 : vector<16xf32>
      %div3A = arith.divf %sub3A, %get3A_16 : vector<16xf32>
      %jit3A = arith.constant 0.000000e+00 : f32
      %jit3A_286 = arith.constant 1.000000e+00 : f32
      %max3A = vector.broadcast %jit3A : f32 to vector<16xf32>
      %max3A_287 = arith.maximumf %max3A, %div3A : vector<16xf32>
      %min3A = vector.broadcast %jit3A_286 : f32 to vector<16xf32>
      %min3A_288 = arith.minimumf %min3A, %max3A_287 : vector<16xf32>
      %sub3A_289 = arith.subf %get3A_285, %get3A_11 : vector<16xf32>
      %div3A_290 = arith.divf %sub3A_289, %get3A_21 : vector<16xf32>
      %jit3A_291 = arith.constant 0.000000e+00 : f32
      %jit3A_292 = arith.constant 1.000000e+00 : f32
      %max3A_293 = vector.broadcast %jit3A_291 : f32 to vector<16xf32>
      %max3A_294 = arith.maximumf %max3A_293, %div3A_290 : vector<16xf32>
      %min3A_295 = vector.broadcast %jit3A_292 : f32 to vector<16xf32>
      %min3A_296 = arith.minimumf %min3A_295, %max3A_294 : vector<16xf32>
      %mul3A_297 = vector.broadcast %scan3A_54 : f32 to vector<16xf32>
      %mul3A_298 = arith.mulf %min3A_288, %mul3A_297 : vector<16xf32>
      %convert_element_type3A = arith.fptosi %mul3A_298 : vector<16xf32> to vector<16xi32>
      %mul3A_299 = vector.broadcast %scan3A_55 : f32 to vector<16xf32>
      %mul3A_300 = arith.mulf %min3A_296, %mul3A_299 : vector<16xf32>
      %convert_element_type3A_301 = arith.fptosi %mul3A_300 : vector<16xf32> to vector<16xi32>
      %mul3A_302 = arith.constant 4096 : i32
      %mul3A_303 = vector.broadcast %mul3A_302 : i32 to vector<16xi32>
      %mul3A_304 = arith.muli %convert_element_type3A, %mul3A_303 : vector<16xi32>
      %add3A_305 = arith.addi %mul3A_304, %convert_element_type3A_301 : vector<16xi32>
      %mul3A_306 = arith.constant 16 : i32
      %mul3A_307 = arith.muli %scan3A_275, %mul3A_306 : i32
      %swap3A = arith.index_cast %mul3A_307 : i32 to index
      %swap3A_308 = tpu.vector_load %arg8[%swap3A] {strides = array<i32>} : memref<4096xi32, #tpu.memory_space<vmem>>, vector<16xi32>,
      %swap3A_309 = vector.shape_cast %swap3A_308 : vector<16xi32> to vector<16xi32>
      %swap3A_310 = vector.shape_cast %add3A_305 : vector<16xi32> to vector<16xi32>
      tpu.vector_store %arg8[%swap3A], %swap3A_310 {strides = array<i32>} : memref<4096xi32, #tpu.memory_space<vmem>>, vector<16xi32>,
      %scan3A_311 = arith.constant 1 : i32
      %scan3A_312 = arith.addi %scan3A_275, %scan3A_311 : i32
      %mul3A_313 = arith.constant 16 : i32
      %mul3A_314 = arith.muli %scan3A_312, %mul3A_313 : i32
      %get3A_315 = arith.index_cast %mul3A_314 : i32 to index
      %get3A_316 = tpu.vector_load %arg30[%get3A_315] {strides = array<i32>} : memref<4096xf32, #tpu.memory_space<vmem>>, vector<16xf32>,
      %get3A_317 = vector.shape_cast %get3A_316 : vector<16xf32> to vector<16xf32>
      %mul3A_318 = arith.constant 16 : i32
      %mul3A_319 = arith.muli %scan3A_312, %mul3A_318 : i32
      %get3A_320 = arith.index_cast %mul3A_319 : i32 to index
      %get3A_321 = tpu.vector_load %arg34[%get3A_320] {strides = array<i32>} : memref<4096xf32, #tpu.memory_space<vmem>>, vector<16xf32>,
      %get3A_322 = vector.shape_cast %get3A_321 : vector<16xf32> to vector<16xf32>
      %sub3A_323 = arith.subf %get3A_317, %get3A_6 : vector<16xf32>
      %div3A_324 = arith.divf %sub3A_323, %get3A_16 : vector<16xf32>
      %jit3A_325 = arith.constant 0.000000e+00 : f32
      %jit3A_326 = arith.constant 1.000000e+00 : f32
      %max3A_327 = vector.broadcast %jit3A_325 : f32 to vector<16xf32>
      %max3A_328 = arith.maximumf %max3A_327, %div3A_324 : vector<16xf32>
      %min3A_329 = vector.broadcast %jit3A_326 : f32 to vector<16xf32>
      %min3A_330 = arith.minimumf %min3A_329, %max3A_328 : vector<16xf32>
      %sub3A_331 = arith.subf %get3A_322, %get3A_11 : vector<16xf32>
      %div3A_332 = arith.divf %sub3A_331, %get3A_21 : vector<16xf32>
      %jit3A_333 = arith.constant 0.000000e+00 : f32
      %jit3A_334 = arith.constant 1.000000e+00 : f32
      %max3A_335 = vector.broadcast %jit3A_333 : f32 to vector<16xf32>
      %max3A_336 = arith.maximumf %max3A_335, %div3A_332 : vector<16xf32>
      %min3A_337 = vector.broadcast %jit3A_334 : f32 to vector<16xf32>
      %min3A_338 = arith.minimumf %min3A_337, %max3A_336 : vector<16xf32>
      %mul3A_339 = vector.broadcast %scan3A_54 : f32 to vector<16xf32>
      %mul3A_340 = arith.mulf %min3A_330, %mul3A_339 : vector<16xf32>
      %convert_element_type3A_341 = arith.fptosi %mul3A_340 : vector<16xf32> to vector<16xi32>
      %mul3A_342 = vector.broadcast %scan3A_55 : f32 to vector<16xf32>
      %mul3A_343 = arith.mulf %min3A_338, %mul3A_342 : vector<16xf32>
      %convert_element_type3A_344 = arith.fptosi %mul3A_343 : vector<16xf32> to vector<16xi32>
      %mul3A_345 = arith.constant 4096 : i32
      %mul3A_346 = vector.broadcast %mul3A_345 : i32 to vector<16xi32>
      %mul3A_347 = arith.muli %convert_element_type3A_341, %mul3A_346 : vector<16xi32>
      %add3A_348 = arith.addi %mul3A_347, %convert_element_type3A_344 : vector<16xi32>
      %mul3A_349 = arith.constant 16 : i32
      %mul3A_350 = arith.muli %scan3A_312, %mul3A_349 : i32
      %swap3A_351 = arith.index_cast %mul3A_350 : i32 to index
      %swap3A_352 = tpu.vector_load %arg8[%swap3A_351] {strides = array<i32>} : memref<4096xi32, #tpu.memory_space<vmem>>, vector<16xi32>,
      %swap3A_353 = vector.shape_cast %swap3A_352 : vector<16xi32> to vector<16xi32>
      %swap3A_354 = vector.shape_cast %add3A_348 : vector<16xi32> to vector<16xi32>
      tpu.vector_store %arg8[%swap3A_351], %swap3A_354 {strides = array<i32>} : memref<4096xi32, #tpu.memory_space<vmem>>, vector<16xi32>,
      %scan3A_355 = arith.constant 2 : i32
      %scan3A_356 = arith.addi %scan3A_275, %scan3A_355 : i32
      %mul3A_357 = arith.constant 16 : i32
      %mul3A_358 = arith.muli %scan3A_356, %mul3A_357 : i32
      %get3A_359 = arith.index_cast %mul3A_358 : i32 to index
      %get3A_360 = tpu.vector_load %arg30[%get3A_359] {strides = array<i32>} : memref<4096xf32, #tpu.memory_space<vmem>>, vector<16xf32>,
      %get3A_361 = vector.shape_cast %get3A_360 : vector<16xf32> to vector<16xf32>
      %mul3A_362 = arith.constant 16 : i32
      %mul3A_363 = arith.muli %scan3A_356, %mul3A_362 : i32
      %get3A_364 = arith.index_cast %mul3A_363 : i32 to index
      %get3A_365 = tpu.vector_load %arg34[%get3A_364] {strides = array<i32>} : memref<4096xf32, #tpu.memory_space<vmem>>, vector<16xf32>,
      %get3A_366 = vector.shape_cast %get3A_365 : vector<16xf32> to vector<16xf32>
      %sub3A_367 = arith.subf %get3A_361, %get3A_6 : vector<16xf32>
      %div3A_368 = arith.divf %sub3A_367, %get3A_16 : vector<16xf32>
      %jit3A_369 = arith.constant 0.000000e+00 : f32
      %jit3A_370 = arith.constant 1.000000e+00 : f32
      %max3A_371 = vector.broadcast %jit3A_369 : f32 to vector<16xf32>
      %max3A_372 = arith.maximumf %max3A_371, %div3A_368 : vector<16xf32>
      %min3A_373 = vector.broadcast %jit3A_370 : f32 to vector<16xf32>
      %min3A_374 = arith.minimumf %min3A_373, %max3A_372 : vector<16xf32>
      %sub3A_375 = arith.subf %get3A_366, %get3A_11 : vector<16xf32>
      %div3A_376 = arith.divf %sub3A_375, %get3A_21 : vector<16xf32>
      %jit3A_377 = arith.constant 0.000000e+00 : f32
      %jit3A_378 = arith.constant 1.000000e+00 : f32
      %max3A_379 = vector.broadcast %jit3A_377 : f32 to vector<16xf32>
      %max3A_380 = arith.maximumf %max3A_379, %div3A_376 : vector<16xf32>
      %min3A_381 = vector.broadcast %jit3A_378 : f32 to vector<16xf32>
      %min3A_382 = arith.minimumf %min3A_381, %max3A_380 : vector<16xf32>
      %mul3A_383 = vector.broadcast %scan3A_54 : f32 to vector<16xf32>
      %mul3A_384 = arith.mulf %min3A_374, %mul3A_383 : vector<16xf32>
      %convert_element_type3A_385 = arith.fptosi %mul3A_384 : vector<16xf32> to vector<16xi32>
      %mul3A_386 = vector.broadcast %scan3A_55 : f32 to vector<16xf32>
      %mul3A_387 = arith.mulf %min3A_382, %mul3A_386 : vector<16xf32>
      %convert_element_type3A_388 = arith.fptosi %mul3A_387 : vector<16xf32> to vector<16xi32>
      %mul3A_389 = arith.constant 4096 : i32
      %mul3A_390 = vector.broadcast %mul3A_389 : i32 to vector<16xi32>
      %mul3A_391 = arith.muli %convert_element_type3A_385, %mul3A_390 : vector<16xi32>
      %add3A_392 = arith.addi %mul3A_391, %convert_element_type3A_388 : vector<16xi32>
      %mul3A_393 = arith.constant 16 : i32
      %mul3A_394 = arith.muli %scan3A_356, %mul3A_393 : i32
      %swap3A_395 = arith.index_cast %mul3A_394 : i32 to index
      %swap3A_396 = tpu.vector_load %arg8[%swap3A_395] {strides = array<i32>} : memref<4096xi32, #tpu.memory_space<vmem>>, vector<16xi32>,
      %swap3A_397 = vector.shape_cast %swap3A_396 : vector<16xi32> to vector<16xi32>
      %swap3A_398 = vector.shape_cast %add3A_392 : vector<16xi32> to vector<16xi32>
      tpu.vector_store %arg8[%swap3A_395], %swap3A_398 {strides = array<i32>} : memref<4096xi32, #tpu.memory_space<vmem>>, vector<16xi32>,
      %scan3A_399 = arith.constant 3 : i32
      %scan3A_400 = arith.addi %scan3A_275, %scan3A_399 : i32
      %mul3A_401 = arith.constant 16 : i32
      %mul3A_402 = arith.muli %scan3A_400, %mul3A_401 : i32
      %get3A_403 = arith.index_cast %mul3A_402 : i32 to index
      %get3A_404 = tpu.vector_load %arg30[%get3A_403] {strides = array<i32>} : memref<4096xf32, #tpu.memory_space<vmem>>, vector<16xf32>,
      %get3A_405 = vector.shape_cast %get3A_404 : vector<16xf32> to vector<16xf32>
      %mul3A_406 = arith.constant 16 : i32
      %mul3A_407 = arith.muli %scan3A_400, %mul3A_406 : i32
      %get3A_408 = arith.index_cast %mul3A_407 : i32 to index
      %get3A_409 = tpu.vector_load %arg34[%get3A_408] {strides = array<i32>} : memref<4096xf32, #tpu.memory_space<vmem>>, vector<16xf32>,
      %get3A_410 = vector.shape_cast %get3A_409 : vector<16xf32> to vector<16xf32>
      %sub3A_411 = arith.subf %get3A_405, %get3A_6 : vector<16xf32>
      %div3A_412 = arith.divf %sub3A_411, %get3A_16 : vector<16xf32>
      %jit3A_413 = arith.constant 0.000000e+00 : f32
      %jit3A_414 = arith.constant 1.000000e+00 : f32
      %max3A_415 = vector.broadcast %jit3A_413 : f32 to vector<16xf32>
      %max3A_416 = arith.maximumf %max3A_415, %div3A_412 : vector<16xf32>
      %min3A_417 = vector.broadcast %jit3A_414 : f32 to vector<16xf32>
      %min3A_418 = arith.minimumf %min3A_417, %max3A_416 : vector<16xf32>
      %sub3A_419 = arith.subf %get3A_410, %get3A_11 : vector<16xf32>
      %div3A_420 = arith.divf %sub3A_419, %get3A_21 : vector<16xf32>
      %jit3A_421 = arith.constant 0.000000e+00 : f32
      %jit3A_422 = arith.constant 1.000000e+00 : f32
      %max3A_423 = vector.broadcast %jit3A_421 : f32 to vector<16xf32>
      %max3A_424 = arith.maximumf %max3A_423, %div3A_420 : vector<16xf32>
      %min3A_425 = vector.broadcast %jit3A_422 : f32 to vector<16xf32>
      %min3A_426 = arith.minimumf %min3A_425, %max3A_424 : vector<16xf32>
      %mul3A_427 = vector.broadcast %scan3A_54 : f32 to vector<16xf32>
      %mul3A_428 = arith.mulf %min3A_418, %mul3A_427 : vector<16xf32>
      %convert_element_type3A_429 = arith.fptosi %mul3A_428 : vector<16xf32> to vector<16xi32>
      %mul3A_430 = vector.broadcast %scan3A_55 : f32 to vector<16xf32>
      %mul3A_431 = arith.mulf %min3A_426, %mul3A_430 : vector<16xf32>
      %convert_element_type3A_432 = arith.fptosi %mul3A_431 : vector<16xf32> to vector<16xi32>
      %mul3A_433 = arith.constant 4096 : i32
      %mul3A_434 = vector.broadcast %mul3A_433 : i32 to vector<16xi32>
      %mul3A_435 = arith.muli %convert_element_type3A_429, %mul3A_434 : vector<16xi32>
      %add3A_436 = arith.addi %mul3A_435, %convert_element_type3A_432 : vector<16xi32>
      %mul3A_437 = arith.constant 16 : i32
      %mul3A_438 = arith.muli %scan3A_400, %mul3A_437 : i32
      %swap3A_439 = arith.index_cast %mul3A_438 : i32 to index
      %swap3A_440 = tpu.vector_load %arg8[%swap3A_439] {strides = array<i32>} : memref<4096xi32, #tpu.memory_space<vmem>>, vector<16xi32>,
      %swap3A_441 = vector.shape_cast %swap3A_440 : vector<16xi32> to vector<16xi32>
      %swap3A_442 = vector.shape_cast %add3A_436 : vector<16xi32> to vector<16xi32>
      tpu.vector_store %arg8[%swap3A_439], %swap3A_442 {strides = array<i32>} : memref<4096xi32, #tpu.memory_space<vmem>>, vector<16xi32>,
    }
    %scan3A_60 = arith.constant 256 : i32
    %dma_start3A_61 = arith.constant 0 : i32
    %dma_start3A_62 = tpu.memref_slice %arg4[%dma_start3A_61] : memref<16777216xf32, #tpu.memory_space<hbm>> -> memref<16777216xf32, #tpu.memory_space<hbm>>
    tpu.enqueue_indirect_dma source(%dma_start3A_62 : memref<16777216xf32, #tpu.memory_space<hbm>>) target(%arg26 : memref<4096xf32, #tpu.memory_space<vmem>>) offsets(%arg8 : memref<4096xi32, #tpu.memory_space<vmem>>) semaphore(%arg13 : memref<!tpu.dma_semaphore, #tpu.memory_space<semaphore_mem>>)
    %add3A_63 = arith.constant 8192 : i32
    %add3A_64 = arith.addi %mul3A_2, %add3A_63 : i32
    %dma_start3A_65 = tpu.memref_slice %arg2[%add3A_64] : memref<1048576xf32, #tpu.memory_space<hbm>> -> memref<4096xf32, #tpu.memory_space<hbm>>
    %dma_start3A_66 = tpu.memref_slice %arg2[%add3A_64] : memref<1048576xf32, #tpu.memory_space<hbm>> -> memref<4096xf32, #tpu.memory_space<hbm>>
    tpu.enqueue_dma source(%dma_start3A_66 : memref<4096xf32, #tpu.memory_space<hbm>>) target(%arg31 : memref<4096xf32, #tpu.memory_space<vmem>>) target_semaphore(%arg23 : memref<!tpu.dma_semaphore, #tpu.memory_space<semaphore_mem>>)
    %dma_start3A_67 = tpu.memref_slice %arg3[%add3A_64] : memref<1048576xf32, #tpu.memory_space<hbm>> -> memref<4096xf32, #tpu.memory_space<hbm>>
    %dma_start3A_68 = tpu.memref_slice %arg3[%add3A_64] : memref<1048576xf32, #tpu.memory_space<hbm>> -> memref<4096xf32, #tpu.memory_space<hbm>>
    tpu.enqueue_dma source(%dma_start3A_68 : memref<4096xf32, #tpu.memory_space<hbm>>) target(%arg35 : memref<4096xf32, #tpu.memory_space<vmem>>) target_semaphore(%arg23 : memref<!tpu.dma_semaphore, #tpu.memory_space<semaphore_mem>>)
    %add3A_69 = arith.constant 8192 : i32
    %add3A_70 = arith.addi %mul3A_2, %add3A_69 : i32
    %dma_wait3A_71 = tpu.memref_slice %arg2[%add3A_70] : memref<1048576xf32, #tpu.memory_space<hbm>> -> memref<4096xf32, #tpu.memory_space<hbm>>
    %dma_wait3A_72 = tpu.memref_slice %arg2[%add3A_70] : memref<1048576xf32, #tpu.memory_space<hbm>> -> memref<4096xf32, #tpu.memory_space<hbm>>
    tpu.wait_dma2 semaphore(%arg23 : memref<!tpu.dma_semaphore, #tpu.memory_space<semaphore_mem>>) src(%dma_wait3A_72 : memref<4096xf32, #tpu.memory_space<hbm>>) dst(%arg31 : memref<4096xf32, #tpu.memory_space<vmem>>)
    %dma_wait3A_73 = tpu.memref_slice %arg3[%add3A_70] : memref<1048576xf32, #tpu.memory_space<hbm>> -> memref<4096xf32, #tpu.memory_space<hbm>>
    %dma_wait3A_74 = tpu.memref_slice %arg3[%add3A_70] : memref<1048576xf32, #tpu.memory_space<hbm>> -> memref<4096xf32, #tpu.memory_space<hbm>>
    tpu.wait_dma2 semaphore(%arg23 : memref<!tpu.dma_semaphore, #tpu.memory_space<semaphore_mem>>) src(%dma_wait3A_74 : memref<4096xf32, #tpu.memory_space<hbm>>) dst(%arg35 : memref<4096xf32, #tpu.memory_space<vmem>>)
    %scan3A_75 = arith.constant 0 : i32
    %scan3A_76 = arith.constant 4.095000e+03 : f32
    %scan3A_77 = arith.constant 4.095000e+03 : f32
    %scan3A_78 = arith.constant 0 : i32
    %scan3A_79 = arith.constant 256 : i32
    %scan3A_80 = arith.addi %scan3A_78, %scan3A_79 : i32
    %scan3A_81 = arith.constant 4 : i32
    scf.for %scan3A_275 = %scan3A_78 to %scan3A_80 step %scan3A_81  : i32 {
      %mul3A_276 = arith.constant 16 : i32
      %mul3A_277 = arith.muli %scan3A_275, %mul3A_276 : i32
      %get3A_278 = arith.index_cast %mul3A_277 : i32 to index
      %get3A_279 = tpu.vector_load %arg31[%get3A_278] {strides = array<i32>} : memref<4096xf32, #tpu.memory_space<vmem>>, vector<16xf32>,
      %get3A_280 = vector.shape_cast %get3A_279 : vector<16xf32> to vector<16xf32>
      %mul3A_281 = arith.constant 16 : i32
      %mul3A_282 = arith.muli %scan3A_275, %mul3A_281 : i32
      %get3A_283 = arith.index_cast %mul3A_282 : i32 to index
      %get3A_284 = tpu.vector_load %arg35[%get3A_283] {strides = array<i32>} : memref<4096xf32, #tpu.memory_space<vmem>>, vector<16xf32>,
      %get3A_285 = vector.shape_cast %get3A_284 : vector<16xf32> to vector<16xf32>
      %sub3A = arith.subf %get3A_280, %get3A_6 : vector<16xf32>
      %div3A = arith.divf %sub3A, %get3A_16 : vector<16xf32>
      %jit3A = arith.constant 0.000000e+00 : f32
      %jit3A_286 = arith.constant 1.000000e+00 : f32
      %max3A = vector.broadcast %jit3A : f32 to vector<16xf32>
      %max3A_287 = arith.maximumf %max3A, %div3A : vector<16xf32>
      %min3A = vector.broadcast %jit3A_286 : f32 to vector<16xf32>
      %min3A_288 = arith.minimumf %min3A, %max3A_287 : vector<16xf32>
      %sub3A_289 = arith.subf %get3A_285, %get3A_11 : vector<16xf32>
      %div3A_290 = arith.divf %sub3A_289, %get3A_21 : vector<16xf32>
      %jit3A_291 = arith.constant 0.000000e+00 : f32
      %jit3A_292 = arith.constant 1.000000e+00 : f32
      %max3A_293 = vector.broadcast %jit3A_291 : f32 to vector<16xf32>
      %max3A_294 = arith.maximumf %max3A_293, %div3A_290 : vector<16xf32>
      %min3A_295 = vector.broadcast %jit3A_292 : f32 to vector<16xf32>
      %min3A_296 = arith.minimumf %min3A_295, %max3A_294 : vector<16xf32>
      %mul3A_297 = vector.broadcast %scan3A_76 : f32 to vector<16xf32>
      %mul3A_298 = arith.mulf %min3A_288, %mul3A_297 : vector<16xf32>
      %convert_element_type3A = arith.fptosi %mul3A_298 : vector<16xf32> to vector<16xi32>
      %mul3A_299 = vector.broadcast %scan3A_77 : f32 to vector<16xf32>
      %mul3A_300 = arith.mulf %min3A_296, %mul3A_299 : vector<16xf32>
      %convert_element_type3A_301 = arith.fptosi %mul3A_300 : vector<16xf32> to vector<16xi32>
      %mul3A_302 = arith.constant 4096 : i32
      %mul3A_303 = vector.broadcast %mul3A_302 : i32 to vector<16xi32>
      %mul3A_304 = arith.muli %convert_element_type3A, %mul3A_303 : vector<16xi32>
      %add3A_305 = arith.addi %mul3A_304, %convert_element_type3A_301 : vector<16xi32>
      %mul3A_306 = arith.constant 16 : i32
      %mul3A_307 = arith.muli %scan3A_275, %mul3A_306 : i32
      %swap3A = arith.index_cast %mul3A_307 : i32 to index
      %swap3A_308 = tpu.vector_load %arg9[%swap3A] {strides = array<i32>} : memref<4096xi32, #tpu.memory_space<vmem>>, vector<16xi32>,
      %swap3A_309 = vector.shape_cast %swap3A_308 : vector<16xi32> to vector<16xi32>
      %swap3A_310 = vector.shape_cast %add3A_305 : vector<16xi32> to vector<16xi32>
      tpu.vector_store %arg9[%swap3A], %swap3A_310 {strides = array<i32>} : memref<4096xi32, #tpu.memory_space<vmem>>, vector<16xi32>,
      %scan3A_311 = arith.constant 1 : i32
      %scan3A_312 = arith.addi %scan3A_275, %scan3A_311 : i32
      %mul3A_313 = arith.constant 16 : i32
      %mul3A_314 = arith.muli %scan3A_312, %mul3A_313 : i32
      %get3A_315 = arith.index_cast %mul3A_314 : i32 to index
      %get3A_316 = tpu.vector_load %arg31[%get3A_315] {strides = array<i32>} : memref<4096xf32, #tpu.memory_space<vmem>>, vector<16xf32>,
      %get3A_317 = vector.shape_cast %get3A_316 : vector<16xf32> to vector<16xf32>
      %mul3A_318 = arith.constant 16 : i32
      %mul3A_319 = arith.muli %scan3A_312, %mul3A_318 : i32
      %get3A_320 = arith.index_cast %mul3A_319 : i32 to index
      %get3A_321 = tpu.vector_load %arg35[%get3A_320] {strides = array<i32>} : memref<4096xf32, #tpu.memory_space<vmem>>, vector<16xf32>,
      %get3A_322 = vector.shape_cast %get3A_321 : vector<16xf32> to vector<16xf32>
      %sub3A_323 = arith.subf %get3A_317, %get3A_6 : vector<16xf32>
      %div3A_324 = arith.divf %sub3A_323, %get3A_16 : vector<16xf32>
      %jit3A_325 = arith.constant 0.000000e+00 : f32
      %jit3A_326 = arith.constant 1.000000e+00 : f32
      %max3A_327 = vector.broadcast %jit3A_325 : f32 to vector<16xf32>
      %max3A_328 = arith.maximumf %max3A_327, %div3A_324 : vector<16xf32>
      %min3A_329 = vector.broadcast %jit3A_326 : f32 to vector<16xf32>
      %min3A_330 = arith.minimumf %min3A_329, %max3A_328 : vector<16xf32>
      %sub3A_331 = arith.subf %get3A_322, %get3A_11 : vector<16xf32>
      %div3A_332 = arith.divf %sub3A_331, %get3A_21 : vector<16xf32>
      %jit3A_333 = arith.constant 0.000000e+00 : f32
      %jit3A_334 = arith.constant 1.000000e+00 : f32
      %max3A_335 = vector.broadcast %jit3A_333 : f32 to vector<16xf32>
      %max3A_336 = arith.maximumf %max3A_335, %div3A_332 : vector<16xf32>
      %min3A_337 = vector.broadcast %jit3A_334 : f32 to vector<16xf32>
      %min3A_338 = arith.minimumf %min3A_337, %max3A_336 : vector<16xf32>
      %mul3A_339 = vector.broadcast %scan3A_76 : f32 to vector<16xf32>
      %mul3A_340 = arith.mulf %min3A_330, %mul3A_339 : vector<16xf32>
      %convert_element_type3A_341 = arith.fptosi %mul3A_340 : vector<16xf32> to vector<16xi32>
      %mul3A_342 = vector.broadcast %scan3A_77 : f32 to vector<16xf32>
      %mul3A_343 = arith.mulf %min3A_338, %mul3A_342 : vector<16xf32>
      %convert_element_type3A_344 = arith.fptosi %mul3A_343 : vector<16xf32> to vector<16xi32>
      %mul3A_345 = arith.constant 4096 : i32
      %mul3A_346 = vector.broadcast %mul3A_345 : i32 to vector<16xi32>
      %mul3A_347 = arith.muli %convert_element_type3A_341, %mul3A_346 : vector<16xi32>
      %add3A_348 = arith.addi %mul3A_347, %convert_element_type3A_344 : vector<16xi32>
      %mul3A_349 = arith.constant 16 : i32
      %mul3A_350 = arith.muli %scan3A_312, %mul3A_349 : i32
      %swap3A_351 = arith.index_cast %mul3A_350 : i32 to index
      %swap3A_352 = tpu.vector_load %arg9[%swap3A_351] {strides = array<i32>} : memref<4096xi32, #tpu.memory_space<vmem>>, vector<16xi32>,
      %swap3A_353 = vector.shape_cast %swap3A_352 : vector<16xi32> to vector<16xi32>
      %swap3A_354 = vector.shape_cast %add3A_348 : vector<16xi32> to vector<16xi32>
      tpu.vector_store %arg9[%swap3A_351], %swap3A_354 {strides = array<i32>} : memref<4096xi32, #tpu.memory_space<vmem>>, vector<16xi32>,
      %scan3A_355 = arith.constant 2 : i32
      %scan3A_356 = arith.addi %scan3A_275, %scan3A_355 : i32
      %mul3A_357 = arith.constant 16 : i32
      %mul3A_358 = arith.muli %scan3A_356, %mul3A_357 : i32
      %get3A_359 = arith.index_cast %mul3A_358 : i32 to index
      %get3A_360 = tpu.vector_load %arg31[%get3A_359] {strides = array<i32>} : memref<4096xf32, #tpu.memory_space<vmem>>, vector<16xf32>,
      %get3A_361 = vector.shape_cast %get3A_360 : vector<16xf32> to vector<16xf32>
      %mul3A_362 = arith.constant 16 : i32
      %mul3A_363 = arith.muli %scan3A_356, %mul3A_362 : i32
      %get3A_364 = arith.index_cast %mul3A_363 : i32 to index
      %get3A_365 = tpu.vector_load %arg35[%get3A_364] {strides = array<i32>} : memref<4096xf32, #tpu.memory_space<vmem>>, vector<16xf32>,
      %get3A_366 = vector.shape_cast %get3A_365 : vector<16xf32> to vector<16xf32>
      %sub3A_367 = arith.subf %get3A_361, %get3A_6 : vector<16xf32>
      %div3A_368 = arith.divf %sub3A_367, %get3A_16 : vector<16xf32>
      %jit3A_369 = arith.constant 0.000000e+00 : f32
      %jit3A_370 = arith.constant 1.000000e+00 : f32
      %max3A_371 = vector.broadcast %jit3A_369 : f32 to vector<16xf32>
      %max3A_372 = arith.maximumf %max3A_371, %div3A_368 : vector<16xf32>
      %min3A_373 = vector.broadcast %jit3A_370 : f32 to vector<16xf32>
      %min3A_374 = arith.minimumf %min3A_373, %max3A_372 : vector<16xf32>
      %sub3A_375 = arith.subf %get3A_366, %get3A_11 : vector<16xf32>
      %div3A_376 = arith.divf %sub3A_375, %get3A_21 : vector<16xf32>
      %jit3A_377 = arith.constant 0.000000e+00 : f32
      %jit3A_378 = arith.constant 1.000000e+00 : f32
      %max3A_379 = vector.broadcast %jit3A_377 : f32 to vector<16xf32>
      %max3A_380 = arith.maximumf %max3A_379, %div3A_376 : vector<16xf32>
      %min3A_381 = vector.broadcast %jit3A_378 : f32 to vector<16xf32>
      %min3A_382 = arith.minimumf %min3A_381, %max3A_380 : vector<16xf32>
      %mul3A_383 = vector.broadcast %scan3A_76 : f32 to vector<16xf32>
      %mul3A_384 = arith.mulf %min3A_374, %mul3A_383 : vector<16xf32>
      %convert_element_type3A_385 = arith.fptosi %mul3A_384 : vector<16xf32> to vector<16xi32>
      %mul3A_386 = vector.broadcast %scan3A_77 : f32 to vector<16xf32>
      %mul3A_387 = arith.mulf %min3A_382, %mul3A_386 : vector<16xf32>
      %convert_element_type3A_388 = arith.fptosi %mul3A_387 : vector<16xf32> to vector<16xi32>
      %mul3A_389 = arith.constant 4096 : i32
      %mul3A_390 = vector.broadcast %mul3A_389 : i32 to vector<16xi32>
      %mul3A_391 = arith.muli %convert_element_type3A_385, %mul3A_390 : vector<16xi32>
      %add3A_392 = arith.addi %mul3A_391, %convert_element_type3A_388 : vector<16xi32>
      %mul3A_393 = arith.constant 16 : i32
      %mul3A_394 = arith.muli %scan3A_356, %mul3A_393 : i32
      %swap3A_395 = arith.index_cast %mul3A_394 : i32 to index
      %swap3A_396 = tpu.vector_load %arg9[%swap3A_395] {strides = array<i32>} : memref<4096xi32, #tpu.memory_space<vmem>>, vector<16xi32>,
      %swap3A_397 = vector.shape_cast %swap3A_396 : vector<16xi32> to vector<16xi32>
      %swap3A_398 = vector.shape_cast %add3A_392 : vector<16xi32> to vector<16xi32>
      tpu.vector_store %arg9[%swap3A_395], %swap3A_398 {strides = array<i32>} : memref<4096xi32, #tpu.memory_space<vmem>>, vector<16xi32>,
      %scan3A_399 = arith.constant 3 : i32
      %scan3A_400 = arith.addi %scan3A_275, %scan3A_399 : i32
      %mul3A_401 = arith.constant 16 : i32
      %mul3A_402 = arith.muli %scan3A_400, %mul3A_401 : i32
      %get3A_403 = arith.index_cast %mul3A_402 : i32 to index
      %get3A_404 = tpu.vector_load %arg31[%get3A_403] {strides = array<i32>} : memref<4096xf32, #tpu.memory_space<vmem>>, vector<16xf32>,
      %get3A_405 = vector.shape_cast %get3A_404 : vector<16xf32> to vector<16xf32>
      %mul3A_406 = arith.constant 16 : i32
      %mul3A_407 = arith.muli %scan3A_400, %mul3A_406 : i32
      %get3A_408 = arith.index_cast %mul3A_407 : i32 to index
      %get3A_409 = tpu.vector_load %arg35[%get3A_408] {strides = array<i32>} : memref<4096xf32, #tpu.memory_space<vmem>>, vector<16xf32>,
      %get3A_410 = vector.shape_cast %get3A_409 : vector<16xf32> to vector<16xf32>
      %sub3A_411 = arith.subf %get3A_405, %get3A_6 : vector<16xf32>
      %div3A_412 = arith.divf %sub3A_411, %get3A_16 : vector<16xf32>
      %jit3A_413 = arith.constant 0.000000e+00 : f32
      %jit3A_414 = arith.constant 1.000000e+00 : f32
      %max3A_415 = vector.broadcast %jit3A_413 : f32 to vector<16xf32>
      %max3A_416 = arith.maximumf %max3A_415, %div3A_412 : vector<16xf32>
      %min3A_417 = vector.broadcast %jit3A_414 : f32 to vector<16xf32>
      %min3A_418 = arith.minimumf %min3A_417, %max3A_416 : vector<16xf32>
      %sub3A_419 = arith.subf %get3A_410, %get3A_11 : vector<16xf32>
      %div3A_420 = arith.divf %sub3A_419, %get3A_21 : vector<16xf32>
      %jit3A_421 = arith.constant 0.000000e+00 : f32
      %jit3A_422 = arith.constant 1.000000e+00 : f32
      %max3A_423 = vector.broadcast %jit3A_421 : f32 to vector<16xf32>
      %max3A_424 = arith.maximumf %max3A_423, %div3A_420 : vector<16xf32>
      %min3A_425 = vector.broadcast %jit3A_422 : f32 to vector<16xf32>
      %min3A_426 = arith.minimumf %min3A_425, %max3A_424 : vector<16xf32>
      %mul3A_427 = vector.broadcast %scan3A_76 : f32 to vector<16xf32>
      %mul3A_428 = arith.mulf %min3A_418, %mul3A_427 : vector<16xf32>
      %convert_element_type3A_429 = arith.fptosi %mul3A_428 : vector<16xf32> to vector<16xi32>
      %mul3A_430 = vector.broadcast %scan3A_77 : f32 to vector<16xf32>
      %mul3A_431 = arith.mulf %min3A_426, %mul3A_430 : vector<16xf32>
      %convert_element_type3A_432 = arith.fptosi %mul3A_431 : vector<16xf32> to vector<16xi32>
      %mul3A_433 = arith.constant 4096 : i32
      %mul3A_434 = vector.broadcast %mul3A_433 : i32 to vector<16xi32>
      %mul3A_435 = arith.muli %convert_element_type3A_429, %mul3A_434 : vector<16xi32>
      %add3A_436 = arith.addi %mul3A_435, %convert_element_type3A_432 : vector<16xi32>
      %mul3A_437 = arith.constant 16 : i32
      %mul3A_438 = arith.muli %scan3A_400, %mul3A_437 : i32
      %swap3A_439 = arith.index_cast %mul3A_438 : i32 to index
      %swap3A_440 = tpu.vector_load %arg9[%swap3A_439] {strides = array<i32>} : memref<4096xi32, #tpu.memory_space<vmem>>, vector<16xi32>,
      %swap3A_441 = vector.shape_cast %swap3A_440 : vector<16xi32> to vector<16xi32>
      %swap3A_442 = vector.shape_cast %add3A_436 : vector<16xi32> to vector<16xi32>
      tpu.vector_store %arg9[%swap3A_439], %swap3A_442 {strides = array<i32>} : memref<4096xi32, #tpu.memory_space<vmem>>, vector<16xi32>,
    }
    %scan3A_82 = arith.constant 256 : i32
    %dma_wait3A_83 = arith.constant 0 : i32
    %dma_wait3A_84 = tpu.memref_slice %arg4[%dma_wait3A_83] : memref<16777216xf32, #tpu.memory_space<hbm>> -> memref<16777216xf32, #tpu.memory_space<hbm>>
    tpu.wait_indirect_dma semaphore(%arg12 : memref<!tpu.dma_semaphore, #tpu.memory_space<semaphore_mem>>) src(%dma_wait3A_84 : memref<16777216xf32, #tpu.memory_space<hbm>>) dst(%arg25 : memref<4096xf32, #tpu.memory_space<vmem>>)
    %add3A_85 = arith.constant 0 : i32
    %add3A_86 = arith.addi %mul3A_2, %add3A_85 : i32
    %dma_start3A_87 = tpu.memref_slice %arg6[%add3A_86] : memref<1048576xf32, #tpu.memory_space<hbm>> -> memref<4096xf32, #tpu.memory_space<hbm>>
    %dma_start3A_88 = tpu.memref_slice %arg6[%add3A_86] : memref<1048576xf32, #tpu.memory_space<hbm>> -> memref<4096xf32, #tpu.memory_space<hbm>>
    tpu.enqueue_dma source(%arg25 : memref<4096xf32, #tpu.memory_space<vmem>>) target(%dma_start3A_88 : memref<4096xf32, #tpu.memory_space<hbm>>) target_semaphore(%arg16 : memref<!tpu.dma_semaphore, #tpu.memory_space<semaphore_mem>>)
    %dma_start3A_89 = arith.constant 0 : i32
    %dma_start3A_90 = tpu.memref_slice %arg4[%dma_start3A_89] : memref<16777216xf32, #tpu.memory_space<hbm>> -> memref<16777216xf32, #tpu.memory_space<hbm>>
    tpu.enqueue_indirect_dma source(%dma_start3A_90 : memref<16777216xf32, #tpu.memory_space<hbm>>) target(%arg27 : memref<4096xf32, #tpu.memory_space<vmem>>) offsets(%arg9 : memref<4096xi32, #tpu.memory_space<vmem>>) semaphore(%arg14 : memref<!tpu.dma_semaphore, #tpu.memory_space<semaphore_mem>>)
    %add3A_91 = arith.constant 12288 : i32
    %add3A_92 = arith.addi %mul3A_2, %add3A_91 : i32
    %dma_start3A_93 = tpu.memref_slice %arg2[%add3A_92] : memref<1048576xf32, #tpu.memory_space<hbm>> -> memref<4096xf32, #tpu.memory_space<hbm>>
    %dma_start3A_94 = tpu.memref_slice %arg2[%add3A_92] : memref<1048576xf32, #tpu.memory_space<hbm>> -> memref<4096xf32, #tpu.memory_space<hbm>>
    tpu.enqueue_dma source(%dma_start3A_94 : memref<4096xf32, #tpu.memory_space<hbm>>) target(%arg32 : memref<4096xf32, #tpu.memory_space<vmem>>) target_semaphore(%arg24 : memref<!tpu.dma_semaphore, #tpu.memory_space<semaphore_mem>>)
    %dma_start3A_95 = tpu.memref_slice %arg3[%add3A_92] : memref<1048576xf32, #tpu.memory_space<hbm>> -> memref<4096xf32, #tpu.memory_space<hbm>>
    %dma_start3A_96 = tpu.memref_slice %arg3[%add3A_92] : memref<1048576xf32, #tpu.memory_space<hbm>> -> memref<4096xf32, #tpu.memory_space<hbm>>
    tpu.enqueue_dma source(%dma_start3A_96 : memref<4096xf32, #tpu.memory_space<hbm>>) target(%arg36 : memref<4096xf32, #tpu.memory_space<vmem>>) target_semaphore(%arg24 : memref<!tpu.dma_semaphore, #tpu.memory_space<semaphore_mem>>)
    %add3A_97 = arith.constant 12288 : i32
    %add3A_98 = arith.addi %mul3A_2, %add3A_97 : i32
    %dma_wait3A_99 = tpu.memref_slice %arg2[%add3A_98] : memref<1048576xf32, #tpu.memory_space<hbm>> -> memref<4096xf32, #tpu.memory_space<hbm>>
    %dma_wait3A_100 = tpu.memref_slice %arg2[%add3A_98] : memref<1048576xf32, #tpu.memory_space<hbm>> -> memref<4096xf32, #tpu.memory_space<hbm>>
    tpu.wait_dma2 semaphore(%arg24 : memref<!tpu.dma_semaphore, #tpu.memory_space<semaphore_mem>>) src(%dma_wait3A_100 : memref<4096xf32, #tpu.memory_space<hbm>>) dst(%arg32 : memref<4096xf32, #tpu.memory_space<vmem>>)
    %dma_wait3A_101 = tpu.memref_slice %arg3[%add3A_98] : memref<1048576xf32, #tpu.memory_space<hbm>> -> memref<4096xf32, #tpu.memory_space<hbm>>
    %dma_wait3A_102 = tpu.memref_slice %arg3[%add3A_98] : memref<1048576xf32, #tpu.memory_space<hbm>> -> memref<4096xf32, #tpu.memory_space<hbm>>
    tpu.wait_dma2 semaphore(%arg24 : memref<!tpu.dma_semaphore, #tpu.memory_space<semaphore_mem>>) src(%dma_wait3A_102 : memref<4096xf32, #tpu.memory_space<hbm>>) dst(%arg36 : memref<4096xf32, #tpu.memory_space<vmem>>)
    %scan3A_103 = arith.constant 0 : i32
    %scan3A_104 = arith.constant 4.095000e+03 : f32
    %scan3A_105 = arith.constant 4.095000e+03 : f32
    %scan3A_106 = arith.constant 0 : i32
    %scan3A_107 = arith.constant 256 : i32
    %scan3A_108 = arith.addi %scan3A_106, %scan3A_107 : i32
    %scan3A_109 = arith.constant 4 : i32
    scf.for %scan3A_275 = %scan3A_106 to %scan3A_108 step %scan3A_109  : i32 {
      %mul3A_276 = arith.constant 16 : i32
      %mul3A_277 = arith.muli %scan3A_275, %mul3A_276 : i32
      %get3A_278 = arith.index_cast %mul3A_277 : i32 to index
      %get3A_279 = tpu.vector_load %arg32[%get3A_278] {strides = array<i32>} : memref<4096xf32, #tpu.memory_space<vmem>>, vector<16xf32>,
      %get3A_280 = vector.shape_cast %get3A_279 : vector<16xf32> to vector<16xf32>
      %mul3A_281 = arith.constant 16 : i32
      %mul3A_282 = arith.muli %scan3A_275, %mul3A_281 : i32
      %get3A_283 = arith.index_cast %mul3A_282 : i32 to index
      %get3A_284 = tpu.vector_load %arg36[%get3A_283] {strides = array<i32>} : memref<4096xf32, #tpu.memory_space<vmem>>, vector<16xf32>,
      %get3A_285 = vector.shape_cast %get3A_284 : vector<16xf32> to vector<16xf32>
      %sub3A = arith.subf %get3A_280, %get3A_6 : vector<16xf32>
      %div3A = arith.divf %sub3A, %get3A_16 : vector<16xf32>
      %jit3A = arith.constant 0.000000e+00 : f32
      %jit3A_286 = arith.constant 1.000000e+00 : f32
      %max3A = vector.broadcast %jit3A : f32 to vector<16xf32>
      %max3A_287 = arith.maximumf %max3A, %div3A : vector<16xf32>
      %min3A = vector.broadcast %jit3A_286 : f32 to vector<16xf32>
      %min3A_288 = arith.minimumf %min3A, %max3A_287 : vector<16xf32>
      %sub3A_289 = arith.subf %get3A_285, %get3A_11 : vector<16xf32>
      %div3A_290 = arith.divf %sub3A_289, %get3A_21 : vector<16xf32>
      %jit3A_291 = arith.constant 0.000000e+00 : f32
      %jit3A_292 = arith.constant 1.000000e+00 : f32
      %max3A_293 = vector.broadcast %jit3A_291 : f32 to vector<16xf32>
      %max3A_294 = arith.maximumf %max3A_293, %div3A_290 : vector<16xf32>
      %min3A_295 = vector.broadcast %jit3A_292 : f32 to vector<16xf32>
      %min3A_296 = arith.minimumf %min3A_295, %max3A_294 : vector<16xf32>
      %mul3A_297 = vector.broadcast %scan3A_104 : f32 to vector<16xf32>
      %mul3A_298 = arith.mulf %min3A_288, %mul3A_297 : vector<16xf32>
      %convert_element_type3A = arith.fptosi %mul3A_298 : vector<16xf32> to vector<16xi32>
      %mul3A_299 = vector.broadcast %scan3A_105 : f32 to vector<16xf32>
      %mul3A_300 = arith.mulf %min3A_296, %mul3A_299 : vector<16xf32>
      %convert_element_type3A_301 = arith.fptosi %mul3A_300 : vector<16xf32> to vector<16xi32>
      %mul3A_302 = arith.constant 4096 : i32
      %mul3A_303 = vector.broadcast %mul3A_302 : i32 to vector<16xi32>
      %mul3A_304 = arith.muli %convert_element_type3A, %mul3A_303 : vector<16xi32>
      %add3A_305 = arith.addi %mul3A_304, %convert_element_type3A_301 : vector<16xi32>
      %mul3A_306 = arith.constant 16 : i32
      %mul3A_307 = arith.muli %scan3A_275, %mul3A_306 : i32
      %swap3A = arith.index_cast %mul3A_307 : i32 to index
      %swap3A_308 = tpu.vector_load %arg10[%swap3A] {strides = array<i32>} : memref<4096xi32, #tpu.memory_space<vmem>>, vector<16xi32>,
      %swap3A_309 = vector.shape_cast %swap3A_308 : vector<16xi32> to vector<16xi32>
      %swap3A_310 = vector.shape_cast %add3A_305 : vector<16xi32> to vector<16xi32>
      tpu.vector_store %arg10[%swap3A], %swap3A_310 {strides = array<i32>} : memref<4096xi32, #tpu.memory_space<vmem>>, vector<16xi32>,
      %scan3A_311 = arith.constant 1 : i32
      %scan3A_312 = arith.addi %scan3A_275, %scan3A_311 : i32
      %mul3A_313 = arith.constant 16 : i32
      %mul3A_314 = arith.muli %scan3A_312, %mul3A_313 : i32
      %get3A_315 = arith.index_cast %mul3A_314 : i32 to index
      %get3A_316 = tpu.vector_load %arg32[%get3A_315] {strides = array<i32>} : memref<4096xf32, #tpu.memory_space<vmem>>, vector<16xf32>,
      %get3A_317 = vector.shape_cast %get3A_316 : vector<16xf32> to vector<16xf32>
      %mul3A_318 = arith.constant 16 : i32
      %mul3A_319 = arith.muli %scan3A_312, %mul3A_318 : i32
      %get3A_320 = arith.index_cast %mul3A_319 : i32 to index
      %get3A_321 = tpu.vector_load %arg36[%get3A_320] {strides = array<i32>} : memref<4096xf32, #tpu.memory_space<vmem>>, vector<16xf32>,
      %get3A_322 = vector.shape_cast %get3A_321 : vector<16xf32> to vector<16xf32>
      %sub3A_323 = arith.subf %get3A_317, %get3A_6 : vector<16xf32>
      %div3A_324 = arith.divf %sub3A_323, %get3A_16 : vector<16xf32>
      %jit3A_325 = arith.constant 0.000000e+00 : f32
      %jit3A_326 = arith.constant 1.000000e+00 : f32
      %max3A_327 = vector.broadcast %jit3A_325 : f32 to vector<16xf32>
      %max3A_328 = arith.maximumf %max3A_327, %div3A_324 : vector<16xf32>
      %min3A_329 = vector.broadcast %jit3A_326 : f32 to vector<16xf32>
      %min3A_330 = arith.minimumf %min3A_329, %max3A_328 : vector<16xf32>
      %sub3A_331 = arith.subf %get3A_322, %get3A_11 : vector<16xf32>
      %div3A_332 = arith.divf %sub3A_331, %get3A_21 : vector<16xf32>
      %jit3A_333 = arith.constant 0.000000e+00 : f32
      %jit3A_334 = arith.constant 1.000000e+00 : f32
      %max3A_335 = vector.broadcast %jit3A_333 : f32 to vector<16xf32>
      %max3A_336 = arith.maximumf %max3A_335, %div3A_332 : vector<16xf32>
      %min3A_337 = vector.broadcast %jit3A_334 : f32 to vector<16xf32>
      %min3A_338 = arith.minimumf %min3A_337, %max3A_336 : vector<16xf32>
      %mul3A_339 = vector.broadcast %scan3A_104 : f32 to vector<16xf32>
      %mul3A_340 = arith.mulf %min3A_330, %mul3A_339 : vector<16xf32>
      %convert_element_type3A_341 = arith.fptosi %mul3A_340 : vector<16xf32> to vector<16xi32>
      %mul3A_342 = vector.broadcast %scan3A_105 : f32 to vector<16xf32>
      %mul3A_343 = arith.mulf %min3A_338, %mul3A_342 : vector<16xf32>
      %convert_element_type3A_344 = arith.fptosi %mul3A_343 : vector<16xf32> to vector<16xi32>
      %mul3A_345 = arith.constant 4096 : i32
      %mul3A_346 = vector.broadcast %mul3A_345 : i32 to vector<16xi32>
      %mul3A_347 = arith.muli %convert_element_type3A_341, %mul3A_346 : vector<16xi32>
      %add3A_348 = arith.addi %mul3A_347, %convert_element_type3A_344 : vector<16xi32>
      %mul3A_349 = arith.constant 16 : i32
      %mul3A_350 = arith.muli %scan3A_312, %mul3A_349 : i32
      %swap3A_351 = arith.index_cast %mul3A_350 : i32 to index
      %swap3A_352 = tpu.vector_load %arg10[%swap3A_351] {strides = array<i32>} : memref<4096xi32, #tpu.memory_space<vmem>>, vector<16xi32>,
      %swap3A_353 = vector.shape_cast %swap3A_352 : vector<16xi32> to vector<16xi32>
      %swap3A_354 = vector.shape_cast %add3A_348 : vector<16xi32> to vector<16xi32>
      tpu.vector_store %arg10[%swap3A_351], %swap3A_354 {strides = array<i32>} : memref<4096xi32, #tpu.memory_space<vmem>>, vector<16xi32>,
      %scan3A_355 = arith.constant 2 : i32
      %scan3A_356 = arith.addi %scan3A_275, %scan3A_355 : i32
      %mul3A_357 = arith.constant 16 : i32
      %mul3A_358 = arith.muli %scan3A_356, %mul3A_357 : i32
      %get3A_359 = arith.index_cast %mul3A_358 : i32 to index
      %get3A_360 = tpu.vector_load %arg32[%get3A_359] {strides = array<i32>} : memref<4096xf32, #tpu.memory_space<vmem>>, vector<16xf32>,
      %get3A_361 = vector.shape_cast %get3A_360 : vector<16xf32> to vector<16xf32>
      %mul3A_362 = arith.constant 16 : i32
      %mul3A_363 = arith.muli %scan3A_356, %mul3A_362 : i32
      %get3A_364 = arith.index_cast %mul3A_363 : i32 to index
      %get3A_365 = tpu.vector_load %arg36[%get3A_364] {strides = array<i32>} : memref<4096xf32, #tpu.memory_space<vmem>>, vector<16xf32>,
      %get3A_366 = vector.shape_cast %get3A_365 : vector<16xf32> to vector<16xf32>
      %sub3A_367 = arith.subf %get3A_361, %get3A_6 : vector<16xf32>
      %div3A_368 = arith.divf %sub3A_367, %get3A_16 : vector<16xf32>
      %jit3A_369 = arith.constant 0.000000e+00 : f32
      %jit3A_370 = arith.constant 1.000000e+00 : f32
      %max3A_371 = vector.broadcast %jit3A_369 : f32 to vector<16xf32>
      %max3A_372 = arith.maximumf %max3A_371, %div3A_368 : vector<16xf32>
      %min3A_373 = vector.broadcast %jit3A_370 : f32 to vector<16xf32>
      %min3A_374 = arith.minimumf %min3A_373, %max3A_372 : vector<16xf32>
      %sub3A_375 = arith.subf %get3A_366, %get3A_11 : vector<16xf32>
      %div3A_376 = arith.divf %sub3A_375, %get3A_21 : vector<16xf32>
      %jit3A_377 = arith.constant 0.000000e+00 : f32
      %jit3A_378 = arith.constant 1.000000e+00 : f32
      %max3A_379 = vector.broadcast %jit3A_377 : f32 to vector<16xf32>
      %max3A_380 = arith.maximumf %max3A_379, %div3A_376 : vector<16xf32>
      %min3A_381 = vector.broadcast %jit3A_378 : f32 to vector<16xf32>
      %min3A_382 = arith.minimumf %min3A_381, %max3A_380 : vector<16xf32>
      %mul3A_383 = vector.broadcast %scan3A_104 : f32 to vector<16xf32>
      %mul3A_384 = arith.mulf %min3A_374, %mul3A_383 : vector<16xf32>
      %convert_element_type3A_385 = arith.fptosi %mul3A_384 : vector<16xf32> to vector<16xi32>
      %mul3A_386 = vector.broadcast %scan3A_105 : f32 to vector<16xf32>
      %mul3A_387 = arith.mulf %min3A_382, %mul3A_386 : vector<16xf32>
      %convert_element_type3A_388 = arith.fptosi %mul3A_387 : vector<16xf32> to vector<16xi32>
      %mul3A_389 = arith.constant 4096 : i32
      %mul3A_390 = vector.broadcast %mul3A_389 : i32 to vector<16xi32>
      %mul3A_391 = arith.muli %convert_element_type3A_385, %mul3A_390 : vector<16xi32>
      %add3A_392 = arith.addi %mul3A_391, %convert_element_type3A_388 : vector<16xi32>
      %mul3A_393 = arith.constant 16 : i32
      %mul3A_394 = arith.muli %scan3A_356, %mul3A_393 : i32
      %swap3A_395 = arith.index_cast %mul3A_394 : i32 to index
      %swap3A_396 = tpu.vector_load %arg10[%swap3A_395] {strides = array<i32>} : memref<4096xi32, #tpu.memory_space<vmem>>, vector<16xi32>,
      %swap3A_397 = vector.shape_cast %swap3A_396 : vector<16xi32> to vector<16xi32>
      %swap3A_398 = vector.shape_cast %add3A_392 : vector<16xi32> to vector<16xi32>
      tpu.vector_store %arg10[%swap3A_395], %swap3A_398 {strides = array<i32>} : memref<4096xi32, #tpu.memory_space<vmem>>, vector<16xi32>,
      %scan3A_399 = arith.constant 3 : i32
      %scan3A_400 = arith.addi %scan3A_275, %scan3A_399 : i32
      %mul3A_401 = arith.constant 16 : i32
      %mul3A_402 = arith.muli %scan3A_400, %mul3A_401 : i32
      %get3A_403 = arith.index_cast %mul3A_402 : i32 to index
      %get3A_404 = tpu.vector_load %arg32[%get3A_403] {strides = array<i32>} : memref<4096xf32, #tpu.memory_space<vmem>>, vector<16xf32>,
      %get3A_405 = vector.shape_cast %get3A_404 : vector<16xf32> to vector<16xf32>
      %mul3A_406 = arith.constant 16 : i32
      %mul3A_407 = arith.muli %scan3A_400, %mul3A_406 : i32
      %get3A_408 = arith.index_cast %mul3A_407 : i32 to index
      %get3A_409 = tpu.vector_load %arg36[%get3A_408] {strides = array<i32>} : memref<4096xf32, #tpu.memory_space<vmem>>, vector<16xf32>,
      %get3A_410 = vector.shape_cast %get3A_409 : vector<16xf32> to vector<16xf32>
      %sub3A_411 = arith.subf %get3A_405, %get3A_6 : vector<16xf32>
      %div3A_412 = arith.divf %sub3A_411, %get3A_16 : vector<16xf32>
      %jit3A_413 = arith.constant 0.000000e+00 : f32
      %jit3A_414 = arith.constant 1.000000e+00 : f32
      %max3A_415 = vector.broadcast %jit3A_413 : f32 to vector<16xf32>
      %max3A_416 = arith.maximumf %max3A_415, %div3A_412 : vector<16xf32>
      %min3A_417 = vector.broadcast %jit3A_414 : f32 to vector<16xf32>
      %min3A_418 = arith.minimumf %min3A_417, %max3A_416 : vector<16xf32>
      %sub3A_419 = arith.subf %get3A_410, %get3A_11 : vector<16xf32>
      %div3A_420 = arith.divf %sub3A_419, %get3A_21 : vector<16xf32>
      %jit3A_421 = arith.constant 0.000000e+00 : f32
      %jit3A_422 = arith.constant 1.000000e+00 : f32
      %max3A_423 = vector.broadcast %jit3A_421 : f32 to vector<16xf32>
      %max3A_424 = arith.maximumf %max3A_423, %div3A_420 : vector<16xf32>
      %min3A_425 = vector.broadcast %jit3A_422 : f32 to vector<16xf32>
      %min3A_426 = arith.minimumf %min3A_425, %max3A_424 : vector<16xf32>
      %mul3A_427 = vector.broadcast %scan3A_104 : f32 to vector<16xf32>
      %mul3A_428 = arith.mulf %min3A_418, %mul3A_427 : vector<16xf32>
      %convert_element_type3A_429 = arith.fptosi %mul3A_428 : vector<16xf32> to vector<16xi32>
      %mul3A_430 = vector.broadcast %scan3A_105 : f32 to vector<16xf32>
      %mul3A_431 = arith.mulf %min3A_426, %mul3A_430 : vector<16xf32>
      %convert_element_type3A_432 = arith.fptosi %mul3A_431 : vector<16xf32> to vector<16xi32>
      %mul3A_433 = arith.constant 4096 : i32
      %mul3A_434 = vector.broadcast %mul3A_433 : i32 to vector<16xi32>
      %mul3A_435 = arith.muli %convert_element_type3A_429, %mul3A_434 : vector<16xi32>
      %add3A_436 = arith.addi %mul3A_435, %convert_element_type3A_432 : vector<16xi32>
      %mul3A_437 = arith.constant 16 : i32
      %mul3A_438 = arith.muli %scan3A_400, %mul3A_437 : i32
      %swap3A_439 = arith.index_cast %mul3A_438 : i32 to index
      %swap3A_440 = tpu.vector_load %arg10[%swap3A_439] {strides = array<i32>} : memref<4096xi32, #tpu.memory_space<vmem>>, vector<16xi32>,
      %swap3A_441 = vector.shape_cast %swap3A_440 : vector<16xi32> to vector<16xi32>
      %swap3A_442 = vector.shape_cast %add3A_436 : vector<16xi32> to vector<16xi32>
      tpu.vector_store %arg10[%swap3A_439], %swap3A_442 {strides = array<i32>} : memref<4096xi32, #tpu.memory_space<vmem>>, vector<16xi32>,
    }
    %scan3A_110 = arith.constant 256 : i32
    %dma_wait3A_111 = arith.constant 0 : i32
    %dma_wait3A_112 = tpu.memref_slice %arg4[%dma_wait3A_111] : memref<16777216xf32, #tpu.memory_space<hbm>> -> memref<16777216xf32, #tpu.memory_space<hbm>>
    tpu.wait_indirect_dma semaphore(%arg13 : memref<!tpu.dma_semaphore, #tpu.memory_space<semaphore_mem>>) src(%dma_wait3A_112 : memref<16777216xf32, #tpu.memory_space<hbm>>) dst(%arg26 : memref<4096xf32, #tpu.memory_space<vmem>>)
    %add3A_113 = arith.constant 4096 : i32
    %add3A_114 = arith.addi %mul3A_2, %add3A_113 : i32
    %dma_start3A_115 = tpu.memref_slice %arg6[%add3A_114] : memref<1048576xf32, #tpu.memory_space<hbm>> -> memref<4096xf32, #tpu.memory_space<hbm>>
    %dma_start3A_116 = tpu.memref_slice %arg6[%add3A_114] : memref<1048576xf32, #tpu.memory_space<hbm>> -> memref<4096xf32, #tpu.memory_space<hbm>>
    tpu.enqueue_dma source(%arg26 : memref<4096xf32, #tpu.memory_space<vmem>>) target(%dma_start3A_116 : memref<4096xf32, #tpu.memory_space<hbm>>) target_semaphore(%arg17 : memref<!tpu.dma_semaphore, #tpu.memory_space<semaphore_mem>>)
    %dma_start3A_117 = arith.constant 0 : i32
    %dma_start3A_118 = tpu.memref_slice %arg4[%dma_start3A_117] : memref<16777216xf32, #tpu.memory_space<hbm>> -> memref<16777216xf32, #tpu.memory_space<hbm>>
    tpu.enqueue_indirect_dma source(%dma_start3A_118 : memref<16777216xf32, #tpu.memory_space<hbm>>) target(%arg28 : memref<4096xf32, #tpu.memory_space<vmem>>) offsets(%arg10 : memref<4096xi32, #tpu.memory_space<vmem>>) semaphore(%arg15 : memref<!tpu.dma_semaphore, #tpu.memory_space<semaphore_mem>>)
    %add3A_119 = arith.constant 16384 : i32
    %add3A_120 = arith.addi %mul3A_2, %add3A_119 : i32
    %dma_start3A_121 = tpu.memref_slice %arg2[%add3A_120] : memref<1048576xf32, #tpu.memory_space<hbm>> -> memref<4096xf32, #tpu.memory_space<hbm>>
    %dma_start3A_122 = tpu.memref_slice %arg2[%add3A_120] : memref<1048576xf32, #tpu.memory_space<hbm>> -> memref<4096xf32, #tpu.memory_space<hbm>>
    tpu.enqueue_dma source(%dma_start3A_122 : memref<4096xf32, #tpu.memory_space<hbm>>) target(%arg29 : memref<4096xf32, #tpu.memory_space<vmem>>) target_semaphore(%arg21 : memref<!tpu.dma_semaphore, #tpu.memory_space<semaphore_mem>>)
    %dma_start3A_123 = tpu.memref_slice %arg3[%add3A_120] : memref<1048576xf32, #tpu.memory_space<hbm>> -> memref<4096xf32, #tpu.memory_space<hbm>>
    %dma_start3A_124 = tpu.memref_slice %arg3[%add3A_120] : memref<1048576xf32, #tpu.memory_space<hbm>> -> memref<4096xf32, #tpu.memory_space<hbm>>
    tpu.enqueue_dma source(%dma_start3A_124 : memref<4096xf32, #tpu.memory_space<hbm>>) target(%arg33 : memref<4096xf32, #tpu.memory_space<vmem>>) target_semaphore(%arg21 : memref<!tpu.dma_semaphore, #tpu.memory_space<semaphore_mem>>)
    %add3A_125 = arith.constant 16384 : i32
    %add3A_126 = arith.addi %mul3A_2, %add3A_125 : i32
    %dma_wait3A_127 = tpu.memref_slice %arg2[%add3A_126] : memref<1048576xf32, #tpu.memory_space<hbm>> -> memref<4096xf32, #tpu.memory_space<hbm>>
    %dma_wait3A_128 = tpu.memref_slice %arg2[%add3A_126] : memref<1048576xf32, #tpu.memory_space<hbm>> -> memref<4096xf32, #tpu.memory_space<hbm>>
    tpu.wait_dma2 semaphore(%arg21 : memref<!tpu.dma_semaphore, #tpu.memory_space<semaphore_mem>>) src(%dma_wait3A_128 : memref<4096xf32, #tpu.memory_space<hbm>>) dst(%arg29 : memref<4096xf32, #tpu.memory_space<vmem>>)
    %dma_wait3A_129 = tpu.memref_slice %arg3[%add3A_126] : memref<1048576xf32, #tpu.memory_space<hbm>> -> memref<4096xf32, #tpu.memory_space<hbm>>
    %dma_wait3A_130 = tpu.memref_slice %arg3[%add3A_126] : memref<1048576xf32, #tpu.memory_space<hbm>> -> memref<4096xf32, #tpu.memory_space<hbm>>
    tpu.wait_dma2 semaphore(%arg21 : memref<!tpu.dma_semaphore, #tpu.memory_space<semaphore_mem>>) src(%dma_wait3A_130 : memref<4096xf32, #tpu.memory_space<hbm>>) dst(%arg33 : memref<4096xf32, #tpu.memory_space<vmem>>)
    %scan3A_131 = arith.constant 0 : i32
    %scan3A_132 = arith.constant 4.095000e+03 : f32
    %scan3A_133 = arith.constant 4.095000e+03 : f32
    %scan3A_134 = arith.constant 0 : i32
    %scan3A_135 = arith.constant 256 : i32
    %scan3A_136 = arith.addi %scan3A_134, %scan3A_135 : i32
    %scan3A_137 = arith.constant 4 : i32
    scf.for %scan3A_275 = %scan3A_134 to %scan3A_136 step %scan3A_137  : i32 {
      %mul3A_276 = arith.constant 16 : i32
      %mul3A_277 = arith.muli %scan3A_275, %mul3A_276 : i32
      %get3A_278 = arith.index_cast %mul3A_277 : i32 to index
      %get3A_279 = tpu.vector_load %arg29[%get3A_278] {strides = array<i32>} : memref<4096xf32, #tpu.memory_space<vmem>>, vector<16xf32>,
      %get3A_280 = vector.shape_cast %get3A_279 : vector<16xf32> to vector<16xf32>
      %mul3A_281 = arith.constant 16 : i32
      %mul3A_282 = arith.muli %scan3A_275, %mul3A_281 : i32
      %get3A_283 = arith.index_cast %mul3A_282 : i32 to index
      %get3A_284 = tpu.vector_load %arg33[%get3A_283] {strides = array<i32>} : memref<4096xf32, #tpu.memory_space<vmem>>, vector<16xf32>,
      %get3A_285 = vector.shape_cast %get3A_284 : vector<16xf32> to vector<16xf32>
      %sub3A = arith.subf %get3A_280, %get3A_6 : vector<16xf32>
      %div3A = arith.divf %sub3A, %get3A_16 : vector<16xf32>
      %jit3A = arith.constant 0.000000e+00 : f32
      %jit3A_286 = arith.constant 1.000000e+00 : f32
      %max3A = vector.broadcast %jit3A : f32 to vector<16xf32>
      %max3A_287 = arith.maximumf %max3A, %div3A : vector<16xf32>
      %min3A = vector.broadcast %jit3A_286 : f32 to vector<16xf32>
      %min3A_288 = arith.minimumf %min3A, %max3A_287 : vector<16xf32>
      %sub3A_289 = arith.subf %get3A_285, %get3A_11 : vector<16xf32>
      %div3A_290 = arith.divf %sub3A_289, %get3A_21 : vector<16xf32>
      %jit3A_291 = arith.constant 0.000000e+00 : f32
      %jit3A_292 = arith.constant 1.000000e+00 : f32
      %max3A_293 = vector.broadcast %jit3A_291 : f32 to vector<16xf32>
      %max3A_294 = arith.maximumf %max3A_293, %div3A_290 : vector<16xf32>
      %min3A_295 = vector.broadcast %jit3A_292 : f32 to vector<16xf32>
      %min3A_296 = arith.minimumf %min3A_295, %max3A_294 : vector<16xf32>
      %mul3A_297 = vector.broadcast %scan3A_132 : f32 to vector<16xf32>
      %mul3A_298 = arith.mulf %min3A_288, %mul3A_297 : vector<16xf32>
      %convert_element_type3A = arith.fptosi %mul3A_298 : vector<16xf32> to vector<16xi32>
      %mul3A_299 = vector.broadcast %scan3A_133 : f32 to vector<16xf32>
      %mul3A_300 = arith.mulf %min3A_296, %mul3A_299 : vector<16xf32>
      %convert_element_type3A_301 = arith.fptosi %mul3A_300 : vector<16xf32> to vector<16xi32>
      %mul3A_302 = arith.constant 4096 : i32
      %mul3A_303 = vector.broadcast %mul3A_302 : i32 to vector<16xi32>
      %mul3A_304 = arith.muli %convert_element_type3A, %mul3A_303 : vector<16xi32>
      %add3A_305 = arith.addi %mul3A_304, %convert_element_type3A_301 : vector<16xi32>
      %mul3A_306 = arith.constant 16 : i32
      %mul3A_307 = arith.muli %scan3A_275, %mul3A_306 : i32
      %swap3A = arith.index_cast %mul3A_307 : i32 to index
      %swap3A_308 = tpu.vector_load %arg7[%swap3A] {strides = array<i32>} : memref<4096xi32, #tpu.memory_space<vmem>>, vector<16xi32>,
      %swap3A_309 = vector.shape_cast %swap3A_308 : vector<16xi32> to vector<16xi32>
      %swap3A_310 = vector.shape_cast %add3A_305 : vector<16xi32> to vector<16xi32>
      tpu.vector_store %arg7[%swap3A], %swap3A_310 {strides = array<i32>} : memref<4096xi32, #tpu.memory_space<vmem>>, vector<16xi32>,
      %scan3A_311 = arith.constant 1 : i32
      %scan3A_312 = arith.addi %scan3A_275, %scan3A_311 : i32
      %mul3A_313 = arith.constant 16 : i32
      %mul3A_314 = arith.muli %scan3A_312, %mul3A_313 : i32
      %get3A_315 = arith.index_cast %mul3A_314 : i32 to index
      %get3A_316 = tpu.vector_load %arg29[%get3A_315] {strides = array<i32>} : memref<4096xf32, #tpu.memory_space<vmem>>, vector<16xf32>,
      %get3A_317 = vector.shape_cast %get3A_316 : vector<16xf32> to vector<16xf32>
      %mul3A_318 = arith.constant 16 : i32
      %mul3A_319 = arith.muli %scan3A_312, %mul3A_318 : i32
      %get3A_320 = arith.index_cast %mul3A_319 : i32 to index
      %get3A_321 = tpu.vector_load %arg33[%get3A_320] {strides = array<i32>} : memref<4096xf32, #tpu.memory_space<vmem>>, vector<16xf32>,
      %get3A_322 = vector.shape_cast %get3A_321 : vector<16xf32> to vector<16xf32>
      %sub3A_323 = arith.subf %get3A_317, %get3A_6 : vector<16xf32>
      %div3A_324 = arith.divf %sub3A_323, %get3A_16 : vector<16xf32>
      %jit3A_325 = arith.constant 0.000000e+00 : f32
      %jit3A_326 = arith.constant 1.000000e+00 : f32
      %max3A_327 = vector.broadcast %jit3A_325 : f32 to vector<16xf32>
      %max3A_328 = arith.maximumf %max3A_327, %div3A_324 : vector<16xf32>
      %min3A_329 = vector.broadcast %jit3A_326 : f32 to vector<16xf32>
      %min3A_330 = arith.minimumf %min3A_329, %max3A_328 : vector<16xf32>
      %sub3A_331 = arith.subf %get3A_322, %get3A_11 : vector<16xf32>
      %div3A_332 = arith.divf %sub3A_331, %get3A_21 : vector<16xf32>
      %jit3A_333 = arith.constant 0.000000e+00 : f32
      %jit3A_334 = arith.constant 1.000000e+00 : f32
      %max3A_335 = vector.broadcast %jit3A_333 : f32 to vector<16xf32>
      %max3A_336 = arith.maximumf %max3A_335, %div3A_332 : vector<16xf32>
      %min3A_337 = vector.broadcast %jit3A_334 : f32 to vector<16xf32>
      %min3A_338 = arith.minimumf %min3A_337, %max3A_336 : vector<16xf32>
      %mul3A_339 = vector.broadcast %scan3A_132 : f32 to vector<16xf32>
      %mul3A_340 = arith.mulf %min3A_330, %mul3A_339 : vector<16xf32>
      %convert_element_type3A_341 = arith.fptosi %mul3A_340 : vector<16xf32> to vector<16xi32>
      %mul3A_342 = vector.broadcast %scan3A_133 : f32 to vector<16xf32>
      %mul3A_343 = arith.mulf %min3A_338, %mul3A_342 : vector<16xf32>
      %convert_element_type3A_344 = arith.fptosi %mul3A_343 : vector<16xf32> to vector<16xi32>
      %mul3A_345 = arith.constant 4096 : i32
      %mul3A_346 = vector.broadcast %mul3A_345 : i32 to vector<16xi32>
      %mul3A_347 = arith.muli %convert_element_type3A_341, %mul3A_346 : vector<16xi32>
      %add3A_348 = arith.addi %mul3A_347, %convert_element_type3A_344 : vector<16xi32>
      %mul3A_349 = arith.constant 16 : i32
      %mul3A_350 = arith.muli %scan3A_312, %mul3A_349 : i32
      %swap3A_351 = arith.index_cast %mul3A_350 : i32 to index
      %swap3A_352 = tpu.vector_load %arg7[%swap3A_351] {strides = array<i32>} : memref<4096xi32, #tpu.memory_space<vmem>>, vector<16xi32>,
      %swap3A_353 = vector.shape_cast %swap3A_352 : vector<16xi32> to vector<16xi32>
      %swap3A_354 = vector.shape_cast %add3A_348 : vector<16xi32> to vector<16xi32>
      tpu.vector_store %arg7[%swap3A_351], %swap3A_354 {strides = array<i32>} : memref<4096xi32, #tpu.memory_space<vmem>>, vector<16xi32>,
      %scan3A_355 = arith.constant 2 : i32
      %scan3A_356 = arith.addi %scan3A_275, %scan3A_355 : i32
      %mul3A_357 = arith.constant 16 : i32
      %mul3A_358 = arith.muli %scan3A_356, %mul3A_357 : i32
      %get3A_359 = arith.index_cast %mul3A_358 : i32 to index
      %get3A_360 = tpu.vector_load %arg29[%get3A_359] {strides = array<i32>} : memref<4096xf32, #tpu.memory_space<vmem>>, vector<16xf32>,
      %get3A_361 = vector.shape_cast %get3A_360 : vector<16xf32> to vector<16xf32>
      %mul3A_362 = arith.constant 16 : i32
      %mul3A_363 = arith.muli %scan3A_356, %mul3A_362 : i32
      %get3A_364 = arith.index_cast %mul3A_363 : i32 to index
      %get3A_365 = tpu.vector_load %arg33[%get3A_364] {strides = array<i32>} : memref<4096xf32, #tpu.memory_space<vmem>>, vector<16xf32>,
      %get3A_366 = vector.shape_cast %get3A_365 : vector<16xf32> to vector<16xf32>
      %sub3A_367 = arith.subf %get3A_361, %get3A_6 : vector<16xf32>
      %div3A_368 = arith.divf %sub3A_367, %get3A_16 : vector<16xf32>
      %jit3A_369 = arith.constant 0.000000e+00 : f32
      %jit3A_370 = arith.constant 1.000000e+00 : f32
      %max3A_371 = vector.broadcast %jit3A_369 : f32 to vector<16xf32>
      %max3A_372 = arith.maximumf %max3A_371, %div3A_368 : vector<16xf32>
      %min3A_373 = vector.broadcast %jit3A_370 : f32 to vector<16xf32>
      %min3A_374 = arith.minimumf %min3A_373, %max3A_372 : vector<16xf32>
      %sub3A_375 = arith.subf %get3A_366, %get3A_11 : vector<16xf32>
      %div3A_376 = arith.divf %sub3A_375, %get3A_21 : vector<16xf32>
      %jit3A_377 = arith.constant 0.000000e+00 : f32
      %jit3A_378 = arith.constant 1.000000e+00 : f32
      %max3A_379 = vector.broadcast %jit3A_377 : f32 to vector<16xf32>
      %max3A_380 = arith.maximumf %max3A_379, %div3A_376 : vector<16xf32>
      %min3A_381 = vector.broadcast %jit3A_378 : f32 to vector<16xf32>
      %min3A_382 = arith.minimumf %min3A_381, %max3A_380 : vector<16xf32>
      %mul3A_383 = vector.broadcast %scan3A_132 : f32 to vector<16xf32>
      %mul3A_384 = arith.mulf %min3A_374, %mul3A_383 : vector<16xf32>
      %convert_element_type3A_385 = arith.fptosi %mul3A_384 : vector<16xf32> to vector<16xi32>
      %mul3A_386 = vector.broadcast %scan3A_133 : f32 to vector<16xf32>
      %mul3A_387 = arith.mulf %min3A_382, %mul3A_386 : vector<16xf32>
      %convert_element_type3A_388 = arith.fptosi %mul3A_387 : vector<16xf32> to vector<16xi32>
      %mul3A_389 = arith.constant 4096 : i32
      %mul3A_390 = vector.broadcast %mul3A_389 : i32 to vector<16xi32>
      %mul3A_391 = arith.muli %convert_element_type3A_385, %mul3A_390 : vector<16xi32>
      %add3A_392 = arith.addi %mul3A_391, %convert_element_type3A_388 : vector<16xi32>
      %mul3A_393 = arith.constant 16 : i32
      %mul3A_394 = arith.muli %scan3A_356, %mul3A_393 : i32
      %swap3A_395 = arith.index_cast %mul3A_394 : i32 to index
      %swap3A_396 = tpu.vector_load %arg7[%swap3A_395] {strides = array<i32>} : memref<4096xi32, #tpu.memory_space<vmem>>, vector<16xi32>,
      %swap3A_397 = vector.shape_cast %swap3A_396 : vector<16xi32> to vector<16xi32>
      %swap3A_398 = vector.shape_cast %add3A_392 : vector<16xi32> to vector<16xi32>
      tpu.vector_store %arg7[%swap3A_395], %swap3A_398 {strides = array<i32>} : memref<4096xi32, #tpu.memory_space<vmem>>, vector<16xi32>,
      %scan3A_399 = arith.constant 3 : i32
      %scan3A_400 = arith.addi %scan3A_275, %scan3A_399 : i32
      %mul3A_401 = arith.constant 16 : i32
      %mul3A_402 = arith.muli %scan3A_400, %mul3A_401 : i32
      %get3A_403 = arith.index_cast %mul3A_402 : i32 to index
      %get3A_404 = tpu.vector_load %arg29[%get3A_403] {strides = array<i32>} : memref<4096xf32, #tpu.memory_space<vmem>>, vector<16xf32>,
      %get3A_405 = vector.shape_cast %get3A_404 : vector<16xf32> to vector<16xf32>
      %mul3A_406 = arith.constant 16 : i32
      %mul3A_407 = arith.muli %scan3A_400, %mul3A_406 : i32
      %get3A_408 = arith.index_cast %mul3A_407 : i32 to index
      %get3A_409 = tpu.vector_load %arg33[%get3A_408] {strides = array<i32>} : memref<4096xf32, #tpu.memory_space<vmem>>, vector<16xf32>,
      %get3A_410 = vector.shape_cast %get3A_409 : vector<16xf32> to vector<16xf32>
      %sub3A_411 = arith.subf %get3A_405, %get3A_6 : vector<16xf32>
      %div3A_412 = arith.divf %sub3A_411, %get3A_16 : vector<16xf32>
      %jit3A_413 = arith.constant 0.000000e+00 : f32
      %jit3A_414 = arith.constant 1.000000e+00 : f32
      %max3A_415 = vector.broadcast %jit3A_413 : f32 to vector<16xf32>
      %max3A_416 = arith.maximumf %max3A_415, %div3A_412 : vector<16xf32>
      %min3A_417 = vector.broadcast %jit3A_414 : f32 to vector<16xf32>
      %min3A_418 = arith.minimumf %min3A_417, %max3A_416 : vector<16xf32>
      %sub3A_419 = arith.subf %get3A_410, %get3A_11 : vector<16xf32>
      %div3A_420 = arith.divf %sub3A_419, %get3A_21 : vector<16xf32>
      %jit3A_421 = arith.constant 0.000000e+00 : f32
      %jit3A_422 = arith.constant 1.000000e+00 : f32
      %max3A_423 = vector.broadcast %jit3A_421 : f32 to vector<16xf32>
      %max3A_424 = arith.maximumf %max3A_423, %div3A_420 : vector<16xf32>
      %min3A_425 = vector.broadcast %jit3A_422 : f32 to vector<16xf32>
      %min3A_426 = arith.minimumf %min3A_425, %max3A_424 : vector<16xf32>
      %mul3A_427 = vector.broadcast %scan3A_132 : f32 to vector<16xf32>
      %mul3A_428 = arith.mulf %min3A_418, %mul3A_427 : vector<16xf32>
      %convert_element_type3A_429 = arith.fptosi %mul3A_428 : vector<16xf32> to vector<16xi32>
      %mul3A_430 = vector.broadcast %scan3A_133 : f32 to vector<16xf32>
      %mul3A_431 = arith.mulf %min3A_426, %mul3A_430 : vector<16xf32>
      %convert_element_type3A_432 = arith.fptosi %mul3A_431 : vector<16xf32> to vector<16xi32>
      %mul3A_433 = arith.constant 4096 : i32
      %mul3A_434 = vector.broadcast %mul3A_433 : i32 to vector<16xi32>
      %mul3A_435 = arith.muli %convert_element_type3A_429, %mul3A_434 : vector<16xi32>
      %add3A_436 = arith.addi %mul3A_435, %convert_element_type3A_432 : vector<16xi32>
      %mul3A_437 = arith.constant 16 : i32
      %mul3A_438 = arith.muli %scan3A_400, %mul3A_437 : i32
      %swap3A_439 = arith.index_cast %mul3A_438 : i32 to index
      %swap3A_440 = tpu.vector_load %arg7[%swap3A_439] {strides = array<i32>} : memref<4096xi32, #tpu.memory_space<vmem>>, vector<16xi32>,
      %swap3A_441 = vector.shape_cast %swap3A_440 : vector<16xi32> to vector<16xi32>
      %swap3A_442 = vector.shape_cast %add3A_436 : vector<16xi32> to vector<16xi32>
      tpu.vector_store %arg7[%swap3A_439], %swap3A_442 {strides = array<i32>} : memref<4096xi32, #tpu.memory_space<vmem>>, vector<16xi32>,
    }
    %scan3A_138 = arith.constant 256 : i32
    %dma_wait3A_139 = arith.constant 0 : i32
    %dma_wait3A_140 = tpu.memref_slice %arg4[%dma_wait3A_139] : memref<16777216xf32, #tpu.memory_space<hbm>> -> memref<16777216xf32, #tpu.memory_space<hbm>>
    tpu.wait_indirect_dma semaphore(%arg14 : memref<!tpu.dma_semaphore, #tpu.memory_space<semaphore_mem>>) src(%dma_wait3A_140 : memref<16777216xf32, #tpu.memory_space<hbm>>) dst(%arg27 : memref<4096xf32, #tpu.memory_space<vmem>>)
    %add3A_141 = arith.constant 8192 : i32
    %add3A_142 = arith.addi %mul3A_2, %add3A_141 : i32
    %dma_start3A_143 = tpu.memref_slice %arg6[%add3A_142] : memref<1048576xf32, #tpu.memory_space<hbm>> -> memref<4096xf32, #tpu.memory_space<hbm>>
    %dma_start3A_144 = tpu.memref_slice %arg6[%add3A_142] : memref<1048576xf32, #tpu.memory_space<hbm>> -> memref<4096xf32, #tpu.memory_space<hbm>>
    tpu.enqueue_dma source(%arg27 : memref<4096xf32, #tpu.memory_space<vmem>>) target(%dma_start3A_144 : memref<4096xf32, #tpu.memory_space<hbm>>) target_semaphore(%arg18 : memref<!tpu.dma_semaphore, #tpu.memory_space<semaphore_mem>>)
    %add3A_145 = arith.constant 0 : i32
    %add3A_146 = arith.addi %mul3A_2, %add3A_145 : i32
    %dma_wait3A_147 = tpu.memref_slice %arg6[%add3A_146] : memref<1048576xf32, #tpu.memory_space<hbm>> -> memref<4096xf32, #tpu.memory_space<hbm>>
    %dma_wait3A_148 = tpu.memref_slice %arg6[%add3A_146] : memref<1048576xf32, #tpu.memory_space<hbm>> -> memref<4096xf32, #tpu.memory_space<hbm>>
    tpu.wait_dma2 semaphore(%arg16 : memref<!tpu.dma_semaphore, #tpu.memory_space<semaphore_mem>>) src(%arg25 : memref<4096xf32, #tpu.memory_space<vmem>>) dst(%dma_wait3A_148 : memref<4096xf32, #tpu.memory_space<hbm>>)
    %dma_start3A_149 = arith.constant 0 : i32
    %dma_start3A_150 = tpu.memref_slice %arg4[%dma_start3A_149] : memref<16777216xf32, #tpu.memory_space<hbm>> -> memref<16777216xf32, #tpu.memory_space<hbm>>
    tpu.enqueue_indirect_dma source(%dma_start3A_150 : memref<16777216xf32, #tpu.memory_space<hbm>>) target(%arg25 : memref<4096xf32, #tpu.memory_space<vmem>>) offsets(%arg7 : memref<4096xi32, #tpu.memory_space<vmem>>) semaphore(%arg12 : memref<!tpu.dma_semaphore, #tpu.memory_space<semaphore_mem>>)
    %add3A_151 = arith.constant 20480 : i32
    %add3A_152 = arith.addi %mul3A_2, %add3A_151 : i32
    %dma_start3A_153 = tpu.memref_slice %arg2[%add3A_152] : memref<1048576xf32, #tpu.memory_space<hbm>> -> memref<4096xf32, #tpu.memory_space<hbm>>
    %dma_start3A_154 = tpu.memref_slice %arg2[%add3A_152] : memref<1048576xf32, #tpu.memory_space<hbm>> -> memref<4096xf32, #tpu.memory_space<hbm>>
    tpu.enqueue_dma source(%dma_start3A_154 : memref<4096xf32, #tpu.memory_space<hbm>>) target(%arg30 : memref<4096xf32, #tpu.memory_space<vmem>>) target_semaphore(%arg22 : memref<!tpu.dma_semaphore, #tpu.memory_space<semaphore_mem>>)
    %dma_start3A_155 = tpu.memref_slice %arg3[%add3A_152] : memref<1048576xf32, #tpu.memory_space<hbm>> -> memref<4096xf32, #tpu.memory_space<hbm>>
    %dma_start3A_156 = tpu.memref_slice %arg3[%add3A_152] : memref<1048576xf32, #tpu.memory_space<hbm>> -> memref<4096xf32, #tpu.memory_space<hbm>>
    tpu.enqueue_dma source(%dma_start3A_156 : memref<4096xf32, #tpu.memory_space<hbm>>) target(%arg34 : memref<4096xf32, #tpu.memory_space<vmem>>) target_semaphore(%arg22 : memref<!tpu.dma_semaphore, #tpu.memory_space<semaphore_mem>>)
    %add3A_157 = arith.constant 20480 : i32
    %add3A_158 = arith.addi %mul3A_2, %add3A_157 : i32
    %dma_wait3A_159 = tpu.memref_slice %arg2[%add3A_158] : memref<1048576xf32, #tpu.memory_space<hbm>> -> memref<4096xf32, #tpu.memory_space<hbm>>
    %dma_wait3A_160 = tpu.memref_slice %arg2[%add3A_158] : memref<1048576xf32, #tpu.memory_space<hbm>> -> memref<4096xf32, #tpu.memory_space<hbm>>
    tpu.wait_dma2 semaphore(%arg22 : memref<!tpu.dma_semaphore, #tpu.memory_space<semaphore_mem>>) src(%dma_wait3A_160 : memref<4096xf32, #tpu.memory_space<hbm>>) dst(%arg30 : memref<4096xf32, #tpu.memory_space<vmem>>)
    %dma_wait3A_161 = tpu.memref_slice %arg3[%add3A_158] : memref<1048576xf32, #tpu.memory_space<hbm>> -> memref<4096xf32, #tpu.memory_space<hbm>>
    %dma_wait3A_162 = tpu.memref_slice %arg3[%add3A_158] : memref<1048576xf32, #tpu.memory_space<hbm>> -> memref<4096xf32, #tpu.memory_space<hbm>>
    tpu.wait_dma2 semaphore(%arg22 : memref<!tpu.dma_semaphore, #tpu.memory_space<semaphore_mem>>) src(%dma_wait3A_162 : memref<4096xf32, #tpu.memory_space<hbm>>) dst(%arg34 : memref<4096xf32, #tpu.memory_space<vmem>>)
    %scan3A_163 = arith.constant 0 : i32
    %scan3A_164 = arith.constant 4.095000e+03 : f32
    %scan3A_165 = arith.constant 4.095000e+03 : f32
    %scan3A_166 = arith.constant 0 : i32
    %scan3A_167 = arith.constant 256 : i32
    %scan3A_168 = arith.addi %scan3A_166, %scan3A_167 : i32
    %scan3A_169 = arith.constant 4 : i32
    scf.for %scan3A_275 = %scan3A_166 to %scan3A_168 step %scan3A_169  : i32 {
      %mul3A_276 = arith.constant 16 : i32
      %mul3A_277 = arith.muli %scan3A_275, %mul3A_276 : i32
      %get3A_278 = arith.index_cast %mul3A_277 : i32 to index
      %get3A_279 = tpu.vector_load %arg30[%get3A_278] {strides = array<i32>} : memref<4096xf32, #tpu.memory_space<vmem>>, vector<16xf32>,
      %get3A_280 = vector.shape_cast %get3A_279 : vector<16xf32> to vector<16xf32>
      %mul3A_281 = arith.constant 16 : i32
      %mul3A_282 = arith.muli %scan3A_275, %mul3A_281 : i32
      %get3A_283 = arith.index_cast %mul3A_282 : i32 to index
      %get3A_284 = tpu.vector_load %arg34[%get3A_283] {strides = array<i32>} : memref<4096xf32, #tpu.memory_space<vmem>>, vector<16xf32>,
      %get3A_285 = vector.shape_cast %get3A_284 : vector<16xf32> to vector<16xf32>
      %sub3A = arith.subf %get3A_280, %get3A_6 : vector<16xf32>
      %div3A = arith.divf %sub3A, %get3A_16 : vector<16xf32>
      %jit3A = arith.constant 0.000000e+00 : f32
      %jit3A_286 = arith.constant 1.000000e+00 : f32
      %max3A = vector.broadcast %jit3A : f32 to vector<16xf32>
      %max3A_287 = arith.maximumf %max3A, %div3A : vector<16xf32>
      %min3A = vector.broadcast %jit3A_286 : f32 to vector<16xf32>
      %min3A_288 = arith.minimumf %min3A, %max3A_287 : vector<16xf32>
      %sub3A_289 = arith.subf %get3A_285, %get3A_11 : vector<16xf32>
      %div3A_290 = arith.divf %sub3A_289, %get3A_21 : vector<16xf32>
      %jit3A_291 = arith.constant 0.000000e+00 : f32
      %jit3A_292 = arith.constant 1.000000e+00 : f32
      %max3A_293 = vector.broadcast %jit3A_291 : f32 to vector<16xf32>
      %max3A_294 = arith.maximumf %max3A_293, %div3A_290 : vector<16xf32>
      %min3A_295 = vector.broadcast %jit3A_292 : f32 to vector<16xf32>
      %min3A_296 = arith.minimumf %min3A_295, %max3A_294 : vector<16xf32>
      %mul3A_297 = vector.broadcast %scan3A_164 : f32 to vector<16xf32>
      %mul3A_298 = arith.mulf %min3A_288, %mul3A_297 : vector<16xf32>
      %convert_element_type3A = arith.fptosi %mul3A_298 : vector<16xf32> to vector<16xi32>
      %mul3A_299 = vector.broadcast %scan3A_165 : f32 to vector<16xf32>
      %mul3A_300 = arith.mulf %min3A_296, %mul3A_299 : vector<16xf32>
      %convert_element_type3A_301 = arith.fptosi %mul3A_300 : vector<16xf32> to vector<16xi32>
      %mul3A_302 = arith.constant 4096 : i32
      %mul3A_303 = vector.broadcast %mul3A_302 : i32 to vector<16xi32>
      %mul3A_304 = arith.muli %convert_element_type3A, %mul3A_303 : vector<16xi32>
      %add3A_305 = arith.addi %mul3A_304, %convert_element_type3A_301 : vector<16xi32>
      %mul3A_306 = arith.constant 16 : i32
      %mul3A_307 = arith.muli %scan3A_275, %mul3A_306 : i32
      %swap3A = arith.index_cast %mul3A_307 : i32 to index
      %swap3A_308 = tpu.vector_load %arg8[%swap3A] {strides = array<i32>} : memref<4096xi32, #tpu.memory_space<vmem>>, vector<16xi32>,
      %swap3A_309 = vector.shape_cast %swap3A_308 : vector<16xi32> to vector<16xi32>
      %swap3A_310 = vector.shape_cast %add3A_305 : vector<16xi32> to vector<16xi32>
      tpu.vector_store %arg8[%swap3A], %swap3A_310 {strides = array<i32>} : memref<4096xi32, #tpu.memory_space<vmem>>, vector<16xi32>,
      %scan3A_311 = arith.constant 1 : i32
      %scan3A_312 = arith.addi %scan3A_275, %scan3A_311 : i32
      %mul3A_313 = arith.constant 16 : i32
      %mul3A_314 = arith.muli %scan3A_312, %mul3A_313 : i32
      %get3A_315 = arith.index_cast %mul3A_314 : i32 to index
      %get3A_316 = tpu.vector_load %arg30[%get3A_315] {strides = array<i32>} : memref<4096xf32, #tpu.memory_space<vmem>>, vector<16xf32>,
      %get3A_317 = vector.shape_cast %get3A_316 : vector<16xf32> to vector<16xf32>
      %mul3A_318 = arith.constant 16 : i32
      %mul3A_319 = arith.muli %scan3A_312, %mul3A_318 : i32
      %get3A_320 = arith.index_cast %mul3A_319 : i32 to index
      %get3A_321 = tpu.vector_load %arg34[%get3A_320] {strides = array<i32>} : memref<4096xf32, #tpu.memory_space<vmem>>, vector<16xf32>,
      %get3A_322 = vector.shape_cast %get3A_321 : vector<16xf32> to vector<16xf32>
      %sub3A_323 = arith.subf %get3A_317, %get3A_6 : vector<16xf32>
      %div3A_324 = arith.divf %sub3A_323, %get3A_16 : vector<16xf32>
      %jit3A_325 = arith.constant 0.000000e+00 : f32
      %jit3A_326 = arith.constant 1.000000e+00 : f32
      %max3A_327 = vector.broadcast %jit3A_325 : f32 to vector<16xf32>
      %max3A_328 = arith.maximumf %max3A_327, %div3A_324 : vector<16xf32>
      %min3A_329 = vector.broadcast %jit3A_326 : f32 to vector<16xf32>
      %min3A_330 = arith.minimumf %min3A_329, %max3A_328 : vector<16xf32>
      %sub3A_331 = arith.subf %get3A_322, %get3A_11 : vector<16xf32>
      %div3A_332 = arith.divf %sub3A_331, %get3A_21 : vector<16xf32>
      %jit3A_333 = arith.constant 0.000000e+00 : f32
      %jit3A_334 = arith.constant 1.000000e+00 : f32
      %max3A_335 = vector.broadcast %jit3A_333 : f32 to vector<16xf32>
      %max3A_336 = arith.maximumf %max3A_335, %div3A_332 : vector<16xf32>
      %min3A_337 = vector.broadcast %jit3A_334 : f32 to vector<16xf32>
      %min3A_338 = arith.minimumf %min3A_337, %max3A_336 : vector<16xf32>
      %mul3A_339 = vector.broadcast %scan3A_164 : f32 to vector<16xf32>
      %mul3A_340 = arith.mulf %min3A_330, %mul3A_339 : vector<16xf32>
      %convert_element_type3A_341 = arith.fptosi %mul3A_340 : vector<16xf32> to vector<16xi32>
      %mul3A_342 = vector.broadcast %scan3A_165 : f32 to vector<16xf32>
      %mul3A_343 = arith.mulf %min3A_338, %mul3A_342 : vector<16xf32>
      %convert_element_type3A_344 = arith.fptosi %mul3A_343 : vector<16xf32> to vector<16xi32>
      %mul3A_345 = arith.constant 4096 : i32
      %mul3A_346 = vector.broadcast %mul3A_345 : i32 to vector<16xi32>
      %mul3A_347 = arith.muli %convert_element_type3A_341, %mul3A_346 : vector<16xi32>
      %add3A_348 = arith.addi %mul3A_347, %convert_element_type3A_344 : vector<16xi32>
      %mul3A_349 = arith.constant 16 : i32
      %mul3A_350 = arith.muli %scan3A_312, %mul3A_349 : i32
      %swap3A_351 = arith.index_cast %mul3A_350 : i32 to index
      %swap3A_352 = tpu.vector_load %arg8[%swap3A_351] {strides = array<i32>} : memref<4096xi32, #tpu.memory_space<vmem>>, vector<16xi32>,
      %swap3A_353 = vector.shape_cast %swap3A_352 : vector<16xi32> to vector<16xi32>
      %swap3A_354 = vector.shape_cast %add3A_348 : vector<16xi32> to vector<16xi32>
      tpu.vector_store %arg8[%swap3A_351], %swap3A_354 {strides = array<i32>} : memref<4096xi32, #tpu.memory_space<vmem>>, vector<16xi32>,
      %scan3A_355 = arith.constant 2 : i32
      %scan3A_356 = arith.addi %scan3A_275, %scan3A_355 : i32
      %mul3A_357 = arith.constant 16 : i32
      %mul3A_358 = arith.muli %scan3A_356, %mul3A_357 : i32
      %get3A_359 = arith.index_cast %mul3A_358 : i32 to index
      %get3A_360 = tpu.vector_load %arg30[%get3A_359] {strides = array<i32>} : memref<4096xf32, #tpu.memory_space<vmem>>, vector<16xf32>,
      %get3A_361 = vector.shape_cast %get3A_360 : vector<16xf32> to vector<16xf32>
      %mul3A_362 = arith.constant 16 : i32
      %mul3A_363 = arith.muli %scan3A_356, %mul3A_362 : i32
      %get3A_364 = arith.index_cast %mul3A_363 : i32 to index
      %get3A_365 = tpu.vector_load %arg34[%get3A_364] {strides = array<i32>} : memref<4096xf32, #tpu.memory_space<vmem>>, vector<16xf32>,
      %get3A_366 = vector.shape_cast %get3A_365 : vector<16xf32> to vector<16xf32>
      %sub3A_367 = arith.subf %get3A_361, %get3A_6 : vector<16xf32>
      %div3A_368 = arith.divf %sub3A_367, %get3A_16 : vector<16xf32>
      %jit3A_369 = arith.constant 0.000000e+00 : f32
      %jit3A_370 = arith.constant 1.000000e+00 : f32
      %max3A_371 = vector.broadcast %jit3A_369 : f32 to vector<16xf32>
      %max3A_372 = arith.maximumf %max3A_371, %div3A_368 : vector<16xf32>
      %min3A_373 = vector.broadcast %jit3A_370 : f32 to vector<16xf32>
      %min3A_374 = arith.minimumf %min3A_373, %max3A_372 : vector<16xf32>
      %sub3A_375 = arith.subf %get3A_366, %get3A_11 : vector<16xf32>
      %div3A_376 = arith.divf %sub3A_375, %get3A_21 : vector<16xf32>
      %jit3A_377 = arith.constant 0.000000e+00 : f32
      %jit3A_378 = arith.constant 1.000000e+00 : f32
      %max3A_379 = vector.broadcast %jit3A_377 : f32 to vector<16xf32>
      %max3A_380 = arith.maximumf %max3A_379, %div3A_376 : vector<16xf32>
      %min3A_381 = vector.broadcast %jit3A_378 : f32 to vector<16xf32>
      %min3A_382 = arith.minimumf %min3A_381, %max3A_380 : vector<16xf32>
      %mul3A_383 = vector.broadcast %scan3A_164 : f32 to vector<16xf32>
      %mul3A_384 = arith.mulf %min3A_374, %mul3A_383 : vector<16xf32>
      %convert_element_type3A_385 = arith.fptosi %mul3A_384 : vector<16xf32> to vector<16xi32>
      %mul3A_386 = vector.broadcast %scan3A_165 : f32 to vector<16xf32>
      %mul3A_387 = arith.mulf %min3A_382, %mul3A_386 : vector<16xf32>
      %convert_element_type3A_388 = arith.fptosi %mul3A_387 : vector<16xf32> to vector<16xi32>
      %mul3A_389 = arith.constant 4096 : i32
      %mul3A_390 = vector.broadcast %mul3A_389 : i32 to vector<16xi32>
      %mul3A_391 = arith.muli %convert_element_type3A_385, %mul3A_390 : vector<16xi32>
      %add3A_392 = arith.addi %mul3A_391, %convert_element_type3A_388 : vector<16xi32>
      %mul3A_393 = arith.constant 16 : i32
      %mul3A_394 = arith.muli %scan3A_356, %mul3A_393 : i32
      %swap3A_395 = arith.index_cast %mul3A_394 : i32 to index
      %swap3A_396 = tpu.vector_load %arg8[%swap3A_395] {strides = array<i32>} : memref<4096xi32, #tpu.memory_space<vmem>>, vector<16xi32>,
      %swap3A_397 = vector.shape_cast %swap3A_396 : vector<16xi32> to vector<16xi32>
      %swap3A_398 = vector.shape_cast %add3A_392 : vector<16xi32> to vector<16xi32>
      tpu.vector_store %arg8[%swap3A_395], %swap3A_398 {strides = array<i32>} : memref<4096xi32, #tpu.memory_space<vmem>>, vector<16xi32>,
      %scan3A_399 = arith.constant 3 : i32
      %scan3A_400 = arith.addi %scan3A_275, %scan3A_399 : i32
      %mul3A_401 = arith.constant 16 : i32
      %mul3A_402 = arith.muli %scan3A_400, %mul3A_401 : i32
      %get3A_403 = arith.index_cast %mul3A_402 : i32 to index
      %get3A_404 = tpu.vector_load %arg30[%get3A_403] {strides = array<i32>} : memref<4096xf32, #tpu.memory_space<vmem>>, vector<16xf32>,
      %get3A_405 = vector.shape_cast %get3A_404 : vector<16xf32> to vector<16xf32>
      %mul3A_406 = arith.constant 16 : i32
      %mul3A_407 = arith.muli %scan3A_400, %mul3A_406 : i32
      %get3A_408 = arith.index_cast %mul3A_407 : i32 to index
      %get3A_409 = tpu.vector_load %arg34[%get3A_408] {strides = array<i32>} : memref<4096xf32, #tpu.memory_space<vmem>>, vector<16xf32>,
      %get3A_410 = vector.shape_cast %get3A_409 : vector<16xf32> to vector<16xf32>
      %sub3A_411 = arith.subf %get3A_405, %get3A_6 : vector<16xf32>
      %div3A_412 = arith.divf %sub3A_411, %get3A_16 : vector<16xf32>
      %jit3A_413 = arith.constant 0.000000e+00 : f32
      %jit3A_414 = arith.constant 1.000000e+00 : f32
      %max3A_415 = vector.broadcast %jit3A_413 : f32 to vector<16xf32>
      %max3A_416 = arith.maximumf %max3A_415, %div3A_412 : vector<16xf32>
      %min3A_417 = vector.broadcast %jit3A_414 : f32 to vector<16xf32>
      %min3A_418 = arith.minimumf %min3A_417, %max3A_416 : vector<16xf32>
      %sub3A_419 = arith.subf %get3A_410, %get3A_11 : vector<16xf32>
      %div3A_420 = arith.divf %sub3A_419, %get3A_21 : vector<16xf32>
      %jit3A_421 = arith.constant 0.000000e+00 : f32
      %jit3A_422 = arith.constant 1.000000e+00 : f32
      %max3A_423 = vector.broadcast %jit3A_421 : f32 to vector<16xf32>
      %max3A_424 = arith.maximumf %max3A_423, %div3A_420 : vector<16xf32>
      %min3A_425 = vector.broadcast %jit3A_422 : f32 to vector<16xf32>
      %min3A_426 = arith.minimumf %min3A_425, %max3A_424 : vector<16xf32>
      %mul3A_427 = vector.broadcast %scan3A_164 : f32 to vector<16xf32>
      %mul3A_428 = arith.mulf %min3A_418, %mul3A_427 : vector<16xf32>
      %convert_element_type3A_429 = arith.fptosi %mul3A_428 : vector<16xf32> to vector<16xi32>
      %mul3A_430 = vector.broadcast %scan3A_165 : f32 to vector<16xf32>
      %mul3A_431 = arith.mulf %min3A_426, %mul3A_430 : vector<16xf32>
      %convert_element_type3A_432 = arith.fptosi %mul3A_431 : vector<16xf32> to vector<16xi32>
      %mul3A_433 = arith.constant 4096 : i32
      %mul3A_434 = vector.broadcast %mul3A_433 : i32 to vector<16xi32>
      %mul3A_435 = arith.muli %convert_element_type3A_429, %mul3A_434 : vector<16xi32>
      %add3A_436 = arith.addi %mul3A_435, %convert_element_type3A_432 : vector<16xi32>
      %mul3A_437 = arith.constant 16 : i32
      %mul3A_438 = arith.muli %scan3A_400, %mul3A_437 : i32
      %swap3A_439 = arith.index_cast %mul3A_438 : i32 to index
      %swap3A_440 = tpu.vector_load %arg8[%swap3A_439] {strides = array<i32>} : memref<4096xi32, #tpu.memory_space<vmem>>, vector<16xi32>,
      %swap3A_441 = vector.shape_cast %swap3A_440 : vector<16xi32> to vector<16xi32>
      %swap3A_442 = vector.shape_cast %add3A_436 : vector<16xi32> to vector<16xi32>
      tpu.vector_store %arg8[%swap3A_439], %swap3A_442 {strides = array<i32>} : memref<4096xi32, #tpu.memory_space<vmem>>, vector<16xi32>,
    }
    %scan3A_170 = arith.constant 256 : i32
    %dma_wait3A_171 = arith.constant 0 : i32
    %dma_wait3A_172 = tpu.memref_slice %arg4[%dma_wait3A_171] : memref<16777216xf32, #tpu.memory_space<hbm>> -> memref<16777216xf32, #tpu.memory_space<hbm>>
    tpu.wait_indirect_dma semaphore(%arg15 : memref<!tpu.dma_semaphore, #tpu.memory_space<semaphore_mem>>) src(%dma_wait3A_172 : memref<16777216xf32, #tpu.memory_space<hbm>>) dst(%arg28 : memref<4096xf32, #tpu.memory_space<vmem>>)
    %add3A_173 = arith.constant 12288 : i32
    %add3A_174 = arith.addi %mul3A_2, %add3A_173 : i32
    %dma_start3A_175 = tpu.memref_slice %arg6[%add3A_174] : memref<1048576xf32, #tpu.memory_space<hbm>> -> memref<4096xf32, #tpu.memory_space<hbm>>
    %dma_start3A_176 = tpu.memref_slice %arg6[%add3A_174] : memref<1048576xf32, #tpu.memory_space<hbm>> -> memref<4096xf32, #tpu.memory_space<hbm>>
    tpu.enqueue_dma source(%arg28 : memref<4096xf32, #tpu.memory_space<vmem>>) target(%dma_start3A_176 : memref<4096xf32, #tpu.memory_space<hbm>>) target_semaphore(%arg19 : memref<!tpu.dma_semaphore, #tpu.memory_space<semaphore_mem>>)
    %add3A_177 = arith.constant 4096 : i32
    %add3A_178 = arith.addi %mul3A_2, %add3A_177 : i32
    %dma_wait3A_179 = tpu.memref_slice %arg6[%add3A_178] : memref<1048576xf32, #tpu.memory_space<hbm>> -> memref<4096xf32, #tpu.memory_space<hbm>>
    %dma_wait3A_180 = tpu.memref_slice %arg6[%add3A_178] : memref<1048576xf32, #tpu.memory_space<hbm>> -> memref<4096xf32, #tpu.memory_space<hbm>>
    tpu.wait_dma2 semaphore(%arg17 : memref<!tpu.dma_semaphore, #tpu.memory_space<semaphore_mem>>) src(%arg26 : memref<4096xf32, #tpu.memory_space<vmem>>) dst(%dma_wait3A_180 : memref<4096xf32, #tpu.memory_space<hbm>>)
    %dma_start3A_181 = arith.constant 0 : i32
    %dma_start3A_182 = tpu.memref_slice %arg4[%dma_start3A_181] : memref<16777216xf32, #tpu.memory_space<hbm>> -> memref<16777216xf32, #tpu.memory_space<hbm>>
    tpu.enqueue_indirect_dma source(%dma_start3A_182 : memref<16777216xf32, #tpu.memory_space<hbm>>) target(%arg26 : memref<4096xf32, #tpu.memory_space<vmem>>) offsets(%arg8 : memref<4096xi32, #tpu.memory_space<vmem>>) semaphore(%arg13 : memref<!tpu.dma_semaphore, #tpu.memory_space<semaphore_mem>>)
    %add3A_183 = arith.constant 24576 : i32
    %add3A_184 = arith.addi %mul3A_2, %add3A_183 : i32
    %dma_start3A_185 = tpu.memref_slice %arg2[%add3A_184] : memref<1048576xf32, #tpu.memory_space<hbm>> -> memref<4096xf32, #tpu.memory_space<hbm>>
    %dma_start3A_186 = tpu.memref_slice %arg2[%add3A_184] : memref<1048576xf32, #tpu.memory_space<hbm>> -> memref<4096xf32, #tpu.memory_space<hbm>>
    tpu.enqueue_dma source(%dma_start3A_186 : memref<4096xf32, #tpu.memory_space<hbm>>) target(%arg31 : memref<4096xf32, #tpu.memory_space<vmem>>) target_semaphore(%arg23 : memref<!tpu.dma_semaphore, #tpu.memory_space<semaphore_mem>>)
    %dma_start3A_187 = tpu.memref_slice %arg3[%add3A_184] : memref<1048576xf32, #tpu.memory_space<hbm>> -> memref<4096xf32, #tpu.memory_space<hbm>>
    %dma_start3A_188 = tpu.memref_slice %arg3[%add3A_184] : memref<1048576xf32, #tpu.memory_space<hbm>> -> memref<4096xf32, #tpu.memory_space<hbm>>
    tpu.enqueue_dma source(%dma_start3A_188 : memref<4096xf32, #tpu.memory_space<hbm>>) target(%arg35 : memref<4096xf32, #tpu.memory_space<vmem>>) target_semaphore(%arg23 : memref<!tpu.dma_semaphore, #tpu.memory_space<semaphore_mem>>)
    %add3A_189 = arith.constant 24576 : i32
    %add3A_190 = arith.addi %mul3A_2, %add3A_189 : i32
    %dma_wait3A_191 = tpu.memref_slice %arg2[%add3A_190] : memref<1048576xf32, #tpu.memory_space<hbm>> -> memref<4096xf32, #tpu.memory_space<hbm>>
    %dma_wait3A_192 = tpu.memref_slice %arg2[%add3A_190] : memref<1048576xf32, #tpu.memory_space<hbm>> -> memref<4096xf32, #tpu.memory_space<hbm>>
    tpu.wait_dma2 semaphore(%arg23 : memref<!tpu.dma_semaphore, #tpu.memory_space<semaphore_mem>>) src(%dma_wait3A_192 : memref<4096xf32, #tpu.memory_space<hbm>>) dst(%arg31 : memref<4096xf32, #tpu.memory_space<vmem>>)
    %dma_wait3A_193 = tpu.memref_slice %arg3[%add3A_190] : memref<1048576xf32, #tpu.memory_space<hbm>> -> memref<4096xf32, #tpu.memory_space<hbm>>
    %dma_wait3A_194 = tpu.memref_slice %arg3[%add3A_190] : memref<1048576xf32, #tpu.memory_space<hbm>> -> memref<4096xf32, #tpu.memory_space<hbm>>
    tpu.wait_dma2 semaphore(%arg23 : memref<!tpu.dma_semaphore, #tpu.memory_space<semaphore_mem>>) src(%dma_wait3A_194 : memref<4096xf32, #tpu.memory_space<hbm>>) dst(%arg35 : memref<4096xf32, #tpu.memory_space<vmem>>)
    %scan3A_195 = arith.constant 0 : i32
    %scan3A_196 = arith.constant 4.095000e+03 : f32
    %scan3A_197 = arith.constant 4.095000e+03 : f32
    %scan3A_198 = arith.constant 0 : i32
    %scan3A_199 = arith.constant 256 : i32
    %scan3A_200 = arith.addi %scan3A_198, %scan3A_199 : i32
    %scan3A_201 = arith.constant 4 : i32
    scf.for %scan3A_275 = %scan3A_198 to %scan3A_200 step %scan3A_201  : i32 {
      %mul3A_276 = arith.constant 16 : i32
      %mul3A_277 = arith.muli %scan3A_275, %mul3A_276 : i32
      %get3A_278 = arith.index_cast %mul3A_277 : i32 to index
      %get3A_279 = tpu.vector_load %arg31[%get3A_278] {strides = array<i32>} : memref<4096xf32, #tpu.memory_space<vmem>>, vector<16xf32>,
      %get3A_280 = vector.shape_cast %get3A_279 : vector<16xf32> to vector<16xf32>
      %mul3A_281 = arith.constant 16 : i32
      %mul3A_282 = arith.muli %scan3A_275, %mul3A_281 : i32
      %get3A_283 = arith.index_cast %mul3A_282 : i32 to index
      %get3A_284 = tpu.vector_load %arg35[%get3A_283] {strides = array<i32>} : memref<4096xf32, #tpu.memory_space<vmem>>, vector<16xf32>,
      %get3A_285 = vector.shape_cast %get3A_284 : vector<16xf32> to vector<16xf32>
      %sub3A = arith.subf %get3A_280, %get3A_6 : vector<16xf32>
      %div3A = arith.divf %sub3A, %get3A_16 : vector<16xf32>
      %jit3A = arith.constant 0.000000e+00 : f32
      %jit3A_286 = arith.constant 1.000000e+00 : f32
      %max3A = vector.broadcast %jit3A : f32 to vector<16xf32>
      %max3A_287 = arith.maximumf %max3A, %div3A : vector<16xf32>
      %min3A = vector.broadcast %jit3A_286 : f32 to vector<16xf32>
      %min3A_288 = arith.minimumf %min3A, %max3A_287 : vector<16xf32>
      %sub3A_289 = arith.subf %get3A_285, %get3A_11 : vector<16xf32>
      %div3A_290 = arith.divf %sub3A_289, %get3A_21 : vector<16xf32>
      %jit3A_291 = arith.constant 0.000000e+00 : f32
      %jit3A_292 = arith.constant 1.000000e+00 : f32
      %max3A_293 = vector.broadcast %jit3A_291 : f32 to vector<16xf32>
      %max3A_294 = arith.maximumf %max3A_293, %div3A_290 : vector<16xf32>
      %min3A_295 = vector.broadcast %jit3A_292 : f32 to vector<16xf32>
      %min3A_296 = arith.minimumf %min3A_295, %max3A_294 : vector<16xf32>
      %mul3A_297 = vector.broadcast %scan3A_196 : f32 to vector<16xf32>
      %mul3A_298 = arith.mulf %min3A_288, %mul3A_297 : vector<16xf32>
      %convert_element_type3A = arith.fptosi %mul3A_298 : vector<16xf32> to vector<16xi32>
      %mul3A_299 = vector.broadcast %scan3A_197 : f32 to vector<16xf32>
      %mul3A_300 = arith.mulf %min3A_296, %mul3A_299 : vector<16xf32>
      %convert_element_type3A_301 = arith.fptosi %mul3A_300 : vector<16xf32> to vector<16xi32>
      %mul3A_302 = arith.constant 4096 : i32
      %mul3A_303 = vector.broadcast %mul3A_302 : i32 to vector<16xi32>
      %mul3A_304 = arith.muli %convert_element_type3A, %mul3A_303 : vector<16xi32>
      %add3A_305 = arith.addi %mul3A_304, %convert_element_type3A_301 : vector<16xi32>
      %mul3A_306 = arith.constant 16 : i32
      %mul3A_307 = arith.muli %scan3A_275, %mul3A_306 : i32
      %swap3A = arith.index_cast %mul3A_307 : i32 to index
      %swap3A_308 = tpu.vector_load %arg9[%swap3A] {strides = array<i32>} : memref<4096xi32, #tpu.memory_space<vmem>>, vector<16xi32>,
      %swap3A_309 = vector.shape_cast %swap3A_308 : vector<16xi32> to vector<16xi32>
      %swap3A_310 = vector.shape_cast %add3A_305 : vector<16xi32> to vector<16xi32>
      tpu.vector_store %arg9[%swap3A], %swap3A_310 {strides = array<i32>} : memref<4096xi32, #tpu.memory_space<vmem>>, vector<16xi32>,
      %scan3A_311 = arith.constant 1 : i32
      %scan3A_312 = arith.addi %scan3A_275, %scan3A_311 : i32
      %mul3A_313 = arith.constant 16 : i32
      %mul3A_314 = arith.muli %scan3A_312, %mul3A_313 : i32
      %get3A_315 = arith.index_cast %mul3A_314 : i32 to index
      %get3A_316 = tpu.vector_load %arg31[%get3A_315] {strides = array<i32>} : memref<4096xf32, #tpu.memory_space<vmem>>, vector<16xf32>,
      %get3A_317 = vector.shape_cast %get3A_316 : vector<16xf32> to vector<16xf32>
      %mul3A_318 = arith.constant 16 : i32
      %mul3A_319 = arith.muli %scan3A_312, %mul3A_318 : i32
      %get3A_320 = arith.index_cast %mul3A_319 : i32 to index
      %get3A_321 = tpu.vector_load %arg35[%get3A_320] {strides = array<i32>} : memref<4096xf32, #tpu.memory_space<vmem>>, vector<16xf32>,
      %get3A_322 = vector.shape_cast %get3A_321 : vector<16xf32> to vector<16xf32>
      %sub3A_323 = arith.subf %get3A_317, %get3A_6 : vector<16xf32>
      %div3A_324 = arith.divf %sub3A_323, %get3A_16 : vector<16xf32>
      %jit3A_325 = arith.constant 0.000000e+00 : f32
      %jit3A_326 = arith.constant 1.000000e+00 : f32
      %max3A_327 = vector.broadcast %jit3A_325 : f32 to vector<16xf32>
      %max3A_328 = arith.maximumf %max3A_327, %div3A_324 : vector<16xf32>
      %min3A_329 = vector.broadcast %jit3A_326 : f32 to vector<16xf32>
      %min3A_330 = arith.minimumf %min3A_329, %max3A_328 : vector<16xf32>
      %sub3A_331 = arith.subf %get3A_322, %get3A_11 : vector<16xf32>
      %div3A_332 = arith.divf %sub3A_331, %get3A_21 : vector<16xf32>
      %jit3A_333 = arith.constant 0.000000e+00 : f32
      %jit3A_334 = arith.constant 1.000000e+00 : f32
      %max3A_335 = vector.broadcast %jit3A_333 : f32 to vector<16xf32>
      %max3A_336 = arith.maximumf %max3A_335, %div3A_332 : vector<16xf32>
      %min3A_337 = vector.broadcast %jit3A_334 : f32 to vector<16xf32>
      %min3A_338 = arith.minimumf %min3A_337, %max3A_336 : vector<16xf32>
      %mul3A_339 = vector.broadcast %scan3A_196 : f32 to vector<16xf32>
      %mul3A_340 = arith.mulf %min3A_330, %mul3A_339 : vector<16xf32>
      %convert_element_type3A_341 = arith.fptosi %mul3A_340 : vector<16xf32> to vector<16xi32>
      %mul3A_342 = vector.broadcast %scan3A_197 : f32 to vector<16xf32>
      %mul3A_343 = arith.mulf %min3A_338, %mul3A_342 : vector<16xf32>
      %convert_element_type3A_344 = arith.fptosi %mul3A_343 : vector<16xf32> to vector<16xi32>
      %mul3A_345 = arith.constant 4096 : i32
      %mul3A_346 = vector.broadcast %mul3A_345 : i32 to vector<16xi32>
      %mul3A_347 = arith.muli %convert_element_type3A_341, %mul3A_346 : vector<16xi32>
      %add3A_348 = arith.addi %mul3A_347, %convert_element_type3A_344 : vector<16xi32>
      %mul3A_349 = arith.constant 16 : i32
      %mul3A_350 = arith.muli %scan3A_312, %mul3A_349 : i32
      %swap3A_351 = arith.index_cast %mul3A_350 : i32 to index
      %swap3A_352 = tpu.vector_load %arg9[%swap3A_351] {strides = array<i32>} : memref<4096xi32, #tpu.memory_space<vmem>>, vector<16xi32>,
      %swap3A_353 = vector.shape_cast %swap3A_352 : vector<16xi32> to vector<16xi32>
      %swap3A_354 = vector.shape_cast %add3A_348 : vector<16xi32> to vector<16xi32>
      tpu.vector_store %arg9[%swap3A_351], %swap3A_354 {strides = array<i32>} : memref<4096xi32, #tpu.memory_space<vmem>>, vector<16xi32>,
      %scan3A_355 = arith.constant 2 : i32
      %scan3A_356 = arith.addi %scan3A_275, %scan3A_355 : i32
      %mul3A_357 = arith.constant 16 : i32
      %mul3A_358 = arith.muli %scan3A_356, %mul3A_357 : i32
      %get3A_359 = arith.index_cast %mul3A_358 : i32 to index
      %get3A_360 = tpu.vector_load %arg31[%get3A_359] {strides = array<i32>} : memref<4096xf32, #tpu.memory_space<vmem>>, vector<16xf32>,
      %get3A_361 = vector.shape_cast %get3A_360 : vector<16xf32> to vector<16xf32>
      %mul3A_362 = arith.constant 16 : i32
      %mul3A_363 = arith.muli %scan3A_356, %mul3A_362 : i32
      %get3A_364 = arith.index_cast %mul3A_363 : i32 to index
      %get3A_365 = tpu.vector_load %arg35[%get3A_364] {strides = array<i32>} : memref<4096xf32, #tpu.memory_space<vmem>>, vector<16xf32>,
      %get3A_366 = vector.shape_cast %get3A_365 : vector<16xf32> to vector<16xf32>
      %sub3A_367 = arith.subf %get3A_361, %get3A_6 : vector<16xf32>
      %div3A_368 = arith.divf %sub3A_367, %get3A_16 : vector<16xf32>
      %jit3A_369 = arith.constant 0.000000e+00 : f32
      %jit3A_370 = arith.constant 1.000000e+00 : f32
      %max3A_371 = vector.broadcast %jit3A_369 : f32 to vector<16xf32>
      %max3A_372 = arith.maximumf %max3A_371, %div3A_368 : vector<16xf32>
      %min3A_373 = vector.broadcast %jit3A_370 : f32 to vector<16xf32>
      %min3A_374 = arith.minimumf %min3A_373, %max3A_372 : vector<16xf32>
      %sub3A_375 = arith.subf %get3A_366, %get3A_11 : vector<16xf32>
      %div3A_376 = arith.divf %sub3A_375, %get3A_21 : vector<16xf32>
      %jit3A_377 = arith.constant 0.000000e+00 : f32
      %jit3A_378 = arith.constant 1.000000e+00 : f32
      %max3A_379 = vector.broadcast %jit3A_377 : f32 to vector<16xf32>
      %max3A_380 = arith.maximumf %max3A_379, %div3A_376 : vector<16xf32>
      %min3A_381 = vector.broadcast %jit3A_378 : f32 to vector<16xf32>
      %min3A_382 = arith.minimumf %min3A_381, %max3A_380 : vector<16xf32>
      %mul3A_383 = vector.broadcast %scan3A_196 : f32 to vector<16xf32>
      %mul3A_384 = arith.mulf %min3A_374, %mul3A_383 : vector<16xf32>
      %convert_element_type3A_385 = arith.fptosi %mul3A_384 : vector<16xf32> to vector<16xi32>
      %mul3A_386 = vector.broadcast %scan3A_197 : f32 to vector<16xf32>
      %mul3A_387 = arith.mulf %min3A_382, %mul3A_386 : vector<16xf32>
      %convert_element_type3A_388 = arith.fptosi %mul3A_387 : vector<16xf32> to vector<16xi32>
      %mul3A_389 = arith.constant 4096 : i32
      %mul3A_390 = vector.broadcast %mul3A_389 : i32 to vector<16xi32>
      %mul3A_391 = arith.muli %convert_element_type3A_385, %mul3A_390 : vector<16xi32>
      %add3A_392 = arith.addi %mul3A_391, %convert_element_type3A_388 : vector<16xi32>
      %mul3A_393 = arith.constant 16 : i32
      %mul3A_394 = arith.muli %scan3A_356, %mul3A_393 : i32
      %swap3A_395 = arith.index_cast %mul3A_394 : i32 to index
      %swap3A_396 = tpu.vector_load %arg9[%swap3A_395] {strides = array<i32>} : memref<4096xi32, #tpu.memory_space<vmem>>, vector<16xi32>,
      %swap3A_397 = vector.shape_cast %swap3A_396 : vector<16xi32> to vector<16xi32>
      %swap3A_398 = vector.shape_cast %add3A_392 : vector<16xi32> to vector<16xi32>
      tpu.vector_store %arg9[%swap3A_395], %swap3A_398 {strides = array<i32>} : memref<4096xi32, #tpu.memory_space<vmem>>, vector<16xi32>,
      %scan3A_399 = arith.constant 3 : i32
      %scan3A_400 = arith.addi %scan3A_275, %scan3A_399 : i32
      %mul3A_401 = arith.constant 16 : i32
      %mul3A_402 = arith.muli %scan3A_400, %mul3A_401 : i32
      %get3A_403 = arith.index_cast %mul3A_402 : i32 to index
      %get3A_404 = tpu.vector_load %arg31[%get3A_403] {strides = array<i32>} : memref<4096xf32, #tpu.memory_space<vmem>>, vector<16xf32>,
      %get3A_405 = vector.shape_cast %get3A_404 : vector<16xf32> to vector<16xf32>
      %mul3A_406 = arith.constant 16 : i32
      %mul3A_407 = arith.muli %scan3A_400, %mul3A_406 : i32
      %get3A_408 = arith.index_cast %mul3A_407 : i32 to index
      %get3A_409 = tpu.vector_load %arg35[%get3A_408] {strides = array<i32>} : memref<4096xf32, #tpu.memory_space<vmem>>, vector<16xf32>,
      %get3A_410 = vector.shape_cast %get3A_409 : vector<16xf32> to vector<16xf32>
      %sub3A_411 = arith.subf %get3A_405, %get3A_6 : vector<16xf32>
      %div3A_412 = arith.divf %sub3A_411, %get3A_16 : vector<16xf32>
      %jit3A_413 = arith.constant 0.000000e+00 : f32
      %jit3A_414 = arith.constant 1.000000e+00 : f32
      %max3A_415 = vector.broadcast %jit3A_413 : f32 to vector<16xf32>
      %max3A_416 = arith.maximumf %max3A_415, %div3A_412 : vector<16xf32>
      %min3A_417 = vector.broadcast %jit3A_414 : f32 to vector<16xf32>
      %min3A_418 = arith.minimumf %min3A_417, %max3A_416 : vector<16xf32>
      %sub3A_419 = arith.subf %get3A_410, %get3A_11 : vector<16xf32>
      %div3A_420 = arith.divf %sub3A_419, %get3A_21 : vector<16xf32>
      %jit3A_421 = arith.constant 0.000000e+00 : f32
      %jit3A_422 = arith.constant 1.000000e+00 : f32
      %max3A_423 = vector.broadcast %jit3A_421 : f32 to vector<16xf32>
      %max3A_424 = arith.maximumf %max3A_423, %div3A_420 : vector<16xf32>
      %min3A_425 = vector.broadcast %jit3A_422 : f32 to vector<16xf32>
      %min3A_426 = arith.minimumf %min3A_425, %max3A_424 : vector<16xf32>
      %mul3A_427 = vector.broadcast %scan3A_196 : f32 to vector<16xf32>
      %mul3A_428 = arith.mulf %min3A_418, %mul3A_427 : vector<16xf32>
      %convert_element_type3A_429 = arith.fptosi %mul3A_428 : vector<16xf32> to vector<16xi32>
      %mul3A_430 = vector.broadcast %scan3A_197 : f32 to vector<16xf32>
      %mul3A_431 = arith.mulf %min3A_426, %mul3A_430 : vector<16xf32>
      %convert_element_type3A_432 = arith.fptosi %mul3A_431 : vector<16xf32> to vector<16xi32>
      %mul3A_433 = arith.constant 4096 : i32
      %mul3A_434 = vector.broadcast %mul3A_433 : i32 to vector<16xi32>
      %mul3A_435 = arith.muli %convert_element_type3A_429, %mul3A_434 : vector<16xi32>
      %add3A_436 = arith.addi %mul3A_435, %convert_element_type3A_432 : vector<16xi32>
      %mul3A_437 = arith.constant 16 : i32
      %mul3A_438 = arith.muli %scan3A_400, %mul3A_437 : i32
      %swap3A_439 = arith.index_cast %mul3A_438 : i32 to index
      %swap3A_440 = tpu.vector_load %arg9[%swap3A_439] {strides = array<i32>} : memref<4096xi32, #tpu.memory_space<vmem>>, vector<16xi32>,
      %swap3A_441 = vector.shape_cast %swap3A_440 : vector<16xi32> to vector<16xi32>
      %swap3A_442 = vector.shape_cast %add3A_436 : vector<16xi32> to vector<16xi32>
      tpu.vector_store %arg9[%swap3A_439], %swap3A_442 {strides = array<i32>} : memref<4096xi32, #tpu.memory_space<vmem>>, vector<16xi32>,
    }
    %scan3A_202 = arith.constant 256 : i32
    %dma_wait3A_203 = arith.constant 0 : i32
    %dma_wait3A_204 = tpu.memref_slice %arg4[%dma_wait3A_203] : memref<16777216xf32, #tpu.memory_space<hbm>> -> memref<16777216xf32, #tpu.memory_space<hbm>>
    tpu.wait_indirect_dma semaphore(%arg12 : memref<!tpu.dma_semaphore, #tpu.memory_space<semaphore_mem>>) src(%dma_wait3A_204 : memref<16777216xf32, #tpu.memory_space<hbm>>) dst(%arg25 : memref<4096xf32, #tpu.memory_space<vmem>>)
    %add3A_205 = arith.constant 16384 : i32
    %add3A_206 = arith.addi %mul3A_2, %add3A_205 : i32
    %dma_start3A_207 = tpu.memref_slice %arg6[%add3A_206] : memref<1048576xf32, #tpu.memory_space<hbm>> -> memref<4096xf32, #tpu.memory_space<hbm>>
    %dma_start3A_208 = tpu.memref_slice %arg6[%add3A_206] : memref<1048576xf32, #tpu.memory_space<hbm>> -> memref<4096xf32, #tpu.memory_space<hbm>>
    tpu.enqueue_dma source(%arg25 : memref<4096xf32, #tpu.memory_space<vmem>>) target(%dma_start3A_208 : memref<4096xf32, #tpu.memory_space<hbm>>) target_semaphore(%arg16 : memref<!tpu.dma_semaphore, #tpu.memory_space<semaphore_mem>>)
    %add3A_209 = arith.constant 8192 : i32
    %add3A_210 = arith.addi %mul3A_2, %add3A_209 : i32
    %dma_wait3A_211 = tpu.memref_slice %arg6[%add3A_210] : memref<1048576xf32, #tpu.memory_space<hbm>> -> memref<4096xf32, #tpu.memory_space<hbm>>
    %dma_wait3A_212 = tpu.memref_slice %arg6[%add3A_210] : memref<1048576xf32, #tpu.memory_space<hbm>> -> memref<4096xf32, #tpu.memory_space<hbm>>
    tpu.wait_dma2 semaphore(%arg18 : memref<!tpu.dma_semaphore, #tpu.memory_space<semaphore_mem>>) src(%arg27 : memref<4096xf32, #tpu.memory_space<vmem>>) dst(%dma_wait3A_212 : memref<4096xf32, #tpu.memory_space<hbm>>)
    %dma_start3A_213 = arith.constant 0 : i32
    %dma_start3A_214 = tpu.memref_slice %arg4[%dma_start3A_213] : memref<16777216xf32, #tpu.memory_space<hbm>> -> memref<16777216xf32, #tpu.memory_space<hbm>>
    tpu.enqueue_indirect_dma source(%dma_start3A_214 : memref<16777216xf32, #tpu.memory_space<hbm>>) target(%arg27 : memref<4096xf32, #tpu.memory_space<vmem>>) offsets(%arg9 : memref<4096xi32, #tpu.memory_space<vmem>>) semaphore(%arg14 : memref<!tpu.dma_semaphore, #tpu.memory_space<semaphore_mem>>)
    %add3A_215 = arith.constant 28672 : i32
    %add3A_216 = arith.addi %mul3A_2, %add3A_215 : i32
    %dma_start3A_217 = tpu.memref_slice %arg2[%add3A_216] : memref<1048576xf32, #tpu.memory_space<hbm>> -> memref<4096xf32, #tpu.memory_space<hbm>>
    %dma_start3A_218 = tpu.memref_slice %arg2[%add3A_216] : memref<1048576xf32, #tpu.memory_space<hbm>> -> memref<4096xf32, #tpu.memory_space<hbm>>
    tpu.enqueue_dma source(%dma_start3A_218 : memref<4096xf32, #tpu.memory_space<hbm>>) target(%arg32 : memref<4096xf32, #tpu.memory_space<vmem>>) target_semaphore(%arg24 : memref<!tpu.dma_semaphore, #tpu.memory_space<semaphore_mem>>)
    %dma_start3A_219 = tpu.memref_slice %arg3[%add3A_216] : memref<1048576xf32, #tpu.memory_space<hbm>> -> memref<4096xf32, #tpu.memory_space<hbm>>
    %dma_start3A_220 = tpu.memref_slice %arg3[%add3A_216] : memref<1048576xf32, #tpu.memory_space<hbm>> -> memref<4096xf32, #tpu.memory_space<hbm>>
    tpu.enqueue_dma source(%dma_start3A_220 : memref<4096xf32, #tpu.memory_space<hbm>>) target(%arg36 : memref<4096xf32, #tpu.memory_space<vmem>>) target_semaphore(%arg24 : memref<!tpu.dma_semaphore, #tpu.memory_space<semaphore_mem>>)
    %add3A_221 = arith.constant 28672 : i32
    %add3A_222 = arith.addi %mul3A_2, %add3A_221 : i32
    %dma_wait3A_223 = tpu.memref_slice %arg2[%add3A_222] : memref<1048576xf32, #tpu.memory_space<hbm>> -> memref<4096xf32, #tpu.memory_space<hbm>>
    %dma_wait3A_224 = tpu.memref_slice %arg2[%add3A_222] : memref<1048576xf32, #tpu.memory_space<hbm>> -> memref<4096xf32, #tpu.memory_space<hbm>>
    tpu.wait_dma2 semaphore(%arg24 : memref<!tpu.dma_semaphore, #tpu.memory_space<semaphore_mem>>) src(%dma_wait3A_224 : memref<4096xf32, #tpu.memory_space<hbm>>) dst(%arg32 : memref<4096xf32, #tpu.memory_space<vmem>>)
    %dma_wait3A_225 = tpu.memref_slice %arg3[%add3A_222] : memref<1048576xf32, #tpu.memory_space<hbm>> -> memref<4096xf32, #tpu.memory_space<hbm>>
    %dma_wait3A_226 = tpu.memref_slice %arg3[%add3A_222] : memref<1048576xf32, #tpu.memory_space<hbm>> -> memref<4096xf32, #tpu.memory_space<hbm>>
    tpu.wait_dma2 semaphore(%arg24 : memref<!tpu.dma_semaphore, #tpu.memory_space<semaphore_mem>>) src(%dma_wait3A_226 : memref<4096xf32, #tpu.memory_space<hbm>>) dst(%arg36 : memref<4096xf32, #tpu.memory_space<vmem>>)
    %scan3A_227 = arith.constant 0 : i32
    %scan3A_228 = arith.constant 4.095000e+03 : f32
    %scan3A_229 = arith.constant 4.095000e+03 : f32
    %scan3A_230 = arith.constant 0 : i32
    %scan3A_231 = arith.constant 256 : i32
    %scan3A_232 = arith.addi %scan3A_230, %scan3A_231 : i32
    %scan3A_233 = arith.constant 4 : i32
    scf.for %scan3A_275 = %scan3A_230 to %scan3A_232 step %scan3A_233  : i32 {
      %mul3A_276 = arith.constant 16 : i32
      %mul3A_277 = arith.muli %scan3A_275, %mul3A_276 : i32
      %get3A_278 = arith.index_cast %mul3A_277 : i32 to index
      %get3A_279 = tpu.vector_load %arg32[%get3A_278] {strides = array<i32>} : memref<4096xf32, #tpu.memory_space<vmem>>, vector<16xf32>,
      %get3A_280 = vector.shape_cast %get3A_279 : vector<16xf32> to vector<16xf32>
      %mul3A_281 = arith.constant 16 : i32
      %mul3A_282 = arith.muli %scan3A_275, %mul3A_281 : i32
      %get3A_283 = arith.index_cast %mul3A_282 : i32 to index
      %get3A_284 = tpu.vector_load %arg36[%get3A_283] {strides = array<i32>} : memref<4096xf32, #tpu.memory_space<vmem>>, vector<16xf32>,
      %get3A_285 = vector.shape_cast %get3A_284 : vector<16xf32> to vector<16xf32>
      %sub3A = arith.subf %get3A_280, %get3A_6 : vector<16xf32>
      %div3A = arith.divf %sub3A, %get3A_16 : vector<16xf32>
      %jit3A = arith.constant 0.000000e+00 : f32
      %jit3A_286 = arith.constant 1.000000e+00 : f32
      %max3A = vector.broadcast %jit3A : f32 to vector<16xf32>
      %max3A_287 = arith.maximumf %max3A, %div3A : vector<16xf32>
      %min3A = vector.broadcast %jit3A_286 : f32 to vector<16xf32>
      %min3A_288 = arith.minimumf %min3A, %max3A_287 : vector<16xf32>
      %sub3A_289 = arith.subf %get3A_285, %get3A_11 : vector<16xf32>
      %div3A_290 = arith.divf %sub3A_289, %get3A_21 : vector<16xf32>
      %jit3A_291 = arith.constant 0.000000e+00 : f32
      %jit3A_292 = arith.constant 1.000000e+00 : f32
      %max3A_293 = vector.broadcast %jit3A_291 : f32 to vector<16xf32>
      %max3A_294 = arith.maximumf %max3A_293, %div3A_290 : vector<16xf32>
      %min3A_295 = vector.broadcast %jit3A_292 : f32 to vector<16xf32>
      %min3A_296 = arith.minimumf %min3A_295, %max3A_294 : vector<16xf32>
      %mul3A_297 = vector.broadcast %scan3A_228 : f32 to vector<16xf32>
      %mul3A_298 = arith.mulf %min3A_288, %mul3A_297 : vector<16xf32>
      %convert_element_type3A = arith.fptosi %mul3A_298 : vector<16xf32> to vector<16xi32>
      %mul3A_299 = vector.broadcast %scan3A_229 : f32 to vector<16xf32>
      %mul3A_300 = arith.mulf %min3A_296, %mul3A_299 : vector<16xf32>
      %convert_element_type3A_301 = arith.fptosi %mul3A_300 : vector<16xf32> to vector<16xi32>
      %mul3A_302 = arith.constant 4096 : i32
      %mul3A_303 = vector.broadcast %mul3A_302 : i32 to vector<16xi32>
      %mul3A_304 = arith.muli %convert_element_type3A, %mul3A_303 : vector<16xi32>
      %add3A_305 = arith.addi %mul3A_304, %convert_element_type3A_301 : vector<16xi32>
      %mul3A_306 = arith.constant 16 : i32
      %mul3A_307 = arith.muli %scan3A_275, %mul3A_306 : i32
      %swap3A = arith.index_cast %mul3A_307 : i32 to index
      %swap3A_308 = tpu.vector_load %arg10[%swap3A] {strides = array<i32>} : memref<4096xi32, #tpu.memory_space<vmem>>, vector<16xi32>,
      %swap3A_309 = vector.shape_cast %swap3A_308 : vector<16xi32> to vector<16xi32>
      %swap3A_310 = vector.shape_cast %add3A_305 : vector<16xi32> to vector<16xi32>
      tpu.vector_store %arg10[%swap3A], %swap3A_310 {strides = array<i32>} : memref<4096xi32, #tpu.memory_space<vmem>>, vector<16xi32>,
      %scan3A_311 = arith.constant 1 : i32
      %scan3A_312 = arith.addi %scan3A_275, %scan3A_311 : i32
      %mul3A_313 = arith.constant 16 : i32
      %mul3A_314 = arith.muli %scan3A_312, %mul3A_313 : i32
      %get3A_315 = arith.index_cast %mul3A_314 : i32 to index
      %get3A_316 = tpu.vector_load %arg32[%get3A_315] {strides = array<i32>} : memref<4096xf32, #tpu.memory_space<vmem>>, vector<16xf32>,
      %get3A_317 = vector.shape_cast %get3A_316 : vector<16xf32> to vector<16xf32>
      %mul3A_318 = arith.constant 16 : i32
      %mul3A_319 = arith.muli %scan3A_312, %mul3A_318 : i32
      %get3A_320 = arith.index_cast %mul3A_319 : i32 to index
      %get3A_321 = tpu.vector_load %arg36[%get3A_320] {strides = array<i32>} : memref<4096xf32, #tpu.memory_space<vmem>>, vector<16xf32>,
      %get3A_322 = vector.shape_cast %get3A_321 : vector<16xf32> to vector<16xf32>
      %sub3A_323 = arith.subf %get3A_317, %get3A_6 : vector<16xf32>
      %div3A_324 = arith.divf %sub3A_323, %get3A_16 : vector<16xf32>
      %jit3A_325 = arith.constant 0.000000e+00 : f32
      %jit3A_326 = arith.constant 1.000000e+00 : f32
      %max3A_327 = vector.broadcast %jit3A_325 : f32 to vector<16xf32>
      %max3A_328 = arith.maximumf %max3A_327, %div3A_324 : vector<16xf32>
      %min3A_329 = vector.broadcast %jit3A_326 : f32 to vector<16xf32>
      %min3A_330 = arith.minimumf %min3A_329, %max3A_328 : vector<16xf32>
      %sub3A_331 = arith.subf %get3A_322, %get3A_11 : vector<16xf32>
      %div3A_332 = arith.divf %sub3A_331, %get3A_21 : vector<16xf32>
      %jit3A_333 = arith.constant 0.000000e+00 : f32
      %jit3A_334 = arith.constant 1.000000e+00 : f32
      %max3A_335 = vector.broadcast %jit3A_333 : f32 to vector<16xf32>
      %max3A_336 = arith.maximumf %max3A_335, %div3A_332 : vector<16xf32>
      %min3A_337 = vector.broadcast %jit3A_334 : f32 to vector<16xf32>
      %min3A_338 = arith.minimumf %min3A_337, %max3A_336 : vector<16xf32>
      %mul3A_339 = vector.broadcast %scan3A_228 : f32 to vector<16xf32>
      %mul3A_340 = arith.mulf %min3A_330, %mul3A_339 : vector<16xf32>
      %convert_element_type3A_341 = arith.fptosi %mul3A_340 : vector<16xf32> to vector<16xi32>
      %mul3A_342 = vector.broadcast %scan3A_229 : f32 to vector<16xf32>
      %mul3A_343 = arith.mulf %min3A_338, %mul3A_342 : vector<16xf32>
      %convert_element_type3A_344 = arith.fptosi %mul3A_343 : vector<16xf32> to vector<16xi32>
      %mul3A_345 = arith.constant 4096 : i32
      %mul3A_346 = vector.broadcast %mul3A_345 : i32 to vector<16xi32>
      %mul3A_347 = arith.muli %convert_element_type3A_341, %mul3A_346 : vector<16xi32>
      %add3A_348 = arith.addi %mul3A_347, %convert_element_type3A_344 : vector<16xi32>
      %mul3A_349 = arith.constant 16 : i32
      %mul3A_350 = arith.muli %scan3A_312, %mul3A_349 : i32
      %swap3A_351 = arith.index_cast %mul3A_350 : i32 to index
      %swap3A_352 = tpu.vector_load %arg10[%swap3A_351] {strides = array<i32>} : memref<4096xi32, #tpu.memory_space<vmem>>, vector<16xi32>,
      %swap3A_353 = vector.shape_cast %swap3A_352 : vector<16xi32> to vector<16xi32>
      %swap3A_354 = vector.shape_cast %add3A_348 : vector<16xi32> to vector<16xi32>
      tpu.vector_store %arg10[%swap3A_351], %swap3A_354 {strides = array<i32>} : memref<4096xi32, #tpu.memory_space<vmem>>, vector<16xi32>,
      %scan3A_355 = arith.constant 2 : i32
      %scan3A_356 = arith.addi %scan3A_275, %scan3A_355 : i32
      %mul3A_357 = arith.constant 16 : i32
      %mul3A_358 = arith.muli %scan3A_356, %mul3A_357 : i32
      %get3A_359 = arith.index_cast %mul3A_358 : i32 to index
      %get3A_360 = tpu.vector_load %arg32[%get3A_359] {strides = array<i32>} : memref<4096xf32, #tpu.memory_space<vmem>>, vector<16xf32>,
      %get3A_361 = vector.shape_cast %get3A_360 : vector<16xf32> to vector<16xf32>
      %mul3A_362 = arith.constant 16 : i32
      %mul3A_363 = arith.muli %scan3A_356, %mul3A_362 : i32
      %get3A_364 = arith.index_cast %mul3A_363 : i32 to index
      %get3A_365 = tpu.vector_load %arg36[%get3A_364] {strides = array<i32>} : memref<4096xf32, #tpu.memory_space<vmem>>, vector<16xf32>,
      %get3A_366 = vector.shape_cast %get3A_365 : vector<16xf32> to vector<16xf32>
      %sub3A_367 = arith.subf %get3A_361, %get3A_6 : vector<16xf32>
      %div3A_368 = arith.divf %sub3A_367, %get3A_16 : vector<16xf32>
      %jit3A_369 = arith.constant 0.000000e+00 : f32
      %jit3A_370 = arith.constant 1.000000e+00 : f32
      %max3A_371 = vector.broadcast %jit3A_369 : f32 to vector<16xf32>
      %max3A_372 = arith.maximumf %max3A_371, %div3A_368 : vector<16xf32>
      %min3A_373 = vector.broadcast %jit3A_370 : f32 to vector<16xf32>
      %min3A_374 = arith.minimumf %min3A_373, %max3A_372 : vector<16xf32>
      %sub3A_375 = arith.subf %get3A_366, %get3A_11 : vector<16xf32>
      %div3A_376 = arith.divf %sub3A_375, %get3A_21 : vector<16xf32>
      %jit3A_377 = arith.constant 0.000000e+00 : f32
      %jit3A_378 = arith.constant 1.000000e+00 : f32
      %max3A_379 = vector.broadcast %jit3A_377 : f32 to vector<16xf32>
      %max3A_380 = arith.maximumf %max3A_379, %div3A_376 : vector<16xf32>
      %min3A_381 = vector.broadcast %jit3A_378 : f32 to vector<16xf32>
      %min3A_382 = arith.minimumf %min3A_381, %max3A_380 : vector<16xf32>
      %mul3A_383 = vector.broadcast %scan3A_228 : f32 to vector<16xf32>
      %mul3A_384 = arith.mulf %min3A_374, %mul3A_383 : vector<16xf32>
      %convert_element_type3A_385 = arith.fptosi %mul3A_384 : vector<16xf32> to vector<16xi32>
      %mul3A_386 = vector.broadcast %scan3A_229 : f32 to vector<16xf32>
      %mul3A_387 = arith.mulf %min3A_382, %mul3A_386 : vector<16xf32>
      %convert_element_type3A_388 = arith.fptosi %mul3A_387 : vector<16xf32> to vector<16xi32>
      %mul3A_389 = arith.constant 4096 : i32
      %mul3A_390 = vector.broadcast %mul3A_389 : i32 to vector<16xi32>
      %mul3A_391 = arith.muli %convert_element_type3A_385, %mul3A_390 : vector<16xi32>
      %add3A_392 = arith.addi %mul3A_391, %convert_element_type3A_388 : vector<16xi32>
      %mul3A_393 = arith.constant 16 : i32
      %mul3A_394 = arith.muli %scan3A_356, %mul3A_393 : i32
      %swap3A_395 = arith.index_cast %mul3A_394 : i32 to index
      %swap3A_396 = tpu.vector_load %arg10[%swap3A_395] {strides = array<i32>} : memref<4096xi32, #tpu.memory_space<vmem>>, vector<16xi32>,
      %swap3A_397 = vector.shape_cast %swap3A_396 : vector<16xi32> to vector<16xi32>
      %swap3A_398 = vector.shape_cast %add3A_392 : vector<16xi32> to vector<16xi32>
      tpu.vector_store %arg10[%swap3A_395], %swap3A_398 {strides = array<i32>} : memref<4096xi32, #tpu.memory_space<vmem>>, vector<16xi32>,
      %scan3A_399 = arith.constant 3 : i32
      %scan3A_400 = arith.addi %scan3A_275, %scan3A_399 : i32
      %mul3A_401 = arith.constant 16 : i32
      %mul3A_402 = arith.muli %scan3A_400, %mul3A_401 : i32
      %get3A_403 = arith.index_cast %mul3A_402 : i32 to index
      %get3A_404 = tpu.vector_load %arg32[%get3A_403] {strides = array<i32>} : memref<4096xf32, #tpu.memory_space<vmem>>, vector<16xf32>,
      %get3A_405 = vector.shape_cast %get3A_404 : vector<16xf32> to vector<16xf32>
      %mul3A_406 = arith.constant 16 : i32
      %mul3A_407 = arith.muli %scan3A_400, %mul3A_406 : i32
      %get3A_408 = arith.index_cast %mul3A_407 : i32 to index
      %get3A_409 = tpu.vector_load %arg36[%get3A_408] {strides = array<i32>} : memref<4096xf32, #tpu.memory_space<vmem>>, vector<16xf32>,
      %get3A_410 = vector.shape_cast %get3A_409 : vector<16xf32> to vector<16xf32>
      %sub3A_411 = arith.subf %get3A_405, %get3A_6 : vector<16xf32>
      %div3A_412 = arith.divf %sub3A_411, %get3A_16 : vector<16xf32>
      %jit3A_413 = arith.constant 0.000000e+00 : f32
      %jit3A_414 = arith.constant 1.000000e+00 : f32
      %max3A_415 = vector.broadcast %jit3A_413 : f32 to vector<16xf32>
      %max3A_416 = arith.maximumf %max3A_415, %div3A_412 : vector<16xf32>
      %min3A_417 = vector.broadcast %jit3A_414 : f32 to vector<16xf32>
      %min3A_418 = arith.minimumf %min3A_417, %max3A_416 : vector<16xf32>
      %sub3A_419 = arith.subf %get3A_410, %get3A_11 : vector<16xf32>
      %div3A_420 = arith.divf %sub3A_419, %get3A_21 : vector<16xf32>
      %jit3A_421 = arith.constant 0.000000e+00 : f32
      %jit3A_422 = arith.constant 1.000000e+00 : f32
      %max3A_423 = vector.broadcast %jit3A_421 : f32 to vector<16xf32>
      %max3A_424 = arith.maximumf %max3A_423, %div3A_420 : vector<16xf32>
      %min3A_425 = vector.broadcast %jit3A_422 : f32 to vector<16xf32>
      %min3A_426 = arith.minimumf %min3A_425, %max3A_424 : vector<16xf32>
      %mul3A_427 = vector.broadcast %scan3A_228 : f32 to vector<16xf32>
      %mul3A_428 = arith.mulf %min3A_418, %mul3A_427 : vector<16xf32>
      %convert_element_type3A_429 = arith.fptosi %mul3A_428 : vector<16xf32> to vector<16xi32>
      %mul3A_430 = vector.broadcast %scan3A_229 : f32 to vector<16xf32>
      %mul3A_431 = arith.mulf %min3A_426, %mul3A_430 : vector<16xf32>
      %convert_element_type3A_432 = arith.fptosi %mul3A_431 : vector<16xf32> to vector<16xi32>
      %mul3A_433 = arith.constant 4096 : i32
      %mul3A_434 = vector.broadcast %mul3A_433 : i32 to vector<16xi32>
      %mul3A_435 = arith.muli %convert_element_type3A_429, %mul3A_434 : vector<16xi32>
      %add3A_436 = arith.addi %mul3A_435, %convert_element_type3A_432 : vector<16xi32>
      %mul3A_437 = arith.constant 16 : i32
      %mul3A_438 = arith.muli %scan3A_400, %mul3A_437 : i32
      %swap3A_439 = arith.index_cast %mul3A_438 : i32 to index
      %swap3A_440 = tpu.vector_load %arg10[%swap3A_439] {strides = array<i32>} : memref<4096xi32, #tpu.memory_space<vmem>>, vector<16xi32>,
      %swap3A_441 = vector.shape_cast %swap3A_440 : vector<16xi32> to vector<16xi32>
      %swap3A_442 = vector.shape_cast %add3A_436 : vector<16xi32> to vector<16xi32>
      tpu.vector_store %arg10[%swap3A_439], %swap3A_442 {strides = array<i32>} : memref<4096xi32, #tpu.memory_space<vmem>>, vector<16xi32>,
    }
    %scan3A_234 = arith.constant 256 : i32
    %dma_wait3A_235 = arith.constant 0 : i32
    %dma_wait3A_236 = tpu.memref_slice %arg4[%dma_wait3A_235] : memref<16777216xf32, #tpu.memory_space<hbm>> -> memref<16777216xf32, #tpu.memory_space<hbm>>
    tpu.wait_indirect_dma semaphore(%arg13 : memref<!tpu.dma_semaphore, #tpu.memory_space<semaphore_mem>>) src(%dma_wait3A_236 : memref<16777216xf32, #tpu.memory_space<hbm>>) dst(%arg26 : memref<4096xf32, #tpu.memory_space<vmem>>)
    %add3A_237 = arith.constant 20480 : i32
    %add3A_238 = arith.addi %mul3A_2, %add3A_237 : i32
    %dma_start3A_239 = tpu.memref_slice %arg6[%add3A_238] : memref<1048576xf32, #tpu.memory_space<hbm>> -> memref<4096xf32, #tpu.memory_space<hbm>>
    %dma_start3A_240 = tpu.memref_slice %arg6[%add3A_238] : memref<1048576xf32, #tpu.memory_space<hbm>> -> memref<4096xf32, #tpu.memory_space<hbm>>
    tpu.enqueue_dma source(%arg26 : memref<4096xf32, #tpu.memory_space<vmem>>) target(%dma_start3A_240 : memref<4096xf32, #tpu.memory_space<hbm>>) target_semaphore(%arg17 : memref<!tpu.dma_semaphore, #tpu.memory_space<semaphore_mem>>)
    %add3A_241 = arith.constant 12288 : i32
    %add3A_242 = arith.addi %mul3A_2, %add3A_241 : i32
    %dma_wait3A_243 = tpu.memref_slice %arg6[%add3A_242] : memref<1048576xf32, #tpu.memory_space<hbm>> -> memref<4096xf32, #tpu.memory_space<hbm>>
    %dma_wait3A_244 = tpu.memref_slice %arg6[%add3A_242] : memref<1048576xf32, #tpu.memory_space<hbm>> -> memref<4096xf32, #tpu.memory_space<hbm>>
    tpu.wait_dma2 semaphore(%arg19 : memref<!tpu.dma_semaphore, #tpu.memory_space<semaphore_mem>>) src(%arg28 : memref<4096xf32, #tpu.memory_space<vmem>>) dst(%dma_wait3A_244 : memref<4096xf32, #tpu.memory_space<hbm>>)
    %dma_start3A_245 = arith.constant 0 : i32
    %dma_start3A_246 = tpu.memref_slice %arg4[%dma_start3A_245] : memref<16777216xf32, #tpu.memory_space<hbm>> -> memref<16777216xf32, #tpu.memory_space<hbm>>
    tpu.enqueue_indirect_dma source(%dma_start3A_246 : memref<16777216xf32, #tpu.memory_space<hbm>>) target(%arg28 : memref<4096xf32, #tpu.memory_space<vmem>>) offsets(%arg10 : memref<4096xi32, #tpu.memory_space<vmem>>) semaphore(%arg15 : memref<!tpu.dma_semaphore, #tpu.memory_space<semaphore_mem>>)
    %dma_wait3A_247 = arith.constant 0 : i32
    %dma_wait3A_248 = tpu.memref_slice %arg4[%dma_wait3A_247] : memref<16777216xf32, #tpu.memory_space<hbm>> -> memref<16777216xf32, #tpu.memory_space<hbm>>
    tpu.wait_indirect_dma semaphore(%arg14 : memref<!tpu.dma_semaphore, #tpu.memory_space<semaphore_mem>>) src(%dma_wait3A_248 : memref<16777216xf32, #tpu.memory_space<hbm>>) dst(%arg27 : memref<4096xf32, #tpu.memory_space<vmem>>)
    %add3A_249 = arith.constant 24576 : i32
    %add3A_250 = arith.addi %mul3A_2, %add3A_249 : i32
    %dma_start3A_251 = tpu.memref_slice %arg6[%add3A_250] : memref<1048576xf32, #tpu.memory_space<hbm>> -> memref<4096xf32, #tpu.memory_space<hbm>>
    %dma_start3A_252 = tpu.memref_slice %arg6[%add3A_250] : memref<1048576xf32, #tpu.memory_space<hbm>> -> memref<4096xf32, #tpu.memory_space<hbm>>
    tpu.enqueue_dma source(%arg27 : memref<4096xf32, #tpu.memory_space<vmem>>) target(%dma_start3A_252 : memref<4096xf32, #tpu.memory_space<hbm>>) target_semaphore(%arg18 : memref<!tpu.dma_semaphore, #tpu.memory_space<semaphore_mem>>)
    %dma_wait3A_253 = arith.constant 0 : i32
    %dma_wait3A_254 = tpu.memref_slice %arg4[%dma_wait3A_253] : memref<16777216xf32, #tpu.memory_space<hbm>> -> memref<16777216xf32, #tpu.memory_space<hbm>>
    tpu.wait_indirect_dma semaphore(%arg15 : memref<!tpu.dma_semaphore, #tpu.memory_space<semaphore_mem>>) src(%dma_wait3A_254 : memref<16777216xf32, #tpu.memory_space<hbm>>) dst(%arg28 : memref<4096xf32, #tpu.memory_space<vmem>>)
    %add3A_255 = arith.constant 28672 : i32
    %add3A_256 = arith.addi %mul3A_2, %add3A_255 : i32
    %dma_start3A_257 = tpu.memref_slice %arg6[%add3A_256] : memref<1048576xf32, #tpu.memory_space<hbm>> -> memref<4096xf32, #tpu.memory_space<hbm>>
    %dma_start3A_258 = tpu.memref_slice %arg6[%add3A_256] : memref<1048576xf32, #tpu.memory_space<hbm>> -> memref<4096xf32, #tpu.memory_space<hbm>>
    tpu.enqueue_dma source(%arg28 : memref<4096xf32, #tpu.memory_space<vmem>>) target(%dma_start3A_258 : memref<4096xf32, #tpu.memory_space<hbm>>) target_semaphore(%arg19 : memref<!tpu.dma_semaphore, #tpu.memory_space<semaphore_mem>>)
    %add3A_259 = arith.constant 16384 : i32
    %add3A_260 = arith.addi %mul3A_2, %add3A_259 : i32
    %dma_wait3A_261 = tpu.memref_slice %arg6[%add3A_260] : memref<1048576xf32, #tpu.memory_space<hbm>> -> memref<4096xf32, #tpu.memory_space<hbm>>
    %dma_wait3A_262 = tpu.memref_slice %arg6[%add3A_260] : memref<1048576xf32, #tpu.memory_space<hbm>> -> memref<4096xf32, #tpu.memory_space<hbm>>
    tpu.wait_dma2 semaphore(%arg16 : memref<!tpu.dma_semaphore, #tpu.memory_space<semaphore_mem>>) src(%arg25 : memref<4096xf32, #tpu.memory_space<vmem>>) dst(%dma_wait3A_262 : memref<4096xf32, #tpu.memory_space<hbm>>)
    %add3A_263 = arith.constant 20480 : i32
    %add3A_264 = arith.addi %mul3A_2, %add3A_263 : i32
    %dma_wait3A_265 = tpu.memref_slice %arg6[%add3A_264] : memref<1048576xf32, #tpu.memory_space<hbm>> -> memref<4096xf32, #tpu.memory_space<hbm>>
    %dma_wait3A_266 = tpu.memref_slice %arg6[%add3A_264] : memref<1048576xf32, #tpu.memory_space<hbm>> -> memref<4096xf32, #tpu.memory_space<hbm>>
    tpu.wait_dma2 semaphore(%arg17 : memref<!tpu.dma_semaphore, #tpu.memory_space<semaphore_mem>>) src(%arg26 : memref<4096xf32, #tpu.memory_space<vmem>>) dst(%dma_wait3A_266 : memref<4096xf32, #tpu.memory_space<hbm>>)
    %add3A_267 = arith.constant 24576 : i32
    %add3A_268 = arith.addi %mul3A_2, %add3A_267 : i32
    %dma_wait3A_269 = tpu.memref_slice %arg6[%add3A_268] : memref<1048576xf32, #tpu.memory_space<hbm>> -> memref<4096xf32, #tpu.memory_space<hbm>>
    %dma_wait3A_270 = tpu.memref_slice %arg6[%add3A_268] : memref<1048576xf32, #tpu.memory_space<hbm>> -> memref<4096xf32, #tpu.memory_space<hbm>>
    tpu.wait_dma2 semaphore(%arg18 : memref<!tpu.dma_semaphore, #tpu.memory_space<semaphore_mem>>) src(%arg27 : memref<4096xf32, #tpu.memory_space<vmem>>) dst(%dma_wait3A_270 : memref<4096xf32, #tpu.memory_space<hbm>>)
    %add3A_271 = arith.constant 28672 : i32
    %add3A_272 = arith.addi %mul3A_2, %add3A_271 : i32
    %dma_wait3A_273 = tpu.memref_slice %arg6[%add3A_272] : memref<1048576xf32, #tpu.memory_space<hbm>> -> memref<4096xf32, #tpu.memory_space<hbm>>
    %dma_wait3A_274 = tpu.memref_slice %arg6[%add3A_272] : memref<1048576xf32, #tpu.memory_space<hbm>> -> memref<4096xf32, #tpu.memory_space<hbm>>
    tpu.wait_dma2 semaphore(%arg19 : memref<!tpu.dma_semaphore, #tpu.memory_space<semaphore_mem>>) src(%arg28 : memref<4096xf32, #tpu.memory_space<vmem>>) dst(%dma_wait3A_274 : memref<4096xf32, #tpu.memory_space<hbm>>)
    return
  }
}

</mosaic_0001>

<sc_bundles>
// kernel: kernel.3.cloned.1.call-start
scs
__scs_entry_jumppad:
0x0: {  	(pc) =	sbr.rel $0x88, $3  }
0x1: {  	(tag) =	ssettag $0x0;
	lr =	simm.s32 $0x1  }
0x2: {  	[smem:$0x3F9D] =	sst lr;
	_ =	strace $0xD0000000  }
0x3: {  	_ = 	snop  }
0x4: {  	_ = 	snop  }
0x5: {  	_ = 	snop  }
0x6: {  	_ = 	snop  }
0x7: {  	_ = 	snop  }
__scs_overlays_trampoline_lowered:
0x8: {  	[smem:$0x3FAC] =	sst s0  }
0x9: {  	[smem:$0x3FAD] =	sst s1  }
0xa: {  	[smem:$0x3FAE] =	sst s2  }
0xb: {  	[smem:$0x3FAF] =	sst s3  }
0xc: {  	[smem:$0x3FB0] =	sst s4  }
0xd: {  	[smem:$0x3FB1] =	sst s5  }
0xe: {  	[smem:$0x3FB2] =	sst s6  }
0xf: {  	[smem:$0x3FB3] =	sst s7  }
0x10: {  	[smem:$0x3FB4] =	sst s8  }
0x11: {  	[smem:$0x3FB5] =	sst s9;
	s0 =	simm.s32 @!p0 $0x0  }
0x12: {  	s1 =	sld [smem:$0x3F9B];
	s0 =	simm.s32 @p0 $0x1  }
0x13: {  	[smem:$0x3FB6] =	sst s0;
	s0 =	simm.s32 @!p1 $0x0  }
0x14: {  	s2 =	sld [smem:$0x3F9A];
	s0 =	simm.s32 @p1 $0x1  }
0x15: {  	[smem:$0x3FB7] =	sst s0;
	s0 =	simm.s32 @!p2 $0x0  }
0x16: {  	s3 =	sld [smem:$0x3FDB];
	s0 =	simm.s32 @p2 $0x1  }
0x17: {  	s4 =	simm.s32 $0x1BF5;
	[smem:$0x3FB9] =	sst s0  }
0x18: {  	s0 =	sld [smem:$0x3F9C];
	_ =	swait.ge [sflag:s4], $0x0  }
0x19: {  	s7 =	sld [smem:$0x3F9D]  }
0x1a: {  	s8 =	sadd.s32 $0xFFFFE003, lr  }
0x1b: {  	s9 =	sadd.s32 $0xFFFFFEF7, lr;
	s5 =	simm.s32 $0xFFFFFFFF;
	p2 =	slt.u32 s8, $0xFFFFF086  }
0x1c: {  	p1 =	slt.u32 s9, $0xF7A;
	s5 =	simm.s32 @!p2 $0x0  }
0x1d: {  	s5 =	simm.s32 @p1 $0x1;
	p0 =	seq.s32 s7, s2  }
0x1e: {  	s7 =	smul.u32 @!p0 $0xF7A, s2;
	p2 =	seq.s32 @!p0 s5, $0x0  }
0x1f: {  	s9 =	smul.u32 $0xF7A, s1;
	s8 =	simm.s32 @!p0 $0x1BF5;
	p2 =	por !p2, p0  }
0x20: {  	[sflag:s8] =	ssyncset.s32 @!p0 $0xFFFFF086;
	s6 =	sadd.s32 @!p0 s3, s7;
	s7 =	simm.s32 @!p0 $0x108  }
0x21: {  	s3 =	sadd.s32 s3, s9;
	s6 =	sadd.s32 @!p0 $0x88, s6;
	s7 =	simm.s32 @p2 $0x1082  }
0x22: {  	[simem:s7], [sflag:s8] =	dma.local @!p0 [hbm:s6], $0xF7A  }
0x23: {  	s9 =	sor.u32 $0xD0000000, s2;
	s6 =	simm.s32 $0x108;
	_ =	swait.ge @!p0 [sflag:s8], $0x0  }
0x24: {  	s3 =	sadd.s32 $0x88, s3;
	s6 =	simm.s32 @!p1 $0x1082;
	[sflag:s4] =	ssyncset.s32 $0xFFFFF086  }
0x25: {  	[simem:s6], [sflag:s4] =	dma.local [hbm:s3], $0xF7A  }
0x26: {  	[smem:$0x3F9D] =	sst s1;
	(tag) =	ssettag s2;
	_ =	strace s9  }
0x27: {  	s1 =	sld [smem:$0x3FAD]  }
0x28: {  	s2 =	sld [smem:$0x3FAE]  }
0x29: {  	s4 =	sld [smem:$0x3FB0]  }
0x2a: {  	p0 =	seq.s32 s5, $0x0;
	s5 =	sld [smem:$0x3FB1]  }
0x2b: {  	s6 =	sld [smem:$0x3FB2]  }
0x2c: {  	s7 =	sld [smem:$0x3FB3]  }
0x2d: {  	s3 =	simm.s32 $0x108;
	s8 =	sld [smem:$0x3FB4]  }
0x2e: {  	s3 =	simm.s32 @!p0 $0x1082;
	s9 =	sld [smem:$0x3FB5]  }
0x2f: {  	lr =	sadd.s32 s0, s3;
	s0 =	sld [smem:$0x3FAC]  }
0x30: {  	s3 =	sld [smem:$0x3FAF]  }
0x31: {  	[smem:$0x3FB8] =	sst s10  }
0x32: {  	s10 =	sld [smem:$0x3FB6];
	_ =	sdelay $0x3  }
0x33: {  	p0 =	seq.s32 s10, $0x1;
	s10 =	sld [smem:$0x3FB8];
	_ =	sdelay $0x3  }
0x34: {  	[smem:$0x3FB8] =	sst s10  }
0x35: {  	s10 =	sld [smem:$0x3FB7];
	_ =	sdelay $0x3  }
0x36: {  	p1 =	seq.s32 s10, $0x1;
	s10 =	sld [smem:$0x3FB8];
	_ =	sdelay $0x3  }
0x37: {  	[smem:$0x3FB8] =	sst s10  }
0x38: {  	s10 =	sld [smem:$0x3FB9]  }
0x39: {  	_ = 	snop;
	(pc) =	sbr.ind lr, $3  }
0x3a: {  	_ = 	snop  }
0x3b: {  	_ = 	snop  }
0x3c: {  	p2 =	seq.s32 s10, $0x1;
	s10 =	sld [smem:$0x3FB8]  }
0x3d: {  	_ =	shalt  }
0x3e: {  	_ =	shalt  }
0x3f: {  	_ =	shalt  }
0x40: {  	_ =	shalt  }
0x41: {  	_ =	shalt  }
0x42: {  	_ =	shalt  }
0x43: {  	_ =	shalt  }
0x44: {  	_ =	shalt  }
0x45: {  	_ =	shalt  }
0x46: {  	_ =	shalt  }
0x47: {  	_ =	shalt  }
0x48: {  	_ =	shalt  }
0x49: {  	_ =	shalt  }
0x4a: {  	_ =	shalt  }
0x4b: {  	_ =	shalt  }
0x4c: {  	_ =	shalt  }
0x4d: {  	_ =	shalt  }
0x4e: {  	_ =	shalt  }
0x4f: {  	_ =	shalt  }
0x50: {  	_ =	shalt  }
0x51: {  	_ =	shalt  }
0x52: {  	_ =	shalt  }
0x53: {  	_ =	shalt  }
0x54: {  	_ =	shalt  }
0x55: {  	_ =	shalt  }
0x56: {  	_ =	shalt  }
0x57: {  	_ =	shalt  }
0x58: {  	_ =	shalt  }
0x59: {  	_ =	shalt  }
0x5a: {  	_ =	shalt  }
0x5b: {  	_ =	shalt  }
0x5c: {  	_ =	shalt  }
0x5d: {  	_ =	shalt  }
0x5e: {  	_ =	shalt  }
0x5f: {  	_ =	shalt  }
0x60: {  	_ =	shalt  }
0x61: {  	_ =	shalt  }
0x62: {  	_ =	shalt  }
0x63: {  	_ =	shalt  }
0x64: {  	_ =	shalt  }
0x65: {  	_ =	shalt  }
0x66: {  	_ =	shalt  }
0x67: {  	_ =	shalt  }
0x68: {  	_ =	shalt  }
0x69: {  	_ =	shalt  }
0x6a: {  	_ =	shalt  }
0x6b: {  	_ =	shalt  }
0x6c: {  	_ =	shalt  }
0x6d: {  	_ =	shalt  }
0x6e: {  	_ =	shalt  }
0x6f: {  	_ =	shalt  }
0x70: {  	_ =	shalt  }
0x71: {  	_ =	shalt  }
0x72: {  	_ =	shalt  }
0x73: {  	_ =	shalt  }
0x74: {  	_ =	shalt  }
0x75: {  	_ =	shalt  }
0x76: {  	_ =	shalt  }
0x77: {  	_ =	shalt  }
0x78: {  	_ =	shalt  }
0x79: {  	_ =	shalt  }
0x7a: {  	_ =	shalt  }
0x7b: {  	_ =	shalt  }
0x7c: {  	_ =	shalt  }
0x7d: {  	_ =	shalt  }
0x7e: {  	_ =	shalt  }
0x7f: {  	_ =	shalt  }
0x80: {  	_ =	shalt  }
0x81: {  	_ =	shalt  }
0x82: {  	_ =	shalt  }
0x83: {  	_ =	shalt  }
0x84: {  	_ =	shalt  }
0x85: {  	_ =	shalt  }
0x86: {  	_ =	shalt  }
0x87: {  	_ =	shalt  }
.Lfunc_end0:
.L_simem_size_0:
called_computation.1_lowered:
.L_overlay_start_0:
0x88: {  	s2 =	sld [smem:$0x3FD9]  }
0x89: {  	s3 =	sld [smem:$0x3FFE];
	_ =	sdelay $0x1  }
0x8a: {  	s1 =	srdreg.scid  }
0x8b: {  	s0 =	sand.u32 $0x1, s1  }
0x8c: {  	s17 =	sshll.u32 s0, $0xA;
	s2 =	sadd.s32 s3, s2  }
0x8d: {  	s2 =	sadd.s32 s2, s17  }
0x8e: {  	[smem:$0x3FC4] =	sst s2  }
0x8f: {  	_ = 	snop  }
0x90: {  	s2 =	sld [smem:$0x3FD0];
	(tm) =	ssettm $0x1  }
0x91: {  	s18 =	sld [smem:$0x3FFB];
	_ =	sdelay $0x3  }
0x92: {  	_ =	strace s18  }
0x93: {  	s3 =	sld [smem:$0x3FFC];
	_ =	sdelay $0x3  }
0x94: {  	_ =	strace s3  }
0x95: {  	s3 =	sld [smem:$0x3FFD];
	_ =	sdelay $0x3  }
0x96: {  	_ =	strace s3  }
0x97: {  	_ =	strace $0x8FFFFFFF  }
0x98: {  	s19 =	sld [smem:$0x3FDB];
	_ =	sdelay $0x1  }
0x99: {  	s4 =	simm.s32 $_scs_section_size  }
0x9a: {  	s5 =	simm.s32 $_size__tile_overlayer_lowered;
	s6 =	simm.s32 $_tile_overlayer_lowered  }
0x9b: {  	s22 =	simm.s32 $0x1BFF;
	s21 =	sshll.u32 s6, $0x1;
	s3 =	sadd.s32 s4, s19  }
0x9c: {  	s7 =	simm.s32 $0x0;
	s20 =	sshll.u32 s5, $0x1;
	s5 =	sadd.s32 s21, s3  }
0x9d: {  	[timem:s7], [sflag:s22] =	dma.local [hbm:s5], s20  }
0x9e: {  	_ =	swait.ge [sflag:s22], s20  }
0x9f: {  	s4 =	ssub.s32 $0x0, s20;
	[sflag:s22] =	ssyncset.done $0x0  }
0xa0: {  	[sflag:s22] =	ssyncadd.s32 s4;
	_ =	sdelay $0x1  }
0xa1: {  	s23 =	simm.s32 $0x1B8B  }
0xa2: {  	_ =	swait.ge [sflag:s23], $0x1  }
0xa3: {  	[sflag:s23] =	ssyncset.done $0x0  }
0xa4: {  	s25 =	simm.s32 $0x1B8E;
	s24 =	sld [smem:$0x3FFE];
	[sflag:s23] =	ssyncadd.s32 $0xFFFFFFFF  }
0xa5: {  	s26 =	simm.s32 $execute0_lowered;
	[smem:$0x3FD2] =	sst s25  }
0xa6: {  	s5 =	sshll.u32 s26, $0x1;
	_ =	strace $0x80000049;
	[dreg:$0x1] =	wrdreg $0xFFFFFFFF  }
0xa7: {  	s28 =	simm.s32 $_size_execute0_lowered;
	s3 =	sadd.s32 s3, s5;
	[dreg:$0x0] =	wrdreg $0x0  }
0xa8: {  	s5 =	sshll.u32 s28, $0x1;
	[dreg:$0x2] =	wrdreg s3  }
0xa9: {  	[dreg:$0x3] =	wrdreg s5  }
0xaa: {  	[dreg:$0x4] =	wrdreg $0xC0  }
0xab: {  	_ =	task [dreg:s7], $0x5FFFF  }
0xac: {  	[dreg:$0x1] =	wrdreg $0xFFFFFFFF  }
0xad: {  	[dreg:$0x0] =	wrdreg $0x60  }
0xae: {  	[dreg:$0x2] =	wrdreg s24  }
0xaf: {  	[dreg:$0x3] =	wrdreg s2  }
0xb0: {  	[dreg:$0x4] =	wrdreg $0x9  }
0xb1: {  	_ =	task.clear_ibuf [dreg:s7], $0x5FFFF;
	_ =	strace $0x90000049  }
0xb2: {  	s29 =	simm.s32 $0x9;
	_ =	strace $0x8000004B  }
0xb3: {  	_ =	swait.ge [sflag:s29], $0x1  }
0xb4: {  	[sflag:s29] =	ssyncadd.s32 $0xFFFFFFFF  }
0xb5: {  	_ =	strace $0x9000004B  }
0xb6: {  	_ =	sfence  }
0xb7: {  	s30 =	sld [smem:$0x0];
	_ =	sdelay $0x2  }
0xb8: {  	s31 =	sshll.u32 s1, $0xD;
	s1 =	sshrl.u32 s1, $0x2  }
0xb9: {  	s3 =	sand.u32 $0x4000, s31;
	s1 =	sadd.s32 s1, s30  }
0xba: {  	s0 =	sor.u32 s3, s0;
	s1 =	sshll.u32 s1, $0x11  }
0xbb: {  	s0 =	sor.u32 s1, s0  }
0xbc: {  	s0 =	sadd.s32 $0x8F2B, s0  }
0xbd: {  	[sflag:s0] =	ssyncadd.remote.s32 $0x1  }
0xbe: {  	_ =	sfence.sel $0xFFFF  }
0xbf: {  	[dreg:$0x0] =	wrdreg $0xFFFFFFFF;
	(pc) =	sbr.abs _section_cstart, $3  }
0xc0: {  	[dreg:$0x1] =	wrdreg $0xFFFFFFFF  }
0xc1: {  	_ =	task.clear_ibuf [dreg:s7], $0x2FFFF;
	_ =	strace $0x9FFFFFFF  }
0xc2: {  	(tm) =	ssettm $0x7FFFFFFF  }
0xc3: {  	_ =	shalt  }
tec
execute0_lowered:
.L_overlay_start_1:
0x0: {  	(tag) =	ssettag $0x1  }
0x1: {  	s1 =	rddreg [dreg:$0x0]  }
0x2: {  	s2 =	rddreg [dreg:$0x1]  }
0x3: {  	s0 =	simm.s32 $0x0;
	s3 =	srdreg.scid;
	s7 =	stileid.u32  }
0x4: {  	s31 =	simm.s32 $0x5200;
	[smem:$0x7FF] =	sst s0;
	s3 =	sand.u32 $0x1, s3  }
0x5: {  	s7 =	sshll.u32 s7, $0xD;
	s5 =	ssub.s32 $0x2, s3;
	s3 =	sshll.u32 s3, $0xC  }
0x6: {  	s4 =	sadd.s32 $0x221000, s1;
	s8 =	sadd.s32 $0x201000, s1;
	s3 =	sor.u32 s3, s7  }
0x7: {  	s28 =	sadd.s32 $0x1000, s1;
	s29 =	sadd.s32 $0x241000, s1;
	s21 =	sadd.s32 s4, s3  }
0x8: {  	s1 =	simm.s32 $0x4200;
	s22 =	sadd.s32 s8, s3;
	[dreg:$0x3] =	wrdreg s21  }
0x9: {  	s23 =	sor.u32 $0x200, s3;
	s10 =	sadd.s32 s2, s3;
	[dreg:$0x4] =	wrdreg s22  }
0xa: {  	s6 =	sshrl.u32 s5, $0x1;
	s24 =	sadd.s32 s4, s23;
	[dreg:$0x9] =	wrdreg s10  }
0xb: {  	s26 =	sor.u32 $0x400, s3;
	s25 =	sadd.s32 s8, s23;
	[dreg:$0x5] =	wrdreg s24  }
0xc: {  	s7 =	simm.s32 $0xD;
	s9 =	sadd.s32 s4, s26;
	[dreg:$0x6] =	wrdreg s25  }
0xd: {  	s13 =	sor.u32 $0x600, s3;
	s12 =	sadd.s32 s8, s26;
	[dreg:$0x7] =	wrdreg s9  }
0xe: {  	s5 =	ssub.s32 s5, s6;
	s14 =	sadd.s32 s4, s13;
	[dreg:$0x8] =	wrdreg s12  }
0xf: {  	s15 =	sor.u32 $0x800, s3;
	s11 =	sadd.s32 s8, s13;
	[dreg:$0xa] =	wrdreg s14  }
0x10: {  	s19 =	sor.u32 $0xA00, s3;
	s6 =	sadd.s32 s2, s23;
	[dreg:$0xb] =	wrdreg s11  }
0x11: {  	s16 =	sadd.s32 s4, s15;
	s17 =	sadd.s32 s8, s15;
	[dreg:$0xc] =	wrdreg s6  }
0x12: {  	s18 =	sadd.s32 s2, s26;
	s20 =	sadd.s32 s4, s19;
	[dreg:$0xd] =	wrdreg s16  }
0x13: {  	s21 =	sadd.s32 s2, s13;
	s22 =	sor.u32 $0xC00, s3;
	[dreg:$0xe] =	wrdreg s17  }
0x14: {  	s23 =	sadd.s32 s2, s15;
	s3 =	sor.u32 $0xE00, s3;
	[dreg:$0xf] =	wrdreg s18  }
0x15: {  	s30 =	smax.u32 s5, $0x1;
	s5 =	simm.s32 $0x1000;
	[dreg:$0x10] =	wrdreg s20  }
0x16: {  	s10 =	simm.s32 $0x6200;
	s13 =	simm.s32 $0x2;
	[dreg:$0x11] =	wrdreg s21  }
0x17: {  	s15 =	simm.s32 $0x3;
	[dreg:$0x12] =	wrdreg s23;
	s24 =	sadd.s32 s4, s22  }
0x18: {  	s4 =	sadd.s32 s4, s3;
	s25 =	sadd.s32 s8, s19;
	s26 =	sadd.s32 s8, s22  }
0x19: {  	s23 =	sadd.s32 s8, s3;
	s18 =	simm.s32 $0x9;
	s6 =	simm.s32 $0xB  }
0x1a: {  	s8 =	simm.s32 $0x1;
	s14 =	simm.s32 $0x7200;
	[dreg:$0x13] =	wrdreg s24  }
0x1b: {  	s9 =	simm.s32 $0x5;
	s16 =	simm.s32 $0x4;
	[dreg:$0x14] =	wrdreg s4  }
0x1c: {  	s11 =	simm.s32 $0x6;
	s17 =	simm.s32 $0x7;
	[dreg:$0x15] =	wrdreg s25  }
0x1d: {  	s12 =	simm.s32 $0x8;
	[dreg:$0x16] =	wrdreg s26;
	s24 =	sadd.s32 s2, s19  }
0x1e: {  	s25 =	sadd.s32 s2, s22;
	s26 =	sadd.s32 s2, s3;
	s4 =	simm.s32 $0xA  }
0x1f: {  	s3 =	simm.s32 $0xC;
	s19 =	simm.s32 $0x0;
	_ =	strace $0x8000004A  }
.LBB2_1:
0x20: {  	s2 =	simm.s32 $0x4000  }
0x21: {  	[tilespmem:s2], [sflag:$0x9] =	stream.linear.gather [hbm4b:s29+s0], $0x200, $0x38;
	[tilespmem:$0x10200] =	vst v63  }
0x22: {  	_ =	swait.ge [sflag:s18], $0x200  }
0x23: {  	[sflag:s18] =	ssyncset.done $0x0  }
0x24: {  	[sflag:s18] =	ssyncadd.s32 $0xFFFFFE00  }
0x25: {  	v0 =	vld [tilespmem:$0x4000]  }
0x26: {  	v1 =	vld [tilespmem:$0x4080]  }
0x27: {  	s20 =	simm.s32 $0x8200;
	s22 =	rddreg [dreg:$0x3];
	v2 =	vld [tilespmem:$0x4100]  }
0x28: {  	v3 =	vld [tilespmem:$0x4180];
	[tilespmem:s20], [sflag:$0xA] =	stream.linear.gather [hbm4b:s22+s0], $0x1000, $0x38  }
0x29: {  	s21 =	rddreg [dreg:$0x4];
	s22 =	simm.s32 $0xC200  }
0x2a: {  	[tilespmem:s22], [sflag:$0xA] =	stream.linear.gather [hbm4b:s21+s0], $0x1000, $0x38;
	[tilespmem:$0x10200] =	vst v63  }
0x2b: {  	s21 =	rddreg [dreg:$0x5];
	s22 =	simm.s32 $0x9200  }
0x2c: {  	[tilespmem:s22], [sflag:$0xB] =	stream.linear.gather [hbm4b:s21+s0], $0x1000, $0x38;
	[tilespmem:$0x10200] =	vst v63  }
0x2d: {  	s21 =	rddreg [dreg:$0x6];
	s22 =	simm.s32 $0xD200  }
0x2e: {  	[tilespmem:s22], [sflag:$0xB] =	stream.linear.gather [hbm4b:s21+s0], $0x1000, $0x38;
	[tilespmem:$0x10200] =	vst v63  }
0x2f: {  	_ =	swait.ge [sflag:s4], $0x1000  }
0x30: {  	[sflag:s4] =	ssyncset.done $0x0  }
0x31: {  	[sflag:s4] =	ssyncadd.s32 $0xFFFFF000  }
0x32: {  	_ =	swait.ge [sflag:s4], $0x1000  }
0x33: {  	(erf) = vrcp.f32 v2  }
0x34: {  	[sflag:s4] =	ssyncset.done $0x0;
	(erf) = vrcp.f32 v3  }
0x35: {  	s21 =	simm.s32 $0x8220;
	[sflag:s4] =	ssyncadd.s32 $0xFFFFF000  }
0x36: {  	s20 =	simm.s32 $0xC220;
	v2 =	vld [tilespmem:s21+$0xFFFFFFE0]  }
0x37: {  	v3 =	vld [tilespmem:s20+$0xFFFFFFE0];
	_ =	sdelay $0x3  }
0x38: {  	v4 =	vsub.f32 v2, v0  }
0x39: {  	v5 =	vsub.f32 v3, v1;
	v2 =	vpop (erf)  }
0x3a: {  	v3 =	vpop (erf);
	v4 =	vmul.f32 v4, v2  }
0x3b: {  	v5 =	vmul.f32 v5, v3  }
0x3c: {  	v4 =	vmax.f32 v4, $0.0e+00  }
0x3d: {  	v4 =	vmin.f32 v4, $1.000000000e+00;
	v5 =	vmax.f32 v5, $0.0e+00  }
0x3e: {  	v5 =	vmin.f32 v5, $1.000000000e+00;
	v4 =	vmul.f32 $4.095000000e+03, v4  }
0x3f: {  	v5 =	vmul.f32 $4.095000000e+03, v5  }
0x40: {  	v4 =	vtrunc.f32 v4  }
0x41: {  	v4 =	vcvt.f32.s32 v4;
	v5 =	vtrunc.f32 v5  }
0x42: {  	v5 =	vcvt.f32.s32 v5  }
0x43: {  	v4 =	vshll.u32 v4, $0xC  }
0x44: {  	s2 =	simm.s32 $0x20;
	v4 =	vadd.s32 v5, v4  }
0x45: {  	[tilespmem:s2+$0xFFFFFFE0] =	vst v4  }
0x46: {  	v4 =	vld [tilespmem:s21+$0xFFFFFFF0]  }
0x47: {  	v5 =	vld [tilespmem:s20+$0xFFFFFFF0];
	_ =	sdelay $0x3  }
0x48: {  	v4 =	vsub.f32 v4, v0  }
0x49: {  	v5 =	vsub.f32 v5, v1  }
0x4a: {  	v4 =	vmul.f32 v4, v2  }
0x4b: {  	v5 =	vmul.f32 v5, v3  }
0x4c: {  	v4 =	vmax.f32 v4, $0.0e+00  }
0x4d: {  	v5 =	vmax.f32 v5, $0.0e+00;
	v4 =	vmin.f32 v4, $1.000000000e+00  }
0x4e: {  	v5 =	vmin.f32 v5, $1.000000000e+00;
	v4 =	vmul.f32 $4.095000000e+03, v4  }
0x4f: {  	v5 =	vmul.f32 $4.095000000e+03, v5  }
0x50: {  	v4 =	vtrunc.f32 v4  }
0x51: {  	v5 =	vtrunc.f32 v5;
	v4 =	vcvt.f32.s32 v4  }
0x52: {  	v5 =	vcvt.f32.s32 v5  }
0x53: {  	v4 =	vshll.u32 v4, $0xC  }
0x54: {  	v4 =	vadd.s32 v5, v4  }
0x55: {  	[tilespmem:s2+$0xFFFFFFF0] =	vst v4  }
0x56: {  	v4 =	vld [tilespmem:s21+$0x0]  }
0x57: {  	v5 =	vld [tilespmem:s20+$0x0];
	_ =	sdelay $0x3  }
0x58: {  	v4 =	vsub.f32 v4, v0  }
0x59: {  	v5 =	vsub.f32 v5, v1  }
0x5a: {  	v4 =	vmul.f32 v4, v2  }
0x5b: {  	v5 =	vmul.f32 v5, v3  }
0x5c: {  	v4 =	vmax.f32 v4, $0.0e+00  }
0x5d: {  	v5 =	vmax.f32 v5, $0.0e+00;
	v4 =	vmin.f32 v4, $1.000000000e+00  }
0x5e: {  	v5 =	vmin.f32 v5, $1.000000000e+00;
	v4 =	vmul.f32 $4.095000000e+03, v4  }
0x5f: {  	v5 =	vmul.f32 $4.095000000e+03, v5  }
0x60: {  	v4 =	vtrunc.f32 v4  }
0x61: {  	v5 =	vtrunc.f32 v5;
	v4 =	vcvt.f32.s32 v4  }
0x62: {  	v5 =	vcvt.f32.s32 v5  }
0x63: {  	v4 =	vshll.u32 v4, $0xC  }
0x64: {  	v4 =	vadd.s32 v5, v4  }
0x65: {  	[tilespmem:s2+$0x0] =	vst v4  }
0x66: {  	v4 =	vld [tilespmem:s21+$0x10]  }
0x67: {  	v5 =	vld [tilespmem:s20+$0x10];
	_ =	sdelay $0x3  }
0x68: {  	v4 =	vsub.f32 v4, v0  }
0x69: {  	v5 =	vsub.f32 v5, v1  }
0x6a: {  	v4 =	vmul.f32 v4, v2  }
0x6b: {  	v5 =	vmul.f32 v5, v3  }
0x6c: {  	v4 =	vmax.f32 v4, $0.0e+00  }
0x6d: {  	v5 =	vmax.f32 v5, $0.0e+00;
	v4 =	vmin.f32 v4, $1.000000000e+00  }
0x6e: {  	v5 =	vmin.f32 v5, $1.000000000e+00;
	v4 =	vmul.f32 $4.095000000e+03, v4  }
0x6f: {  	v5 =	vmul.f32 $4.095000000e+03, v5  }
0x70: {  	v4 =	vtrunc.f32 v4  }
0x71: {  	v5 =	vtrunc.f32 v5;
	v4 =	vcvt.f32.s32 v4  }
0x72: {  	v5 =	vcvt.f32.s32 v5  }
0x73: {  	v4 =	vshll.u32 v4, $0xC  }
0x74: {  	v4 =	vadd.s32 v5, v4  }
0x75: {  	s22 =	simm.s32 $0x8260;
	s21 =	simm.s32 $0x0;
	[tilespmem:s2+$0x10] =	vst v4  }
.LBB2_2:
0x76: {  	v4 =	vld [tilespmem:s22+$0xFFFFFFE0];
	s21 =	sadd.s32 $0x4, s21;
	s20 =	sadd.s32 $0x40, s20  }
0x77: {  	v5 =	vld [tilespmem:s20+$0xFFFFFFE0];
	p0 =	slt.u32 s21, $0xFC;
	_ =	sdelay $0x3  }
0x78: {  	v4 =	vsub.f32 v4, v0  }
0x79: {  	v5 =	vsub.f32 v5, v1  }
0x7a: {  	v4 =	vmul.f32 v4, v2  }
0x7b: {  	v5 =	vmul.f32 v5, v3  }
0x7c: {  	v4 =	vmax.f32 v4, $0.0e+00  }
0x7d: {  	v4 =	vmin.f32 v4, $1.000000000e+00;
	v5 =	vmax.f32 v5, $0.0e+00  }
0x7e: {  	v5 =	vmin.f32 v5, $1.000000000e+00;
	v4 =	vmul.f32 $4.095000000e+03, v4  }
0x7f: {  	v5 =	vmul.f32 $4.095000000e+03, v5  }
0x80: {  	v4 =	vtrunc.f32 v4  }
0x81: {  	v4 =	vcvt.f32.s32 v4;
	v5 =	vtrunc.f32 v5  }
0x82: {  	v5 =	vcvt.f32.s32 v5  }
0x83: {  	v4 =	vshll.u32 v4, $0xC  }
0x84: {  	s2 =	sadd.s32 $0x40, s2;
	v4 =	vadd.s32 v5, v4  }
0x85: {  	[tilespmem:s2+$0xFFFFFFE0] =	vst v4  }
0x86: {  	v4 =	vld [tilespmem:s22+$0xFFFFFFF0]  }
0x87: {  	v5 =	vld [tilespmem:s20+$0xFFFFFFF0];
	_ =	sdelay $0x3  }
0x88: {  	v4 =	vsub.f32 v4, v0  }
0x89: {  	v5 =	vsub.f32 v5, v1  }
0x8a: {  	v4 =	vmul.f32 v4, v2  }
0x8b: {  	v5 =	vmul.f32 v5, v3  }
0x8c: {  	v4 =	vmax.f32 v4, $0.0e+00  }
0x8d: {  	v4 =	vmin.f32 v4, $1.000000000e+00;
	v5 =	vmax.f32 v5, $0.0e+00  }
0x8e: {  	v5 =	vmin.f32 v5, $1.000000000e+00;
	v4 =	vmul.f32 $4.095000000e+03, v4  }
0x8f: {  	v5 =	vmul.f32 $4.095000000e+03, v5  }
0x90: {  	v4 =	vtrunc.f32 v4  }
0x91: {  	v4 =	vcvt.f32.s32 v4;
	v5 =	vtrunc.f32 v5  }
0x92: {  	v5 =	vcvt.f32.s32 v5  }
0x93: {  	v4 =	vshll.u32 v4, $0xC  }
0x94: {  	v4 =	vadd.s32 v5, v4  }
0x95: {  	[tilespmem:s2+$0xFFFFFFF0] =	vst v4  }
0x96: {  	v4 =	vld [tilespmem:s22+$0x0]  }
0x97: {  	v5 =	vld [tilespmem:s20+$0x0];
	_ =	sdelay $0x3  }
0x98: {  	v4 =	vsub.f32 v4, v0  }
0x99: {  	v5 =	vsub.f32 v5, v1  }
0x9a: {  	v4 =	vmul.f32 v4, v2  }
0x9b: {  	v5 =	vmul.f32 v5, v3  }
0x9c: {  	v4 =	vmax.f32 v4, $0.0e+00  }
0x9d: {  	v4 =	vmin.f32 v4, $1.000000000e+00;
	v5 =	vmax.f32 v5, $0.0e+00  }
0x9e: {  	v5 =	vmin.f32 v5, $1.000000000e+00;
	v4 =	vmul.f32 $4.095000000e+03, v4  }
0x9f: {  	v5 =	vmul.f32 $4.095000000e+03, v5  }
0xa0: {  	v4 =	vtrunc.f32 v4  }
0xa1: {  	v4 =	vcvt.f32.s32 v4;
	v5 =	vtrunc.f32 v5  }
0xa2: {  	v5 =	vcvt.f32.s32 v5  }
0xa3: {  	v4 =	vshll.u32 v4, $0xC  }
0xa4: {  	v4 =	vadd.s32 v5, v4  }
0xa5: {  	[tilespmem:s2+$0x0] =	vst v4  }
0xa6: {  	v4 =	vld [tilespmem:s22+$0x10]  }
0xa7: {  	v5 =	vld [tilespmem:s20+$0x10];
	_ =	sdelay $0x3  }
0xa8: {  	v4 =	vsub.f32 v4, v0  }
0xa9: {  	v5 =	vsub.f32 v5, v1  }
0xaa: {  	v4 =	vmul.f32 v4, v2  }
0xab: {  	v5 =	vmul.f32 v5, v3  }
0xac: {  	v4 =	vmax.f32 v4, $0.0e+00  }
0xad: {  	v4 =	vmin.f32 v4, $1.000000000e+00;
	v5 =	vmax.f32 v5, $0.0e+00  }
0xae: {  	v5 =	vmin.f32 v5, $1.000000000e+00;
	v4 =	vmul.f32 $4.095000000e+03, v4  }
0xaf: {  	v5 =	vmul.f32 $4.095000000e+03, v5  }
0xb0: {  	v4 =	vtrunc.f32 v4  }
.Ltmp0:
0xb1: {  	v4 =	vcvt.f32.s32 v4;
	v5 =	vtrunc.f32 v5;
	(pc) =	sbr.rel @p0 .LBB2_2-.Ltmp0, $4  }
0xb2: {  	v5 =	vcvt.f32.s32 v5  }
0xb3: {  	v4 =	vshll.u32 v4, $0xC  }
0xb4: {  	v4 =	vadd.s32 v5, v4  }
0xb5: {  	s22 =	sadd.s32 $0x40, s22;
	[tilespmem:s2+$0x10] =	vst v4  }
0xb6: {  	[tilespmem:s1], [sflag:$0x1] =	stream.indirect.gather [hbm4b:s28+s5], $0x1, s0, s5, $0xb8;
	[tilespmem:$0x10200] =	vst v63  }
0xb7: {  	_ =	swait.ge [sflag:s6], $0x1000  }
0xb8: {  	[sflag:s6] =	ssyncset.done $0x0  }
0xb9: {  	[sflag:s6] =	ssyncadd.s32 $0xFFFFF000  }
0xba: {  	_ =	swait.ge [sflag:s6], $0x1000  }
0xbb: {  	[sflag:s6] =	ssyncset.done $0x0  }
0xbc: {  	s21 =	simm.s32 $0x9220;
	[sflag:s6] =	ssyncadd.s32 $0xFFFFF000  }
0xbd: {  	s20 =	simm.s32 $0xD220;
	v4 =	vld [tilespmem:s21+$0xFFFFFFE0]  }
0xbe: {  	v5 =	vld [tilespmem:s20+$0xFFFFFFE0];
	_ =	sdelay $0x3  }
0xbf: {  	v4 =	vsub.f32 v4, v0  }
0xc0: {  	v5 =	vsub.f32 v5, v1  }
0xc1: {  	v4 =	vmul.f32 v4, v2  }
0xc2: {  	v5 =	vmul.f32 v5, v3  }
0xc3: {  	v4 =	vmax.f32 v4, $0.0e+00  }
0xc4: {  	v5 =	vmax.f32 v5, $0.0e+00;
	v4 =	vmin.f32 v4, $1.000000000e+00  }
0xc5: {  	v5 =	vmin.f32 v5, $1.000000000e+00;
	v4 =	vmul.f32 $4.095000000e+03, v4  }
0xc6: {  	v5 =	vmul.f32 $4.095000000e+03, v5  }
0xc7: {  	v4 =	vtrunc.f32 v4  }
0xc8: {  	v5 =	vtrunc.f32 v5;
	v4 =	vcvt.f32.s32 v4  }
0xc9: {  	v5 =	vcvt.f32.s32 v5  }
0xca: {  	v4 =	vshll.u32 v4, $0xC  }
0xcb: {  	s2 =	simm.s32 $0x1020;
	v4 =	vadd.s32 v5, v4  }
0xcc: {  	[tilespmem:s2+$0xFFFFFFE0] =	vst v4  }
0xcd: {  	v4 =	vld [tilespmem:s21+$0xFFFFFFF0]  }
0xce: {  	v5 =	vld [tilespmem:s20+$0xFFFFFFF0];
	_ =	sdelay $0x3  }
0xcf: {  	v4 =	vsub.f32 v4, v0  }
0xd0: {  	v5 =	vsub.f32 v5, v1  }
0xd1: {  	v4 =	vmul.f32 v4, v2  }
0xd2: {  	v5 =	vmul.f32 v5, v3  }
0xd3: {  	v4 =	vmax.f32 v4, $0.0e+00  }
0xd4: {  	v5 =	vmax.f32 v5, $0.0e+00;
	v4 =	vmin.f32 v4, $1.000000000e+00  }
0xd5: {  	v5 =	vmin.f32 v5, $1.000000000e+00;
	v4 =	vmul.f32 $4.095000000e+03, v4  }
0xd6: {  	v5 =	vmul.f32 $4.095000000e+03, v5  }
0xd7: {  	v4 =	vtrunc.f32 v4  }
0xd8: {  	v5 =	vtrunc.f32 v5;
	v4 =	vcvt.f32.s32 v4  }
0xd9: {  	v5 =	vcvt.f32.s32 v5  }
0xda: {  	v4 =	vshll.u32 v4, $0xC  }
0xdb: {  	v4 =	vadd.s32 v5, v4  }
0xdc: {  	[tilespmem:s2+$0xFFFFFFF0] =	vst v4  }
0xdd: {  	v4 =	vld [tilespmem:s21+$0x0]  }
0xde: {  	v5 =	vld [tilespmem:s20+$0x0];
	_ =	sdelay $0x3  }
0xdf: {  	v4 =	vsub.f32 v4, v0  }
0xe0: {  	v5 =	vsub.f32 v5, v1  }
0xe1: {  	v4 =	vmul.f32 v4, v2  }
0xe2: {  	v5 =	vmul.f32 v5, v3  }
0xe3: {  	v4 =	vmax.f32 v4, $0.0e+00  }
0xe4: {  	v5 =	vmax.f32 v5, $0.0e+00;
	v4 =	vmin.f32 v4, $1.000000000e+00  }
0xe5: {  	v5 =	vmin.f32 v5, $1.000000000e+00;
	v4 =	vmul.f32 $4.095000000e+03, v4  }
0xe6: {  	v5 =	vmul.f32 $4.095000000e+03, v5  }
0xe7: {  	v4 =	vtrunc.f32 v4  }
0xe8: {  	v5 =	vtrunc.f32 v5;
	v4 =	vcvt.f32.s32 v4  }
0xe9: {  	v5 =	vcvt.f32.s32 v5  }
0xea: {  	v4 =	vshll.u32 v4, $0xC  }
0xeb: {  	v4 =	vadd.s32 v5, v4  }
0xec: {  	[tilespmem:s2+$0x0] =	vst v4  }
0xed: {  	v4 =	vld [tilespmem:s21+$0x10]  }
0xee: {  	v5 =	vld [tilespmem:s20+$0x10];
	_ =	sdelay $0x3  }
0xef: {  	v4 =	vsub.f32 v4, v0  }
0xf0: {  	v5 =	vsub.f32 v5, v1  }
0xf1: {  	v4 =	vmul.f32 v4, v2  }
0xf2: {  	v5 =	vmul.f32 v5, v3  }
0xf3: {  	v4 =	vmax.f32 v4, $0.0e+00  }
0xf4: {  	v5 =	vmax.f32 v5, $0.0e+00;
	v4 =	vmin.f32 v4, $1.000000000e+00  }
0xf5: {  	v5 =	vmin.f32 v5, $1.000000000e+00;
	v4 =	vmul.f32 $4.095000000e+03, v4  }
0xf6: {  	v5 =	vmul.f32 $4.095000000e+03, v5  }
0xf7: {  	v4 =	vtrunc.f32 v4  }
0xf8: {  	v5 =	vtrunc.f32 v5;
	v4 =	vcvt.f32.s32 v4  }
0xf9: {  	v5 =	vcvt.f32.s32 v5  }
0xfa: {  	v4 =	vshll.u32 v4, $0xC  }
0xfb: {  	v4 =	vadd.s32 v5, v4  }
0xfc: {  	s22 =	simm.s32 $0x9260;
	s21 =	simm.s32 $0x0;
	[tilespmem:s2+$0x10] =	vst v4  }
.LBB2_4:
0xfd: {  	v4 =	vld [tilespmem:s22+$0xFFFFFFE0];
	s21 =	sadd.s32 $0x4, s21;
	s20 =	sadd.s32 $0x40, s20  }
0xfe: {  	v5 =	vld [tilespmem:s20+$0xFFFFFFE0];
	p0 =	slt.u32 s21, $0xFC;
	_ =	sdelay $0x3  }
0xff: {  	v4 =	vsub.f32 v4, v0  }
0x100: {  	v5 =	vsub.f32 v5, v1  }
0x101: {  	v4 =	vmul.f32 v4, v2  }
0x102: {  	v5 =	vmul.f32 v5, v3  }
0x103: {  	v4 =	vmax.f32 v4, $0.0e+00  }
0x104: {  	v4 =	vmin.f32 v4, $1.000000000e+00;
	v5 =	vmax.f32 v5, $0.0e+00  }
0x105: {  	v5 =	vmin.f32 v5, $1.000000000e+00;
	v4 =	vmul.f32 $4.095000000e+03, v4  }
0x106: {  	v5 =	vmul.f32 $4.095000000e+03, v5  }
0x107: {  	v4 =	vtrunc.f32 v4  }
0x108: {  	v4 =	vcvt.f32.s32 v4;
	v5 =	vtrunc.f32 v5  }
0x109: {  	v5 =	vcvt.f32.s32 v5  }
0x10a: {  	v4 =	vshll.u32 v4, $0xC  }
0x10b: {  	s2 =	sadd.s32 $0x40, s2;
	v4 =	vadd.s32 v5, v4  }
0x10c: {  	[tilespmem:s2+$0xFFFFFFE0] =	vst v4  }
0x10d: {  	v4 =	vld [tilespmem:s22+$0xFFFFFFF0]  }
0x10e: {  	v5 =	vld [tilespmem:s20+$0xFFFFFFF0];
	_ =	sdelay $0x3  }
0x10f: {  	v4 =	vsub.f32 v4, v0  }
0x110: {  	v5 =	vsub.f32 v5, v1  }
0x111: {  	v4 =	vmul.f32 v4, v2  }
0x112: {  	v5 =	vmul.f32 v5, v3  }
0x113: {  	v4 =	vmax.f32 v4, $0.0e+00  }
0x114: {  	v4 =	vmin.f32 v4, $1.000000000e+00;
	v5 =	vmax.f32 v5, $0.0e+00  }
0x115: {  	v5 =	vmin.f32 v5, $1.000000000e+00;
	v4 =	vmul.f32 $4.095000000e+03, v4  }
0x116: {  	v5 =	vmul.f32 $4.095000000e+03, v5  }
0x117: {  	v4 =	vtrunc.f32 v4  }
0x118: {  	v4 =	vcvt.f32.s32 v4;
	v5 =	vtrunc.f32 v5  }
0x119: {  	v5 =	vcvt.f32.s32 v5  }
0x11a: {  	v4 =	vshll.u32 v4, $0xC  }
0x11b: {  	v4 =	vadd.s32 v5, v4  }
0x11c: {  	[tilespmem:s2+$0xFFFFFFF0] =	vst v4  }
0x11d: {  	v4 =	vld [tilespmem:s22+$0x0]  }
0x11e: {  	v5 =	vld [tilespmem:s20+$0x0];
	_ =	sdelay $0x3  }
0x11f: {  	v4 =	vsub.f32 v4, v0  }
0x120: {  	v5 =	vsub.f32 v5, v1  }
0x121: {  	v4 =	vmul.f32 v4, v2  }
0x122: {  	v5 =	vmul.f32 v5, v3  }
0x123: {  	v4 =	vmax.f32 v4, $0.0e+00  }
0x124: {  	v4 =	vmin.f32 v4, $1.000000000e+00;
	v5 =	vmax.f32 v5, $0.0e+00  }
0x125: {  	v5 =	vmin.f32 v5, $1.000000000e+00;
	v4 =	vmul.f32 $4.095000000e+03, v4  }
0x126: {  	v5 =	vmul.f32 $4.095000000e+03, v5  }
0x127: {  	v4 =	vtrunc.f32 v4  }
0x128: {  	v4 =	vcvt.f32.s32 v4;
	v5 =	vtrunc.f32 v5  }
0x129: {  	v5 =	vcvt.f32.s32 v5  }
0x12a: {  	v4 =	vshll.u32 v4, $0xC  }
0x12b: {  	v4 =	vadd.s32 v5, v4  }
0x12c: {  	[tilespmem:s2+$0x0] =	vst v4  }
0x12d: {  	v4 =	vld [tilespmem:s22+$0x10]  }
0x12e: {  	v5 =	vld [tilespmem:s20+$0x10];
	_ =	sdelay $0x3  }
0x12f: {  	v4 =	vsub.f32 v4, v0  }
0x130: {  	v5 =	vsub.f32 v5, v1  }
0x131: {  	v4 =	vmul.f32 v4, v2  }
0x132: {  	v5 =	vmul.f32 v5, v3  }
0x133: {  	v4 =	vmax.f32 v4, $0.0e+00  }
0x134: {  	v4 =	vmin.f32 v4, $1.000000000e+00;
	v5 =	vmax.f32 v5, $0.0e+00  }
0x135: {  	v5 =	vmin.f32 v5, $1.000000000e+00;
	v4 =	vmul.f32 $4.095000000e+03, v4  }
0x136: {  	v5 =	vmul.f32 $4.095000000e+03, v5  }
0x137: {  	v4 =	vtrunc.f32 v4  }
.Ltmp1:
0x138: {  	v4 =	vcvt.f32.s32 v4;
	v5 =	vtrunc.f32 v5;
	(pc) =	sbr.rel @p0 .LBB2_4-.Ltmp1, $4  }
0x139: {  	v5 =	vcvt.f32.s32 v5  }
0x13a: {  	v4 =	vshll.u32 v4, $0xC  }
0x13b: {  	v4 =	vadd.s32 v5, v4  }
0x13c: {  	s22 =	sadd.s32 $0x40, s22;
	[tilespmem:s2+$0x10] =	vst v4  }
0x13d: {  	[tilespmem:s31], [sflag:$0x2] =	stream.indirect.gather [hbm4b:s28+s5], $0x1, s5, s5, $0xb8;
	[tilespmem:$0x10200] =	vst v63  }
0x13e: {  	s2 =	rddreg [dreg:$0x7];
	s20 =	simm.s32 $0xA200  }
0x13f: {  	[tilespmem:s20], [sflag:$0xC] =	stream.linear.gather [hbm4b:s2+s0], $0x1000, $0x38;
	[tilespmem:$0x10200] =	vst v63  }
0x140: {  	s21 =	rddreg [dreg:$0x8];
	s22 =	simm.s32 $0xE200  }
0x141: {  	[tilespmem:s22], [sflag:$0xC] =	stream.linear.gather [hbm4b:s21+s0], $0x1000, $0x38;
	[tilespmem:$0x10200] =	vst v63  }
0x142: {  	_ =	swait.ge [sflag:s3], $0x1000  }
0x143: {  	[sflag:s3] =	ssyncset.done $0x0  }
0x144: {  	[sflag:s3] =	ssyncadd.s32 $0xFFFFF000  }
0x145: {  	_ =	swait.ge [sflag:s3], $0x1000  }
0x146: {  	[sflag:s3] =	ssyncset.done $0x0  }
0x147: {  	s21 =	simm.s32 $0xA220;
	[sflag:s3] =	ssyncadd.s32 $0xFFFFF000  }
0x148: {  	s20 =	simm.s32 $0xE220;
	v4 =	vld [tilespmem:s21+$0xFFFFFFE0]  }
0x149: {  	v5 =	vld [tilespmem:s20+$0xFFFFFFE0];
	_ =	sdelay $0x3  }
0x14a: {  	v4 =	vsub.f32 v4, v0  }
0x14b: {  	v5 =	vsub.f32 v5, v1  }
0x14c: {  	v4 =	vmul.f32 v4, v2  }
0x14d: {  	v5 =	vmul.f32 v5, v3  }
0x14e: {  	v4 =	vmax.f32 v4, $0.0e+00  }
0x14f: {  	v5 =	vmax.f32 v5, $0.0e+00;
	v4 =	vmin.f32 v4, $1.000000000e+00  }
0x150: {  	v5 =	vmin.f32 v5, $1.000000000e+00;
	v4 =	vmul.f32 $4.095000000e+03, v4  }
0x151: {  	v5 =	vmul.f32 $4.095000000e+03, v5  }
0x152: {  	v4 =	vtrunc.f32 v4  }
0x153: {  	v5 =	vtrunc.f32 v5;
	v4 =	vcvt.f32.s32 v4  }
0x154: {  	v5 =	vcvt.f32.s32 v5  }
0x155: {  	v4 =	vshll.u32 v4, $0xC  }
0x156: {  	s2 =	simm.s32 $0x2020;
	v4 =	vadd.s32 v5, v4  }
0x157: {  	[tilespmem:s2+$0xFFFFFFE0] =	vst v4  }
0x158: {  	v4 =	vld [tilespmem:s21+$0xFFFFFFF0]  }
0x159: {  	v5 =	vld [tilespmem:s20+$0xFFFFFFF0];
	_ =	sdelay $0x3  }
0x15a: {  	v4 =	vsub.f32 v4, v0  }
0x15b: {  	v5 =	vsub.f32 v5, v1  }
0x15c: {  	v4 =	vmul.f32 v4, v2  }
0x15d: {  	v5 =	vmul.f32 v5, v3  }
0x15e: {  	v4 =	vmax.f32 v4, $0.0e+00  }
0x15f: {  	v5 =	vmax.f32 v5, $0.0e+00;
	v4 =	vmin.f32 v4, $1.000000000e+00  }
0x160: {  	v5 =	vmin.f32 v5, $1.000000000e+00;
	v4 =	vmul.f32 $4.095000000e+03, v4  }
0x161: {  	v5 =	vmul.f32 $4.095000000e+03, v5  }
0x162: {  	v4 =	vtrunc.f32 v4  }
0x163: {  	v5 =	vtrunc.f32 v5;
	v4 =	vcvt.f32.s32 v4  }
0x164: {  	v5 =	vcvt.f32.s32 v5  }
0x165: {  	v4 =	vshll.u32 v4, $0xC  }
0x166: {  	v4 =	vadd.s32 v5, v4  }
0x167: {  	[tilespmem:s2+$0xFFFFFFF0] =	vst v4  }
0x168: {  	v4 =	vld [tilespmem:s21+$0x0]  }
0x169: {  	v5 =	vld [tilespmem:s20+$0x0];
	_ =	sdelay $0x3  }
0x16a: {  	v4 =	vsub.f32 v4, v0  }
0x16b: {  	v5 =	vsub.f32 v5, v1  }
0x16c: {  	v4 =	vmul.f32 v4, v2  }
0x16d: {  	v5 =	vmul.f32 v5, v3  }
0x16e: {  	v4 =	vmax.f32 v4, $0.0e+00  }
0x16f: {  	v5 =	vmax.f32 v5, $0.0e+00;
	v4 =	vmin.f32 v4, $1.000000000e+00  }
0x170: {  	v5 =	vmin.f32 v5, $1.000000000e+00;
	v4 =	vmul.f32 $4.095000000e+03, v4  }
0x171: {  	v5 =	vmul.f32 $4.095000000e+03, v5  }
0x172: {  	v4 =	vtrunc.f32 v4  }
0x173: {  	v5 =	vtrunc.f32 v5;
	v4 =	vcvt.f32.s32 v4  }
0x174: {  	v5 =	vcvt.f32.s32 v5  }
0x175: {  	v4 =	vshll.u32 v4, $0xC  }
0x176: {  	v4 =	vadd.s32 v5, v4  }
0x177: {  	[tilespmem:s2+$0x0] =	vst v4  }
0x178: {  	v4 =	vld [tilespmem:s21+$0x10]  }
0x179: {  	v5 =	vld [tilespmem:s20+$0x10];
	_ =	sdelay $0x3  }
0x17a: {  	v4 =	vsub.f32 v4, v0  }
0x17b: {  	v5 =	vsub.f32 v5, v1  }
0x17c: {  	v4 =	vmul.f32 v4, v2  }
0x17d: {  	v5 =	vmul.f32 v5, v3  }
0x17e: {  	v4 =	vmax.f32 v4, $0.0e+00  }
0x17f: {  	v5 =	vmax.f32 v5, $0.0e+00;
	v4 =	vmin.f32 v4, $1.000000000e+00  }
0x180: {  	v5 =	vmin.f32 v5, $1.000000000e+00;
	v4 =	vmul.f32 $4.095000000e+03, v4  }
0x181: {  	v5 =	vmul.f32 $4.095000000e+03, v5  }
0x182: {  	v4 =	vtrunc.f32 v4  }
0x183: {  	v5 =	vtrunc.f32 v5;
	v4 =	vcvt.f32.s32 v4  }
0x184: {  	v5 =	vcvt.f32.s32 v5  }
0x185: {  	v4 =	vshll.u32 v4, $0xC  }
0x186: {  	v4 =	vadd.s32 v5, v4  }
0x187: {  	s22 =	simm.s32 $0xA260;
	s21 =	simm.s32 $0x0;
	[tilespmem:s2+$0x10] =	vst v4  }
.LBB2_6:
0x188: {  	v4 =	vld [tilespmem:s22+$0xFFFFFFE0];
	s21 =	sadd.s32 $0x4, s21;
	s20 =	sadd.s32 $0x40, s20  }
0x189: {  	v5 =	vld [tilespmem:s20+$0xFFFFFFE0];
	p0 =	slt.u32 s21, $0xFC;
	_ =	sdelay $0x3  }
0x18a: {  	v4 =	vsub.f32 v4, v0  }
0x18b: {  	v5 =	vsub.f32 v5, v1  }
0x18c: {  	v4 =	vmul.f32 v4, v2  }
0x18d: {  	v5 =	vmul.f32 v5, v3  }
0x18e: {  	v4 =	vmax.f32 v4, $0.0e+00  }
0x18f: {  	v4 =	vmin.f32 v4, $1.000000000e+00;
	v5 =	vmax.f32 v5, $0.0e+00  }
0x190: {  	v5 =	vmin.f32 v5, $1.000000000e+00;
	v4 =	vmul.f32 $4.095000000e+03, v4  }
0x191: {  	v5 =	vmul.f32 $4.095000000e+03, v5  }
0x192: {  	v4 =	vtrunc.f32 v4  }
0x193: {  	v4 =	vcvt.f32.s32 v4;
	v5 =	vtrunc.f32 v5  }
0x194: {  	v5 =	vcvt.f32.s32 v5  }
0x195: {  	v4 =	vshll.u32 v4, $0xC  }
0x196: {  	s2 =	sadd.s32 $0x40, s2;
	v4 =	vadd.s32 v5, v4  }
0x197: {  	[tilespmem:s2+$0xFFFFFFE0] =	vst v4  }
0x198: {  	v4 =	vld [tilespmem:s22+$0xFFFFFFF0]  }
0x199: {  	v5 =	vld [tilespmem:s20+$0xFFFFFFF0];
	_ =	sdelay $0x3  }
0x19a: {  	v4 =	vsub.f32 v4, v0  }
0x19b: {  	v5 =	vsub.f32 v5, v1  }
0x19c: {  	v4 =	vmul.f32 v4, v2  }
0x19d: {  	v5 =	vmul.f32 v5, v3  }
0x19e: {  	v4 =	vmax.f32 v4, $0.0e+00  }
0x19f: {  	v4 =	vmin.f32 v4, $1.000000000e+00;
	v5 =	vmax.f32 v5, $0.0e+00  }
0x1a0: {  	v5 =	vmin.f32 v5, $1.000000000e+00;
	v4 =	vmul.f32 $4.095000000e+03, v4  }
0x1a1: {  	v5 =	vmul.f32 $4.095000000e+03, v5  }
0x1a2: {  	v4 =	vtrunc.f32 v4  }
0x1a3: {  	v4 =	vcvt.f32.s32 v4;
	v5 =	vtrunc.f32 v5  }
0x1a4: {  	v5 =	vcvt.f32.s32 v5  }
0x1a5: {  	v4 =	vshll.u32 v4, $0xC  }
0x1a6: {  	v4 =	vadd.s32 v5, v4  }
0x1a7: {  	[tilespmem:s2+$0xFFFFFFF0] =	vst v4  }
0x1a8: {  	v4 =	vld [tilespmem:s22+$0x0]  }
0x1a9: {  	v5 =	vld [tilespmem:s20+$0x0];
	_ =	sdelay $0x3  }
0x1aa: {  	v4 =	vsub.f32 v4, v0  }
0x1ab: {  	v5 =	vsub.f32 v5, v1  }
0x1ac: {  	v4 =	vmul.f32 v4, v2  }
0x1ad: {  	v5 =	vmul.f32 v5, v3  }
0x1ae: {  	v4 =	vmax.f32 v4, $0.0e+00  }
0x1af: {  	v4 =	vmin.f32 v4, $1.000000000e+00;
	v5 =	vmax.f32 v5, $0.0e+00  }
0x1b0: {  	v5 =	vmin.f32 v5, $1.000000000e+00;
	v4 =	vmul.f32 $4.095000000e+03, v4  }
0x1b1: {  	v5 =	vmul.f32 $4.095000000e+03, v5  }
0x1b2: {  	v4 =	vtrunc.f32 v4  }
0x1b3: {  	v4 =	vcvt.f32.s32 v4;
	v5 =	vtrunc.f32 v5  }
0x1b4: {  	v5 =	vcvt.f32.s32 v5  }
0x1b5: {  	v4 =	vshll.u32 v4, $0xC  }
0x1b6: {  	v4 =	vadd.s32 v5, v4  }
0x1b7: {  	[tilespmem:s2+$0x0] =	vst v4  }
0x1b8: {  	v4 =	vld [tilespmem:s22+$0x10]  }
0x1b9: {  	v5 =	vld [tilespmem:s20+$0x10];
	_ =	sdelay $0x3  }
0x1ba: {  	v4 =	vsub.f32 v4, v0  }
0x1bb: {  	v5 =	vsub.f32 v5, v1  }
0x1bc: {  	v4 =	vmul.f32 v4, v2  }
0x1bd: {  	v5 =	vmul.f32 v5, v3  }
0x1be: {  	v4 =	vmax.f32 v4, $0.0e+00  }
0x1bf: {  	v4 =	vmin.f32 v4, $1.000000000e+00;
	v5 =	vmax.f32 v5, $0.0e+00  }
0x1c0: {  	v5 =	vmin.f32 v5, $1.000000000e+00;
	v4 =	vmul.f32 $4.095000000e+03, v4  }
0x1c1: {  	v5 =	vmul.f32 $4.095000000e+03, v5  }
0x1c2: {  	v4 =	vtrunc.f32 v4  }
.Ltmp2:
0x1c3: {  	v4 =	vcvt.f32.s32 v4;
	v5 =	vtrunc.f32 v5;
	(pc) =	sbr.rel @p0 .LBB2_6-.Ltmp2, $4  }
0x1c4: {  	v5 =	vcvt.f32.s32 v5  }
0x1c5: {  	v4 =	vshll.u32 v4, $0xC  }
0x1c6: {  	v4 =	vadd.s32 v5, v4  }
0x1c7: {  	s22 =	sadd.s32 $0x40, s22;
	[tilespmem:s2+$0x10] =	vst v4  }
0x1c8: {  	_ =	swait.ge [sflag:s8], $0x1000  }
0x1c9: {  	[sflag:s8] =	ssyncset.done $0x0  }
0x1ca: {  	s2 =	rddreg [dreg:$0x9];
	[sflag:s8] =	ssyncadd.s32 $0xFFFFF000  }
0x1cb: {  	[hbm4b:s2+s0] =	stream.linear.scatter [tilespmem:s1], [sflag:$0x5], $0x1000, $0x38;
	[tilespmem:$0x10200] =	vst v63  }
0x1cc: {  	s21 =	simm.s32 $0x2000  }
0x1cd: {  	[tilespmem:s10], [sflag:$0x3] =	stream.indirect.gather [hbm4b:s28+s5], $0x1, s21, s5, $0xb8;
	[tilespmem:$0x10200] =	vst v63  }
0x1ce: {  	s20 =	simm.s32 $0xB200;
	s22 =	rddreg [dreg:$0xa]  }
0x1cf: {  	[tilespmem:s20], [sflag:$0xD] =	stream.linear.gather [hbm4b:s22+s0], $0x1000, $0x38;
	[tilespmem:$0x10200] =	vst v63  }
0x1d0: {  	s21 =	rddreg [dreg:$0xb];
	s22 =	simm.s32 $0xF200  }
0x1d1: {  	[tilespmem:s22], [sflag:$0xD] =	stream.linear.gather [hbm4b:s21+s0], $0x1000, $0x38;
	[tilespmem:$0x10200] =	vst v63  }
0x1d2: {  	_ =	swait.ge [sflag:s7], $0x1000  }
0x1d3: {  	[sflag:s7] =	ssyncset.done $0x0  }
0x1d4: {  	[sflag:s7] =	ssyncadd.s32 $0xFFFFF000  }
0x1d5: {  	_ =	swait.ge [sflag:s7], $0x1000  }
0x1d6: {  	[sflag:s7] =	ssyncset.done $0x0  }
0x1d7: {  	s21 =	simm.s32 $0xB220;
	[sflag:s7] =	ssyncadd.s32 $0xFFFFF000  }
0x1d8: {  	s20 =	simm.s32 $0xF220;
	v4 =	vld [tilespmem:s21+$0xFFFFFFE0]  }
0x1d9: {  	v5 =	vld [tilespmem:s20+$0xFFFFFFE0];
	_ =	sdelay $0x3  }
0x1da: {  	v4 =	vsub.f32 v4, v0  }
0x1db: {  	v5 =	vsub.f32 v5, v1  }
0x1dc: {  	v4 =	vmul.f32 v4, v2  }
0x1dd: {  	v5 =	vmul.f32 v5, v3  }
0x1de: {  	v4 =	vmax.f32 v4, $0.0e+00  }
0x1df: {  	v5 =	vmax.f32 v5, $0.0e+00;
	v4 =	vmin.f32 v4, $1.000000000e+00  }
0x1e0: {  	v5 =	vmin.f32 v5, $1.000000000e+00;
	v4 =	vmul.f32 $4.095000000e+03, v4  }
0x1e1: {  	v5 =	vmul.f32 $4.095000000e+03, v5  }
0x1e2: {  	v4 =	vtrunc.f32 v4  }
0x1e3: {  	v5 =	vtrunc.f32 v5;
	v4 =	vcvt.f32.s32 v4  }
0x1e4: {  	v5 =	vcvt.f32.s32 v5  }
0x1e5: {  	v4 =	vshll.u32 v4, $0xC  }
0x1e6: {  	s2 =	simm.s32 $0x3020;
	v4 =	vadd.s32 v5, v4  }
0x1e7: {  	[tilespmem:s2+$0xFFFFFFE0] =	vst v4  }
0x1e8: {  	v4 =	vld [tilespmem:s21+$0xFFFFFFF0]  }
0x1e9: {  	v5 =	vld [tilespmem:s20+$0xFFFFFFF0];
	_ =	sdelay $0x3  }
0x1ea: {  	v4 =	vsub.f32 v4, v0  }
0x1eb: {  	v5 =	vsub.f32 v5, v1  }
0x1ec: {  	v4 =	vmul.f32 v4, v2  }
0x1ed: {  	v5 =	vmul.f32 v5, v3  }
0x1ee: {  	v4 =	vmax.f32 v4, $0.0e+00  }
0x1ef: {  	v5 =	vmax.f32 v5, $0.0e+00;
	v4 =	vmin.f32 v4, $1.000000000e+00  }
0x1f0: {  	v5 =	vmin.f32 v5, $1.000000000e+00;
	v4 =	vmul.f32 $4.095000000e+03, v4  }
0x1f1: {  	v5 =	vmul.f32 $4.095000000e+03, v5  }
0x1f2: {  	v4 =	vtrunc.f32 v4  }
0x1f3: {  	v5 =	vtrunc.f32 v5;
	v4 =	vcvt.f32.s32 v4  }
0x1f4: {  	v5 =	vcvt.f32.s32 v5  }
0x1f5: {  	v4 =	vshll.u32 v4, $0xC  }
0x1f6: {  	v4 =	vadd.s32 v5, v4  }
0x1f7: {  	[tilespmem:s2+$0xFFFFFFF0] =	vst v4  }
0x1f8: {  	v4 =	vld [tilespmem:s21+$0x0]  }
0x1f9: {  	v5 =	vld [tilespmem:s20+$0x0];
	_ =	sdelay $0x3  }
0x1fa: {  	v4 =	vsub.f32 v4, v0  }
0x1fb: {  	v5 =	vsub.f32 v5, v1  }
0x1fc: {  	v4 =	vmul.f32 v4, v2  }
0x1fd: {  	v5 =	vmul.f32 v5, v3  }
0x1fe: {  	v4 =	vmax.f32 v4, $0.0e+00  }
0x1ff: {  	v5 =	vmax.f32 v5, $0.0e+00;
	v4 =	vmin.f32 v4, $1.000000000e+00  }
0x200: {  	v5 =	vmin.f32 v5, $1.000000000e+00;
	v4 =	vmul.f32 $4.095000000e+03, v4  }
0x201: {  	v5 =	vmul.f32 $4.095000000e+03, v5  }
0x202: {  	v4 =	vtrunc.f32 v4  }
0x203: {  	v5 =	vtrunc.f32 v5;
	v4 =	vcvt.f32.s32 v4  }
0x204: {  	v5 =	vcvt.f32.s32 v5  }
0x205: {  	v4 =	vshll.u32 v4, $0xC  }
0x206: {  	v4 =	vadd.s32 v5, v4  }
0x207: {  	[tilespmem:s2+$0x0] =	vst v4  }
0x208: {  	v4 =	vld [tilespmem:s21+$0x10]  }
0x209: {  	v5 =	vld [tilespmem:s20+$0x10];
	_ =	sdelay $0x3  }
0x20a: {  	v4 =	vsub.f32 v4, v0  }
0x20b: {  	v5 =	vsub.f32 v5, v1  }
0x20c: {  	v4 =	vmul.f32 v4, v2  }
0x20d: {  	v5 =	vmul.f32 v5, v3  }
0x20e: {  	v4 =	vmax.f32 v4, $0.0e+00  }
0x20f: {  	v5 =	vmax.f32 v5, $0.0e+00;
	v4 =	vmin.f32 v4, $1.000000000e+00  }
0x210: {  	v5 =	vmin.f32 v5, $1.000000000e+00;
	v4 =	vmul.f32 $4.095000000e+03, v4  }
0x211: {  	v5 =	vmul.f32 $4.095000000e+03, v5  }
0x212: {  	v4 =	vtrunc.f32 v4  }
0x213: {  	v5 =	vtrunc.f32 v5;
	v4 =	vcvt.f32.s32 v4  }
0x214: {  	v5 =	vcvt.f32.s32 v5  }
0x215: {  	v4 =	vshll.u32 v4, $0xC  }
0x216: {  	v4 =	vadd.s32 v5, v4  }
0x217: {  	s22 =	simm.s32 $0xB260;
	s21 =	simm.s32 $0x0;
	[tilespmem:s2+$0x10] =	vst v4  }
.LBB2_8:
0x218: {  	v4 =	vld [tilespmem:s22+$0xFFFFFFE0];
	s21 =	sadd.s32 $0x4, s21;
	s20 =	sadd.s32 $0x40, s20  }
0x219: {  	v5 =	vld [tilespmem:s20+$0xFFFFFFE0];
	p0 =	slt.u32 s21, $0xFC;
	_ =	sdelay $0x3  }
0x21a: {  	v4 =	vsub.f32 v4, v0  }
0x21b: {  	v5 =	vsub.f32 v5, v1  }
0x21c: {  	v4 =	vmul.f32 v4, v2  }
0x21d: {  	v5 =	vmul.f32 v5, v3  }
0x21e: {  	v4 =	vmax.f32 v4, $0.0e+00  }
0x21f: {  	v4 =	vmin.f32 v4, $1.000000000e+00;
	v5 =	vmax.f32 v5, $0.0e+00  }
0x220: {  	v5 =	vmin.f32 v5, $1.000000000e+00;
	v4 =	vmul.f32 $4.095000000e+03, v4  }
0x221: {  	v5 =	vmul.f32 $4.095000000e+03, v5  }
0x222: {  	v4 =	vtrunc.f32 v4  }
0x223: {  	v4 =	vcvt.f32.s32 v4;
	v5 =	vtrunc.f32 v5  }
0x224: {  	v5 =	vcvt.f32.s32 v5  }
0x225: {  	v4 =	vshll.u32 v4, $0xC  }
0x226: {  	s2 =	sadd.s32 $0x40, s2;
	v4 =	vadd.s32 v5, v4  }
0x227: {  	[tilespmem:s2+$0xFFFFFFE0] =	vst v4  }
0x228: {  	v4 =	vld [tilespmem:s22+$0xFFFFFFF0]  }
0x229: {  	v5 =	vld [tilespmem:s20+$0xFFFFFFF0];
	_ =	sdelay $0x3  }
0x22a: {  	v4 =	vsub.f32 v4, v0  }
0x22b: {  	v5 =	vsub.f32 v5, v1  }
0x22c: {  	v4 =	vmul.f32 v4, v2  }
0x22d: {  	v5 =	vmul.f32 v5, v3  }
0x22e: {  	v4 =	vmax.f32 v4, $0.0e+00  }
0x22f: {  	v4 =	vmin.f32 v4, $1.000000000e+00;
	v5 =	vmax.f32 v5, $0.0e+00  }
0x230: {  	v5 =	vmin.f32 v5, $1.000000000e+00;
	v4 =	vmul.f32 $4.095000000e+03, v4  }
0x231: {  	v5 =	vmul.f32 $4.095000000e+03, v5  }
0x232: {  	v4 =	vtrunc.f32 v4  }
0x233: {  	v4 =	vcvt.f32.s32 v4;
	v5 =	vtrunc.f32 v5  }
0x234: {  	v5 =	vcvt.f32.s32 v5  }
0x235: {  	v4 =	vshll.u32 v4, $0xC  }
0x236: {  	v4 =	vadd.s32 v5, v4  }
0x237: {  	[tilespmem:s2+$0xFFFFFFF0] =	vst v4  }
0x238: {  	v4 =	vld [tilespmem:s22+$0x0]  }
0x239: {  	v5 =	vld [tilespmem:s20+$0x0];
	_ =	sdelay $0x3  }
0x23a: {  	v4 =	vsub.f32 v4, v0  }
0x23b: {  	v5 =	vsub.f32 v5, v1  }
0x23c: {  	v4 =	vmul.f32 v4, v2  }
0x23d: {  	v5 =	vmul.f32 v5, v3  }
0x23e: {  	v4 =	vmax.f32 v4, $0.0e+00  }
0x23f: {  	v4 =	vmin.f32 v4, $1.000000000e+00;
	v5 =	vmax.f32 v5, $0.0e+00  }
0x240: {  	v5 =	vmin.f32 v5, $1.000000000e+00;
	v4 =	vmul.f32 $4.095000000e+03, v4  }
0x241: {  	v5 =	vmul.f32 $4.095000000e+03, v5  }
0x242: {  	v4 =	vtrunc.f32 v4  }
0x243: {  	v4 =	vcvt.f32.s32 v4;
	v5 =	vtrunc.f32 v5  }
0x244: {  	v5 =	vcvt.f32.s32 v5  }
0x245: {  	v4 =	vshll.u32 v4, $0xC  }
0x246: {  	v4 =	vadd.s32 v5, v4  }
0x247: {  	[tilespmem:s2+$0x0] =	vst v4  }
0x248: {  	v4 =	vld [tilespmem:s22+$0x10]  }
0x249: {  	v5 =	vld [tilespmem:s20+$0x10];
	_ =	sdelay $0x3  }
0x24a: {  	v4 =	vsub.f32 v4, v0  }
0x24b: {  	v5 =	vsub.f32 v5, v1  }
0x24c: {  	v4 =	vmul.f32 v4, v2  }
0x24d: {  	v5 =	vmul.f32 v5, v3  }
0x24e: {  	v4 =	vmax.f32 v4, $0.0e+00  }
0x24f: {  	v4 =	vmin.f32 v4, $1.000000000e+00;
	v5 =	vmax.f32 v5, $0.0e+00  }
0x250: {  	v5 =	vmin.f32 v5, $1.000000000e+00;
	v4 =	vmul.f32 $4.095000000e+03, v4  }
0x251: {  	v5 =	vmul.f32 $4.095000000e+03, v5  }
0x252: {  	v4 =	vtrunc.f32 v4  }
.Ltmp3:
0x253: {  	v4 =	vcvt.f32.s32 v4;
	v5 =	vtrunc.f32 v5;
	(pc) =	sbr.rel @p0 .LBB2_8-.Ltmp3, $4  }
0x254: {  	v5 =	vcvt.f32.s32 v5  }
0x255: {  	v4 =	vshll.u32 v4, $0xC  }
0x256: {  	v4 =	vadd.s32 v5, v4  }
0x257: {  	s22 =	sadd.s32 $0x40, s22;
	[tilespmem:s2+$0x10] =	vst v4  }
0x258: {  	_ =	swait.ge [sflag:s13], $0x1000  }
0x259: {  	[sflag:s13] =	ssyncset.done $0x0  }
0x25a: {  	s2 =	rddreg [dreg:$0xc];
	[sflag:s13] =	ssyncadd.s32 $0xFFFFF000  }
0x25b: {  	[hbm4b:s2+s0] =	stream.linear.scatter [tilespmem:s31], [sflag:$0x6], $0x1000, $0x38;
	[tilespmem:$0x10200] =	vst v63  }
0x25c: {  	s21 =	simm.s32 $0x3000  }
0x25d: {  	[tilespmem:s14], [sflag:$0x4] =	stream.indirect.gather [hbm4b:s28+s5], $0x1, s21, s5, $0xb8;
	[tilespmem:$0x10200] =	vst v63  }
0x25e: {  	s20 =	simm.s32 $0x8200;
	s22 =	rddreg [dreg:$0xd]  }
0x25f: {  	[tilespmem:s20], [sflag:$0xA] =	stream.linear.gather [hbm4b:s22+s0], $0x1000, $0x38;
	[tilespmem:$0x10200] =	vst v63  }
0x260: {  	s21 =	rddreg [dreg:$0xe];
	s22 =	simm.s32 $0xC200  }
0x261: {  	[tilespmem:s22], [sflag:$0xA] =	stream.linear.gather [hbm4b:s21+s0], $0x1000, $0x38;
	[tilespmem:$0x10200] =	vst v63  }
0x262: {  	_ =	swait.ge [sflag:s4], $0x1000  }
0x263: {  	[sflag:s4] =	ssyncset.done $0x0  }
0x264: {  	[sflag:s4] =	ssyncadd.s32 $0xFFFFF000  }
0x265: {  	_ =	swait.ge [sflag:s4], $0x1000  }
0x266: {  	[sflag:s4] =	ssyncset.done $0x0  }
0x267: {  	s21 =	simm.s32 $0x8220;
	[sflag:s4] =	ssyncadd.s32 $0xFFFFF000  }
0x268: {  	s20 =	simm.s32 $0xC220;
	v4 =	vld [tilespmem:s21+$0xFFFFFFE0]  }
0x269: {  	v5 =	vld [tilespmem:s20+$0xFFFFFFE0];
	_ =	sdelay $0x3  }
0x26a: {  	v4 =	vsub.f32 v4, v0  }
0x26b: {  	v5 =	vsub.f32 v5, v1  }
0x26c: {  	v4 =	vmul.f32 v4, v2  }
0x26d: {  	v5 =	vmul.f32 v5, v3  }
0x26e: {  	v4 =	vmax.f32 v4, $0.0e+00  }
0x26f: {  	v5 =	vmax.f32 v5, $0.0e+00;
	v4 =	vmin.f32 v4, $1.000000000e+00  }
0x270: {  	v5 =	vmin.f32 v5, $1.000000000e+00;
	v4 =	vmul.f32 $4.095000000e+03, v4  }
0x271: {  	v5 =	vmul.f32 $4.095000000e+03, v5  }
0x272: {  	v4 =	vtrunc.f32 v4  }
0x273: {  	v5 =	vtrunc.f32 v5;
	v4 =	vcvt.f32.s32 v4  }
0x274: {  	v5 =	vcvt.f32.s32 v5  }
0x275: {  	v4 =	vshll.u32 v4, $0xC  }
0x276: {  	s2 =	simm.s32 $0x20;
	v4 =	vadd.s32 v5, v4  }
0x277: {  	[tilespmem:s2+$0xFFFFFFE0] =	vst v4  }
0x278: {  	v4 =	vld [tilespmem:s21+$0xFFFFFFF0]  }
0x279: {  	v5 =	vld [tilespmem:s20+$0xFFFFFFF0];
	_ =	sdelay $0x3  }
0x27a: {  	v4 =	vsub.f32 v4, v0  }
0x27b: {  	v5 =	vsub.f32 v5, v1  }
0x27c: {  	v4 =	vmul.f32 v4, v2  }
0x27d: {  	v5 =	vmul.f32 v5, v3  }
0x27e: {  	v4 =	vmax.f32 v4, $0.0e+00  }
0x27f: {  	v5 =	vmax.f32 v5, $0.0e+00;
	v4 =	vmin.f32 v4, $1.000000000e+00  }
0x280: {  	v5 =	vmin.f32 v5, $1.000000000e+00;
	v4 =	vmul.f32 $4.095000000e+03, v4  }
0x281: {  	v5 =	vmul.f32 $4.095000000e+03, v5  }
0x282: {  	v4 =	vtrunc.f32 v4  }
0x283: {  	v5 =	vtrunc.f32 v5;
	v4 =	vcvt.f32.s32 v4  }
0x284: {  	v5 =	vcvt.f32.s32 v5  }
0x285: {  	v4 =	vshll.u32 v4, $0xC  }
0x286: {  	v4 =	vadd.s32 v5, v4  }
0x287: {  	[tilespmem:s2+$0xFFFFFFF0] =	vst v4  }
0x288: {  	v4 =	vld [tilespmem:s21+$0x0]  }
0x289: {  	v5 =	vld [tilespmem:s20+$0x0];
	_ =	sdelay $0x3  }
0x28a: {  	v4 =	vsub.f32 v4, v0  }
0x28b: {  	v5 =	vsub.f32 v5, v1  }
0x28c: {  	v4 =	vmul.f32 v4, v2  }
0x28d: {  	v5 =	vmul.f32 v5, v3  }
0x28e: {  	v4 =	vmax.f32 v4, $0.0e+00  }
0x28f: {  	v5 =	vmax.f32 v5, $0.0e+00;
	v4 =	vmin.f32 v4, $1.000000000e+00  }
0x290: {  	v5 =	vmin.f32 v5, $1.000000000e+00;
	v4 =	vmul.f32 $4.095000000e+03, v4  }
0x291: {  	v5 =	vmul.f32 $4.095000000e+03, v5  }
0x292: {  	v4 =	vtrunc.f32 v4  }
0x293: {  	v5 =	vtrunc.f32 v5;
	v4 =	vcvt.f32.s32 v4  }
0x294: {  	v5 =	vcvt.f32.s32 v5  }
0x295: {  	v4 =	vshll.u32 v4, $0xC  }
0x296: {  	v4 =	vadd.s32 v5, v4  }
0x297: {  	[tilespmem:s2+$0x0] =	vst v4  }
0x298: {  	v4 =	vld [tilespmem:s21+$0x10]  }
0x299: {  	v5 =	vld [tilespmem:s20+$0x10];
	_ =	sdelay $0x3  }
0x29a: {  	v4 =	vsub.f32 v4, v0  }
0x29b: {  	v5 =	vsub.f32 v5, v1  }
0x29c: {  	v4 =	vmul.f32 v4, v2  }
0x29d: {  	v5 =	vmul.f32 v5, v3  }
0x29e: {  	v4 =	vmax.f32 v4, $0.0e+00  }
0x29f: {  	v5 =	vmax.f32 v5, $0.0e+00;
	v4 =	vmin.f32 v4, $1.000000000e+00  }
0x2a0: {  	v5 =	vmin.f32 v5, $1.000000000e+00;
	v4 =	vmul.f32 $4.095000000e+03, v4  }
0x2a1: {  	v5 =	vmul.f32 $4.095000000e+03, v5  }
0x2a2: {  	v4 =	vtrunc.f32 v4  }
0x2a3: {  	v5 =	vtrunc.f32 v5;
	v4 =	vcvt.f32.s32 v4  }
0x2a4: {  	v5 =	vcvt.f32.s32 v5  }
0x2a5: {  	v4 =	vshll.u32 v4, $0xC  }
0x2a6: {  	v4 =	vadd.s32 v5, v4  }
0x2a7: {  	s22 =	simm.s32 $0x8260;
	s21 =	simm.s32 $0x0;
	[tilespmem:s2+$0x10] =	vst v4  }
.LBB2_10:
0x2a8: {  	v4 =	vld [tilespmem:s22+$0xFFFFFFE0];
	s21 =	sadd.s32 $0x4, s21;
	s20 =	sadd.s32 $0x40, s20  }
0x2a9: {  	v5 =	vld [tilespmem:s20+$0xFFFFFFE0];
	p0 =	slt.u32 s21, $0xFC;
	_ =	sdelay $0x3  }
0x2aa: {  	v4 =	vsub.f32 v4, v0  }
0x2ab: {  	v5 =	vsub.f32 v5, v1  }
0x2ac: {  	v4 =	vmul.f32 v4, v2  }
0x2ad: {  	v5 =	vmul.f32 v5, v3  }
0x2ae: {  	v4 =	vmax.f32 v4, $0.0e+00  }
0x2af: {  	v4 =	vmin.f32 v4, $1.000000000e+00;
	v5 =	vmax.f32 v5, $0.0e+00  }
0x2b0: {  	v5 =	vmin.f32 v5, $1.000000000e+00;
	v4 =	vmul.f32 $4.095000000e+03, v4  }
0x2b1: {  	v5 =	vmul.f32 $4.095000000e+03, v5  }
0x2b2: {  	v4 =	vtrunc.f32 v4  }
0x2b3: {  	v4 =	vcvt.f32.s32 v4;
	v5 =	vtrunc.f32 v5  }
0x2b4: {  	v5 =	vcvt.f32.s32 v5  }
0x2b5: {  	v4 =	vshll.u32 v4, $0xC  }
0x2b6: {  	s2 =	sadd.s32 $0x40, s2;
	v4 =	vadd.s32 v5, v4  }
0x2b7: {  	[tilespmem:s2+$0xFFFFFFE0] =	vst v4  }
0x2b8: {  	v4 =	vld [tilespmem:s22+$0xFFFFFFF0]  }
0x2b9: {  	v5 =	vld [tilespmem:s20+$0xFFFFFFF0];
	_ =	sdelay $0x3  }
0x2ba: {  	v4 =	vsub.f32 v4, v0  }
0x2bb: {  	v5 =	vsub.f32 v5, v1  }
0x2bc: {  	v4 =	vmul.f32 v4, v2  }
0x2bd: {  	v5 =	vmul.f32 v5, v3  }
0x2be: {  	v4 =	vmax.f32 v4, $0.0e+00  }
0x2bf: {  	v4 =	vmin.f32 v4, $1.000000000e+00;
	v5 =	vmax.f32 v5, $0.0e+00  }
0x2c0: {  	v5 =	vmin.f32 v5, $1.000000000e+00;
	v4 =	vmul.f32 $4.095000000e+03, v4  }
0x2c1: {  	v5 =	vmul.f32 $4.095000000e+03, v5  }
0x2c2: {  	v4 =	vtrunc.f32 v4  }
0x2c3: {  	v4 =	vcvt.f32.s32 v4;
	v5 =	vtrunc.f32 v5  }
0x2c4: {  	v5 =	vcvt.f32.s32 v5  }
0x2c5: {  	v4 =	vshll.u32 v4, $0xC  }
0x2c6: {  	v4 =	vadd.s32 v5, v4  }
0x2c7: {  	[tilespmem:s2+$0xFFFFFFF0] =	vst v4  }
0x2c8: {  	v4 =	vld [tilespmem:s22+$0x0]  }
0x2c9: {  	v5 =	vld [tilespmem:s20+$0x0];
	_ =	sdelay $0x3  }
0x2ca: {  	v4 =	vsub.f32 v4, v0  }
0x2cb: {  	v5 =	vsub.f32 v5, v1  }
0x2cc: {  	v4 =	vmul.f32 v4, v2  }
0x2cd: {  	v5 =	vmul.f32 v5, v3  }
0x2ce: {  	v4 =	vmax.f32 v4, $0.0e+00  }
0x2cf: {  	v4 =	vmin.f32 v4, $1.000000000e+00;
	v5 =	vmax.f32 v5, $0.0e+00  }
0x2d0: {  	v5 =	vmin.f32 v5, $1.000000000e+00;
	v4 =	vmul.f32 $4.095000000e+03, v4  }
0x2d1: {  	v5 =	vmul.f32 $4.095000000e+03, v5  }
0x2d2: {  	v4 =	vtrunc.f32 v4  }
0x2d3: {  	v4 =	vcvt.f32.s32 v4;
	v5 =	vtrunc.f32 v5  }
0x2d4: {  	v5 =	vcvt.f32.s32 v5  }
0x2d5: {  	v4 =	vshll.u32 v4, $0xC  }
0x2d6: {  	v4 =	vadd.s32 v5, v4  }
0x2d7: {  	[tilespmem:s2+$0x0] =	vst v4  }
0x2d8: {  	v4 =	vld [tilespmem:s22+$0x10]  }
0x2d9: {  	v5 =	vld [tilespmem:s20+$0x10];
	_ =	sdelay $0x3  }
0x2da: {  	v4 =	vsub.f32 v4, v0  }
0x2db: {  	v5 =	vsub.f32 v5, v1  }
0x2dc: {  	v4 =	vmul.f32 v4, v2  }
0x2dd: {  	v5 =	vmul.f32 v5, v3  }
0x2de: {  	v4 =	vmax.f32 v4, $0.0e+00  }
0x2df: {  	v4 =	vmin.f32 v4, $1.000000000e+00;
	v5 =	vmax.f32 v5, $0.0e+00  }
0x2e0: {  	v5 =	vmin.f32 v5, $1.000000000e+00;
	v4 =	vmul.f32 $4.095000000e+03, v4  }
0x2e1: {  	v5 =	vmul.f32 $4.095000000e+03, v5  }
0x2e2: {  	v4 =	vtrunc.f32 v4  }
.Ltmp4:
0x2e3: {  	v4 =	vcvt.f32.s32 v4;
	v5 =	vtrunc.f32 v5;
	(pc) =	sbr.rel @p0 .LBB2_10-.Ltmp4, $4  }
0x2e4: {  	v5 =	vcvt.f32.s32 v5  }
0x2e5: {  	v4 =	vshll.u32 v4, $0xC  }
0x2e6: {  	v4 =	vadd.s32 v5, v4  }
0x2e7: {  	s22 =	sadd.s32 $0x40, s22;
	[tilespmem:s2+$0x10] =	vst v4  }
0x2e8: {  	_ =	swait.ge [sflag:s15], $0x1000  }
0x2e9: {  	[sflag:s15] =	ssyncset.done $0x0  }
0x2ea: {  	s2 =	rddreg [dreg:$0xf];
	[sflag:s15] =	ssyncadd.s32 $0xFFFFF000  }
0x2eb: {  	[hbm4b:s2+s0] =	stream.linear.scatter [tilespmem:s10], [sflag:$0x7], $0x1000, $0x38;
	[tilespmem:$0x10200] =	vst v63  }
0x2ec: {  	_ =	swait.ge [sflag:s9], $0x1000  }
0x2ed: {  	[sflag:s9] =	ssyncset.done $0x0  }
0x2ee: {  	[sflag:s9] =	ssyncadd.s32 $0xFFFFF000  }
0x2ef: {  	[tilespmem:s1], [sflag:$0x1] =	stream.indirect.gather [hbm4b:s28+s5], $0x1, s0, s5, $0xb8;
	[tilespmem:$0x10200] =	vst v63  }
0x2f0: {  	s20 =	simm.s32 $0x9200;
	s22 =	rddreg [dreg:$0x10]  }
0x2f1: {  	[tilespmem:s20], [sflag:$0xB] =	stream.linear.gather [hbm4b:s22+s0], $0x1000, $0x38;
	[tilespmem:$0x10200] =	vst v63  }
0x2f2: {  	s21 =	rddreg [dreg:$0x15];
	s22 =	simm.s32 $0xD200  }
0x2f3: {  	[tilespmem:s22], [sflag:$0xB] =	stream.linear.gather [hbm4b:s21+s0], $0x1000, $0x38;
	[tilespmem:$0x10200] =	vst v63  }
0x2f4: {  	_ =	swait.ge [sflag:s6], $0x1000  }
0x2f5: {  	[sflag:s6] =	ssyncset.done $0x0  }
0x2f6: {  	[sflag:s6] =	ssyncadd.s32 $0xFFFFF000  }
0x2f7: {  	_ =	swait.ge [sflag:s6], $0x1000  }
0x2f8: {  	[sflag:s6] =	ssyncset.done $0x0  }
0x2f9: {  	s21 =	simm.s32 $0x9220;
	[sflag:s6] =	ssyncadd.s32 $0xFFFFF000  }
0x2fa: {  	s20 =	simm.s32 $0xD220;
	v4 =	vld [tilespmem:s21+$0xFFFFFFE0]  }
0x2fb: {  	v5 =	vld [tilespmem:s20+$0xFFFFFFE0];
	_ =	sdelay $0x3  }
0x2fc: {  	v4 =	vsub.f32 v4, v0  }
0x2fd: {  	v5 =	vsub.f32 v5, v1  }
0x2fe: {  	v4 =	vmul.f32 v4, v2  }
0x2ff: {  	v5 =	vmul.f32 v5, v3  }
0x300: {  	v4 =	vmax.f32 v4, $0.0e+00  }
0x301: {  	v5 =	vmax.f32 v5, $0.0e+00;
	v4 =	vmin.f32 v4, $1.000000000e+00  }
0x302: {  	v5 =	vmin.f32 v5, $1.000000000e+00;
	v4 =	vmul.f32 $4.095000000e+03, v4  }
0x303: {  	v5 =	vmul.f32 $4.095000000e+03, v5  }
0x304: {  	v4 =	vtrunc.f32 v4  }
0x305: {  	v5 =	vtrunc.f32 v5;
	v4 =	vcvt.f32.s32 v4  }
0x306: {  	v5 =	vcvt.f32.s32 v5  }
0x307: {  	v4 =	vshll.u32 v4, $0xC  }
0x308: {  	s2 =	simm.s32 $0x1020;
	v4 =	vadd.s32 v5, v4  }
0x309: {  	[tilespmem:s2+$0xFFFFFFE0] =	vst v4  }
0x30a: {  	v4 =	vld [tilespmem:s21+$0xFFFFFFF0]  }
0x30b: {  	v5 =	vld [tilespmem:s20+$0xFFFFFFF0];
	_ =	sdelay $0x3  }
0x30c: {  	v4 =	vsub.f32 v4, v0  }
0x30d: {  	v5 =	vsub.f32 v5, v1  }
0x30e: {  	v4 =	vmul.f32 v4, v2  }
0x30f: {  	v5 =	vmul.f32 v5, v3  }
0x310: {  	v4 =	vmax.f32 v4, $0.0e+00  }
0x311: {  	v5 =	vmax.f32 v5, $0.0e+00;
	v4 =	vmin.f32 v4, $1.000000000e+00  }
0x312: {  	v5 =	vmin.f32 v5, $1.000000000e+00;
	v4 =	vmul.f32 $4.095000000e+03, v4  }
0x313: {  	v5 =	vmul.f32 $4.095000000e+03, v5  }
0x314: {  	v4 =	vtrunc.f32 v4  }
0x315: {  	v5 =	vtrunc.f32 v5;
	v4 =	vcvt.f32.s32 v4  }
0x316: {  	v5 =	vcvt.f32.s32 v5  }
0x317: {  	v4 =	vshll.u32 v4, $0xC  }
0x318: {  	v4 =	vadd.s32 v5, v4  }
0x319: {  	[tilespmem:s2+$0xFFFFFFF0] =	vst v4  }
0x31a: {  	v4 =	vld [tilespmem:s21+$0x0]  }
0x31b: {  	v5 =	vld [tilespmem:s20+$0x0];
	_ =	sdelay $0x3  }
0x31c: {  	v4 =	vsub.f32 v4, v0  }
0x31d: {  	v5 =	vsub.f32 v5, v1  }
0x31e: {  	v4 =	vmul.f32 v4, v2  }
0x31f: {  	v5 =	vmul.f32 v5, v3  }
0x320: {  	v4 =	vmax.f32 v4, $0.0e+00  }
0x321: {  	v5 =	vmax.f32 v5, $0.0e+00;
	v4 =	vmin.f32 v4, $1.000000000e+00  }
0x322: {  	v5 =	vmin.f32 v5, $1.000000000e+00;
	v4 =	vmul.f32 $4.095000000e+03, v4  }
0x323: {  	v5 =	vmul.f32 $4.095000000e+03, v5  }
0x324: {  	v4 =	vtrunc.f32 v4  }
0x325: {  	v5 =	vtrunc.f32 v5;
	v4 =	vcvt.f32.s32 v4  }
0x326: {  	v5 =	vcvt.f32.s32 v5  }
0x327: {  	v4 =	vshll.u32 v4, $0xC  }
0x328: {  	v4 =	vadd.s32 v5, v4  }
0x329: {  	[tilespmem:s2+$0x0] =	vst v4  }
0x32a: {  	v4 =	vld [tilespmem:s21+$0x10]  }
0x32b: {  	v5 =	vld [tilespmem:s20+$0x10];
	_ =	sdelay $0x3  }
0x32c: {  	v4 =	vsub.f32 v4, v0  }
0x32d: {  	v5 =	vsub.f32 v5, v1  }
0x32e: {  	v4 =	vmul.f32 v4, v2  }
0x32f: {  	v5 =	vmul.f32 v5, v3  }
0x330: {  	v4 =	vmax.f32 v4, $0.0e+00  }
0x331: {  	v5 =	vmax.f32 v5, $0.0e+00;
	v4 =	vmin.f32 v4, $1.000000000e+00  }
0x332: {  	v5 =	vmin.f32 v5, $1.000000000e+00;
	v4 =	vmul.f32 $4.095000000e+03, v4  }
0x333: {  	v5 =	vmul.f32 $4.095000000e+03, v5  }
0x334: {  	v4 =	vtrunc.f32 v4  }
0x335: {  	v5 =	vtrunc.f32 v5;
	v4 =	vcvt.f32.s32 v4  }
0x336: {  	v5 =	vcvt.f32.s32 v5  }
0x337: {  	v4 =	vshll.u32 v4, $0xC  }
0x338: {  	v4 =	vadd.s32 v5, v4  }
0x339: {  	s22 =	simm.s32 $0x9260;
	s21 =	simm.s32 $0x0;
	[tilespmem:s2+$0x10] =	vst v4  }
.LBB2_12:
0x33a: {  	v4 =	vld [tilespmem:s22+$0xFFFFFFE0];
	s21 =	sadd.s32 $0x4, s21;
	s20 =	sadd.s32 $0x40, s20  }
0x33b: {  	v5 =	vld [tilespmem:s20+$0xFFFFFFE0];
	p0 =	slt.u32 s21, $0xFC;
	_ =	sdelay $0x3  }
0x33c: {  	v4 =	vsub.f32 v4, v0  }
0x33d: {  	v5 =	vsub.f32 v5, v1  }
0x33e: {  	v4 =	vmul.f32 v4, v2  }
0x33f: {  	v5 =	vmul.f32 v5, v3  }
0x340: {  	v4 =	vmax.f32 v4, $0.0e+00  }
0x341: {  	v4 =	vmin.f32 v4, $1.000000000e+00;
	v5 =	vmax.f32 v5, $0.0e+00  }
0x342: {  	v5 =	vmin.f32 v5, $1.000000000e+00;
	v4 =	vmul.f32 $4.095000000e+03, v4  }
0x343: {  	v5 =	vmul.f32 $4.095000000e+03, v5  }
0x344: {  	v4 =	vtrunc.f32 v4  }
0x345: {  	v4 =	vcvt.f32.s32 v4;
	v5 =	vtrunc.f32 v5  }
0x346: {  	v5 =	vcvt.f32.s32 v5  }
0x347: {  	v4 =	vshll.u32 v4, $0xC  }
0x348: {  	s2 =	sadd.s32 $0x40, s2;
	v4 =	vadd.s32 v5, v4  }
0x349: {  	[tilespmem:s2+$0xFFFFFFE0] =	vst v4  }
0x34a: {  	v4 =	vld [tilespmem:s22+$0xFFFFFFF0]  }
0x34b: {  	v5 =	vld [tilespmem:s20+$0xFFFFFFF0];
	_ =	sdelay $0x3  }
0x34c: {  	v4 =	vsub.f32 v4, v0  }
0x34d: {  	v5 =	vsub.f32 v5, v1  }
0x34e: {  	v4 =	vmul.f32 v4, v2  }
0x34f: {  	v5 =	vmul.f32 v5, v3  }
0x350: {  	v4 =	vmax.f32 v4, $0.0e+00  }
0x351: {  	v4 =	vmin.f32 v4, $1.000000000e+00;
	v5 =	vmax.f32 v5, $0.0e+00  }
0x352: {  	v5 =	vmin.f32 v5, $1.000000000e+00;
	v4 =	vmul.f32 $4.095000000e+03, v4  }
0x353: {  	v5 =	vmul.f32 $4.095000000e+03, v5  }
0x354: {  	v4 =	vtrunc.f32 v4  }
0x355: {  	v4 =	vcvt.f32.s32 v4;
	v5 =	vtrunc.f32 v5  }
0x356: {  	v5 =	vcvt.f32.s32 v5  }
0x357: {  	v4 =	vshll.u32 v4, $0xC  }
0x358: {  	v4 =	vadd.s32 v5, v4  }
0x359: {  	[tilespmem:s2+$0xFFFFFFF0] =	vst v4  }
0x35a: {  	v4 =	vld [tilespmem:s22+$0x0]  }
0x35b: {  	v5 =	vld [tilespmem:s20+$0x0];
	_ =	sdelay $0x3  }
0x35c: {  	v4 =	vsub.f32 v4, v0  }
0x35d: {  	v5 =	vsub.f32 v5, v1  }
0x35e: {  	v4 =	vmul.f32 v4, v2  }
0x35f: {  	v5 =	vmul.f32 v5, v3  }
0x360: {  	v4 =	vmax.f32 v4, $0.0e+00  }
0x361: {  	v4 =	vmin.f32 v4, $1.000000000e+00;
	v5 =	vmax.f32 v5, $0.0e+00  }
0x362: {  	v5 =	vmin.f32 v5, $1.000000000e+00;
	v4 =	vmul.f32 $4.095000000e+03, v4  }
0x363: {  	v5 =	vmul.f32 $4.095000000e+03, v5  }
0x364: {  	v4 =	vtrunc.f32 v4  }
0x365: {  	v4 =	vcvt.f32.s32 v4;
	v5 =	vtrunc.f32 v5  }
0x366: {  	v5 =	vcvt.f32.s32 v5  }
0x367: {  	v4 =	vshll.u32 v4, $0xC  }
0x368: {  	v4 =	vadd.s32 v5, v4  }
0x369: {  	[tilespmem:s2+$0x0] =	vst v4  }
0x36a: {  	v4 =	vld [tilespmem:s22+$0x10]  }
0x36b: {  	v5 =	vld [tilespmem:s20+$0x10];
	_ =	sdelay $0x3  }
0x36c: {  	v4 =	vsub.f32 v4, v0  }
0x36d: {  	v5 =	vsub.f32 v5, v1  }
0x36e: {  	v4 =	vmul.f32 v4, v2  }
0x36f: {  	v5 =	vmul.f32 v5, v3  }
0x370: {  	v4 =	vmax.f32 v4, $0.0e+00  }
0x371: {  	v4 =	vmin.f32 v4, $1.000000000e+00;
	v5 =	vmax.f32 v5, $0.0e+00  }
0x372: {  	v5 =	vmin.f32 v5, $1.000000000e+00;
	v4 =	vmul.f32 $4.095000000e+03, v4  }
0x373: {  	v5 =	vmul.f32 $4.095000000e+03, v5  }
0x374: {  	v4 =	vtrunc.f32 v4  }
.Ltmp5:
0x375: {  	v4 =	vcvt.f32.s32 v4;
	v5 =	vtrunc.f32 v5;
	(pc) =	sbr.rel @p0 .LBB2_12-.Ltmp5, $4  }
0x376: {  	v5 =	vcvt.f32.s32 v5  }
0x377: {  	v4 =	vshll.u32 v4, $0xC  }
0x378: {  	v4 =	vadd.s32 v5, v4  }
0x379: {  	s22 =	sadd.s32 $0x40, s22;
	[tilespmem:s2+$0x10] =	vst v4  }
0x37a: {  	_ =	swait.ge [sflag:s16], $0x1000  }
0x37b: {  	[sflag:s16] =	ssyncset.done $0x0  }
0x37c: {  	s2 =	rddreg [dreg:$0x11];
	[sflag:s16] =	ssyncadd.s32 $0xFFFFF000  }
0x37d: {  	[hbm4b:s2+s0] =	stream.linear.scatter [tilespmem:s14], [sflag:$0x8], $0x1000, $0x38;
	[tilespmem:$0x10200] =	vst v63  }
0x37e: {  	_ =	swait.ge [sflag:s11], $0x1000  }
0x37f: {  	[sflag:s11] =	ssyncset.done $0x0  }
0x380: {  	[sflag:s11] =	ssyncadd.s32 $0xFFFFF000  }
0x381: {  	[tilespmem:s31], [sflag:$0x2] =	stream.indirect.gather [hbm4b:s28+s5], $0x1, s5, s5, $0xb8;
	[tilespmem:$0x10200] =	vst v63  }
0x382: {  	s20 =	simm.s32 $0xA200;
	s22 =	rddreg [dreg:$0x13]  }
0x383: {  	[tilespmem:s20], [sflag:$0xC] =	stream.linear.gather [hbm4b:s22+s0], $0x1000, $0x38;
	[tilespmem:$0x10200] =	vst v63  }
0x384: {  	s21 =	rddreg [dreg:$0x16];
	s22 =	simm.s32 $0xE200  }
0x385: {  	[tilespmem:s22], [sflag:$0xC] =	stream.linear.gather [hbm4b:s21+s0], $0x1000, $0x38;
	[tilespmem:$0x10200] =	vst v63  }
0x386: {  	_ =	swait.ge [sflag:s3], $0x1000  }
0x387: {  	[sflag:s3] =	ssyncset.done $0x0  }
0x388: {  	[sflag:s3] =	ssyncadd.s32 $0xFFFFF000  }
0x389: {  	_ =	swait.ge [sflag:s3], $0x1000  }
0x38a: {  	[sflag:s3] =	ssyncset.done $0x0  }
0x38b: {  	s21 =	simm.s32 $0xA220;
	[sflag:s3] =	ssyncadd.s32 $0xFFFFF000  }
0x38c: {  	s20 =	simm.s32 $0xE220;
	v4 =	vld [tilespmem:s21+$0xFFFFFFE0]  }
0x38d: {  	v5 =	vld [tilespmem:s20+$0xFFFFFFE0];
	_ =	sdelay $0x3  }
0x38e: {  	v4 =	vsub.f32 v4, v0  }
0x38f: {  	v5 =	vsub.f32 v5, v1  }
0x390: {  	v4 =	vmul.f32 v4, v2  }
0x391: {  	v5 =	vmul.f32 v5, v3  }
0x392: {  	v4 =	vmax.f32 v4, $0.0e+00  }
0x393: {  	v5 =	vmax.f32 v5, $0.0e+00;
	v4 =	vmin.f32 v4, $1.000000000e+00  }
0x394: {  	v5 =	vmin.f32 v5, $1.000000000e+00;
	v4 =	vmul.f32 $4.095000000e+03, v4  }
0x395: {  	v5 =	vmul.f32 $4.095000000e+03, v5  }
0x396: {  	v4 =	vtrunc.f32 v4  }
0x397: {  	v5 =	vtrunc.f32 v5;
	v4 =	vcvt.f32.s32 v4  }
0x398: {  	v5 =	vcvt.f32.s32 v5  }
0x399: {  	v4 =	vshll.u32 v4, $0xC  }
0x39a: {  	s2 =	simm.s32 $0x2020;
	v4 =	vadd.s32 v5, v4  }
0x39b: {  	[tilespmem:s2+$0xFFFFFFE0] =	vst v4  }
0x39c: {  	v4 =	vld [tilespmem:s21+$0xFFFFFFF0]  }
0x39d: {  	v5 =	vld [tilespmem:s20+$0xFFFFFFF0];
	_ =	sdelay $0x3  }
0x39e: {  	v4 =	vsub.f32 v4, v0  }
0x39f: {  	v5 =	vsub.f32 v5, v1  }
0x3a0: {  	v4 =	vmul.f32 v4, v2  }
0x3a1: {  	v5 =	vmul.f32 v5, v3  }
0x3a2: {  	v4 =	vmax.f32 v4, $0.0e+00  }
0x3a3: {  	v5 =	vmax.f32 v5, $0.0e+00;
	v4 =	vmin.f32 v4, $1.000000000e+00  }
0x3a4: {  	v5 =	vmin.f32 v5, $1.000000000e+00;
	v4 =	vmul.f32 $4.095000000e+03, v4  }
0x3a5: {  	v5 =	vmul.f32 $4.095000000e+03, v5  }
0x3a6: {  	v4 =	vtrunc.f32 v4  }
0x3a7: {  	v5 =	vtrunc.f32 v5;
	v4 =	vcvt.f32.s32 v4  }
0x3a8: {  	v5 =	vcvt.f32.s32 v5  }
0x3a9: {  	v4 =	vshll.u32 v4, $0xC  }
0x3aa: {  	v4 =	vadd.s32 v5, v4  }
0x3ab: {  	[tilespmem:s2+$0xFFFFFFF0] =	vst v4  }
0x3ac: {  	v4 =	vld [tilespmem:s21+$0x0]  }
0x3ad: {  	v5 =	vld [tilespmem:s20+$0x0];
	_ =	sdelay $0x3  }
0x3ae: {  	v4 =	vsub.f32 v4, v0  }
0x3af: {  	v5 =	vsub.f32 v5, v1  }
0x3b0: {  	v4 =	vmul.f32 v4, v2  }
0x3b1: {  	v5 =	vmul.f32 v5, v3  }
0x3b2: {  	v4 =	vmax.f32 v4, $0.0e+00  }
0x3b3: {  	v5 =	vmax.f32 v5, $0.0e+00;
	v4 =	vmin.f32 v4, $1.000000000e+00  }
0x3b4: {  	v5 =	vmin.f32 v5, $1.000000000e+00;
	v4 =	vmul.f32 $4.095000000e+03, v4  }
0x3b5: {  	v5 =	vmul.f32 $4.095000000e+03, v5  }
0x3b6: {  	v4 =	vtrunc.f32 v4  }
0x3b7: {  	v5 =	vtrunc.f32 v5;
	v4 =	vcvt.f32.s32 v4  }
0x3b8: {  	v5 =	vcvt.f32.s32 v5  }
0x3b9: {  	v4 =	vshll.u32 v4, $0xC  }
0x3ba: {  	v4 =	vadd.s32 v5, v4  }
0x3bb: {  	[tilespmem:s2+$0x0] =	vst v4  }
0x3bc: {  	v4 =	vld [tilespmem:s21+$0x10]  }
0x3bd: {  	v5 =	vld [tilespmem:s20+$0x10];
	_ =	sdelay $0x3  }
0x3be: {  	v4 =	vsub.f32 v4, v0  }
0x3bf: {  	v5 =	vsub.f32 v5, v1  }
0x3c0: {  	v4 =	vmul.f32 v4, v2  }
0x3c1: {  	v5 =	vmul.f32 v5, v3  }
0x3c2: {  	v4 =	vmax.f32 v4, $0.0e+00  }
0x3c3: {  	v5 =	vmax.f32 v5, $0.0e+00;
	v4 =	vmin.f32 v4, $1.000000000e+00  }
0x3c4: {  	v5 =	vmin.f32 v5, $1.000000000e+00;
	v4 =	vmul.f32 $4.095000000e+03, v4  }
0x3c5: {  	v5 =	vmul.f32 $4.095000000e+03, v5  }
0x3c6: {  	v4 =	vtrunc.f32 v4  }
0x3c7: {  	v5 =	vtrunc.f32 v5;
	v4 =	vcvt.f32.s32 v4  }
0x3c8: {  	v5 =	vcvt.f32.s32 v5  }
0x3c9: {  	v4 =	vshll.u32 v4, $0xC  }
0x3ca: {  	v4 =	vadd.s32 v5, v4  }
0x3cb: {  	s22 =	simm.s32 $0xA260;
	s21 =	simm.s32 $0x0;
	[tilespmem:s2+$0x10] =	vst v4  }
.LBB2_14:
0x3cc: {  	v4 =	vld [tilespmem:s22+$0xFFFFFFE0];
	s21 =	sadd.s32 $0x4, s21;
	s20 =	sadd.s32 $0x40, s20  }
0x3cd: {  	v5 =	vld [tilespmem:s20+$0xFFFFFFE0];
	p0 =	slt.u32 s21, $0xFC;
	_ =	sdelay $0x3  }
0x3ce: {  	v4 =	vsub.f32 v4, v0  }
0x3cf: {  	v5 =	vsub.f32 v5, v1  }
0x3d0: {  	v4 =	vmul.f32 v4, v2  }
0x3d1: {  	v5 =	vmul.f32 v5, v3  }
0x3d2: {  	v4 =	vmax.f32 v4, $0.0e+00  }
0x3d3: {  	v4 =	vmin.f32 v4, $1.000000000e+00;
	v5 =	vmax.f32 v5, $0.0e+00  }
0x3d4: {  	v5 =	vmin.f32 v5, $1.000000000e+00;
	v4 =	vmul.f32 $4.095000000e+03, v4  }
0x3d5: {  	v5 =	vmul.f32 $4.095000000e+03, v5  }
0x3d6: {  	v4 =	vtrunc.f32 v4  }
0x3d7: {  	v4 =	vcvt.f32.s32 v4;
	v5 =	vtrunc.f32 v5  }
0x3d8: {  	v5 =	vcvt.f32.s32 v5  }
0x3d9: {  	v4 =	vshll.u32 v4, $0xC  }
0x3da: {  	s2 =	sadd.s32 $0x40, s2;
	v4 =	vadd.s32 v5, v4  }
0x3db: {  	[tilespmem:s2+$0xFFFFFFE0] =	vst v4  }
0x3dc: {  	v4 =	vld [tilespmem:s22+$0xFFFFFFF0]  }
0x3dd: {  	v5 =	vld [tilespmem:s20+$0xFFFFFFF0];
	_ =	sdelay $0x3  }
0x3de: {  	v4 =	vsub.f32 v4, v0  }
0x3df: {  	v5 =	vsub.f32 v5, v1  }
0x3e0: {  	v4 =	vmul.f32 v4, v2  }
0x3e1: {  	v5 =	vmul.f32 v5, v3  }
0x3e2: {  	v4 =	vmax.f32 v4, $0.0e+00  }
0x3e3: {  	v4 =	vmin.f32 v4, $1.000000000e+00;
	v5 =	vmax.f32 v5, $0.0e+00  }
0x3e4: {  	v5 =	vmin.f32 v5, $1.000000000e+00;
	v4 =	vmul.f32 $4.095000000e+03, v4  }
0x3e5: {  	v5 =	vmul.f32 $4.095000000e+03, v5  }
0x3e6: {  	v4 =	vtrunc.f32 v4  }
0x3e7: {  	v4 =	vcvt.f32.s32 v4;
	v5 =	vtrunc.f32 v5  }
0x3e8: {  	v5 =	vcvt.f32.s32 v5  }
0x3e9: {  	v4 =	vshll.u32 v4, $0xC  }
0x3ea: {  	v4 =	vadd.s32 v5, v4  }
0x3eb: {  	[tilespmem:s2+$0xFFFFFFF0] =	vst v4  }
0x3ec: {  	v4 =	vld [tilespmem:s22+$0x0]  }
0x3ed: {  	v5 =	vld [tilespmem:s20+$0x0];
	_ =	sdelay $0x3  }
0x3ee: {  	v4 =	vsub.f32 v4, v0  }
0x3ef: {  	v5 =	vsub.f32 v5, v1  }
0x3f0: {  	v4 =	vmul.f32 v4, v2  }
0x3f1: {  	v5 =	vmul.f32 v5, v3  }
0x3f2: {  	v4 =	vmax.f32 v4, $0.0e+00  }
0x3f3: {  	v4 =	vmin.f32 v4, $1.000000000e+00;
	v5 =	vmax.f32 v5, $0.0e+00  }
0x3f4: {  	v5 =	vmin.f32 v5, $1.000000000e+00;
	v4 =	vmul.f32 $4.095000000e+03, v4  }
0x3f5: {  	v5 =	vmul.f32 $4.095000000e+03, v5  }
0x3f6: {  	v4 =	vtrunc.f32 v4  }
0x3f7: {  	v4 =	vcvt.f32.s32 v4;
	v5 =	vtrunc.f32 v5  }
0x3f8: {  	v5 =	vcvt.f32.s32 v5  }
0x3f9: {  	v4 =	vshll.u32 v4, $0xC  }
0x3fa: {  	v4 =	vadd.s32 v5, v4  }
0x3fb: {  	[tilespmem:s2+$0x0] =	vst v4  }
0x3fc: {  	v4 =	vld [tilespmem:s22+$0x10]  }
0x3fd: {  	v5 =	vld [tilespmem:s20+$0x10];
	_ =	sdelay $0x3  }
0x3fe: {  	v4 =	vsub.f32 v4, v0  }
0x3ff: {  	v5 =	vsub.f32 v5, v1  }
0x400: {  	v4 =	vmul.f32 v4, v2  }
0x401: {  	v5 =	vmul.f32 v5, v3  }
0x402: {  	v4 =	vmax.f32 v4, $0.0e+00  }
0x403: {  	v4 =	vmin.f32 v4, $1.000000000e+00;
	v5 =	vmax.f32 v5, $0.0e+00  }
0x404: {  	v5 =	vmin.f32 v5, $1.000000000e+00;
	v4 =	vmul.f32 $4.095000000e+03, v4  }
0x405: {  	v5 =	vmul.f32 $4.095000000e+03, v5  }
0x406: {  	v4 =	vtrunc.f32 v4  }
.Ltmp6:
0x407: {  	v4 =	vcvt.f32.s32 v4;
	v5 =	vtrunc.f32 v5;
	(pc) =	sbr.rel @p0 .LBB2_14-.Ltmp6, $4  }
0x408: {  	v5 =	vcvt.f32.s32 v5  }
0x409: {  	v4 =	vshll.u32 v4, $0xC  }
0x40a: {  	v4 =	vadd.s32 v5, v4  }
0x40b: {  	s22 =	sadd.s32 $0x40, s22;
	[tilespmem:s2+$0x10] =	vst v4  }
0x40c: {  	_ =	swait.ge [sflag:s8], $0x1000  }
0x40d: {  	[sflag:s8] =	ssyncset.done $0x0  }
0x40e: {  	s2 =	rddreg [dreg:$0x12];
	[sflag:s8] =	ssyncadd.s32 $0xFFFFF000  }
0x40f: {  	[hbm4b:s2+s0] =	stream.linear.scatter [tilespmem:s1], [sflag:$0x5], $0x1000, $0x38;
	[tilespmem:$0x10200] =	vst v63  }
0x410: {  	_ =	swait.ge [sflag:s17], $0x1000  }
0x411: {  	[sflag:s17] =	ssyncset.done $0x0  }
0x412: {  	s20 =	simm.s32 $0x2000;
	[sflag:s17] =	ssyncadd.s32 $0xFFFFF000  }
0x413: {  	[tilespmem:s10], [sflag:$0x3] =	stream.indirect.gather [hbm4b:s28+s5], $0x1, s20, s5, $0xb8;
	[tilespmem:$0x10200] =	vst v63  }
0x414: {  	s21 =	rddreg [dreg:$0x14];
	s20 =	simm.s32 $0xB200  }
0x415: {  	[tilespmem:s20], [sflag:$0xD] =	stream.linear.gather [hbm4b:s21+s0], $0x1000, $0x38;
	[tilespmem:$0x10200] =	vst v63  }
0x416: {  	s22 =	simm.s32 $0xF200  }
0x417: {  	[tilespmem:s22], [sflag:$0xD] =	stream.linear.gather [hbm4b:s23+s0], $0x1000, $0x38;
	[tilespmem:$0x10200] =	vst v63  }
0x418: {  	_ =	swait.ge [sflag:s7], $0x1000  }
0x419: {  	[sflag:s7] =	ssyncset.done $0x0  }
0x41a: {  	[sflag:s7] =	ssyncadd.s32 $0xFFFFF000  }
0x41b: {  	_ =	swait.ge [sflag:s7], $0x1000  }
0x41c: {  	[sflag:s7] =	ssyncset.done $0x0  }
0x41d: {  	s21 =	simm.s32 $0xB220;
	[sflag:s7] =	ssyncadd.s32 $0xFFFFF000  }
0x41e: {  	s20 =	simm.s32 $0xF220;
	v4 =	vld [tilespmem:s21+$0xFFFFFFE0]  }
0x41f: {  	v5 =	vld [tilespmem:s20+$0xFFFFFFE0];
	_ =	sdelay $0x3  }
0x420: {  	v4 =	vsub.f32 v4, v0  }
0x421: {  	v5 =	vsub.f32 v5, v1  }
0x422: {  	v4 =	vmul.f32 v4, v2  }
0x423: {  	v5 =	vmul.f32 v5, v3  }
0x424: {  	v4 =	vmax.f32 v4, $0.0e+00  }
0x425: {  	v5 =	vmax.f32 v5, $0.0e+00;
	v4 =	vmin.f32 v4, $1.000000000e+00  }
0x426: {  	v5 =	vmin.f32 v5, $1.000000000e+00;
	v4 =	vmul.f32 $4.095000000e+03, v4  }
0x427: {  	v5 =	vmul.f32 $4.095000000e+03, v5  }
0x428: {  	v4 =	vtrunc.f32 v4  }
0x429: {  	v5 =	vtrunc.f32 v5;
	v4 =	vcvt.f32.s32 v4  }
0x42a: {  	v5 =	vcvt.f32.s32 v5  }
0x42b: {  	v4 =	vshll.u32 v4, $0xC  }
0x42c: {  	s2 =	simm.s32 $0x3020;
	v4 =	vadd.s32 v5, v4  }
0x42d: {  	[tilespmem:s2+$0xFFFFFFE0] =	vst v4  }
0x42e: {  	v4 =	vld [tilespmem:s21+$0xFFFFFFF0]  }
0x42f: {  	v5 =	vld [tilespmem:s20+$0xFFFFFFF0];
	_ =	sdelay $0x3  }
0x430: {  	v4 =	vsub.f32 v4, v0  }
0x431: {  	v5 =	vsub.f32 v5, v1  }
0x432: {  	v4 =	vmul.f32 v4, v2  }
0x433: {  	v5 =	vmul.f32 v5, v3  }
0x434: {  	v4 =	vmax.f32 v4, $0.0e+00  }
0x435: {  	v5 =	vmax.f32 v5, $0.0e+00;
	v4 =	vmin.f32 v4, $1.000000000e+00  }
0x436: {  	v5 =	vmin.f32 v5, $1.000000000e+00;
	v4 =	vmul.f32 $4.095000000e+03, v4  }
0x437: {  	v5 =	vmul.f32 $4.095000000e+03, v5  }
0x438: {  	v4 =	vtrunc.f32 v4  }
0x439: {  	v5 =	vtrunc.f32 v5;
	v4 =	vcvt.f32.s32 v4  }
0x43a: {  	v5 =	vcvt.f32.s32 v5  }
0x43b: {  	v4 =	vshll.u32 v4, $0xC  }
0x43c: {  	v4 =	vadd.s32 v5, v4  }
0x43d: {  	[tilespmem:s2+$0xFFFFFFF0] =	vst v4  }
0x43e: {  	v4 =	vld [tilespmem:s21+$0x0]  }
0x43f: {  	v5 =	vld [tilespmem:s20+$0x0];
	_ =	sdelay $0x3  }
0x440: {  	v4 =	vsub.f32 v4, v0  }
0x441: {  	v5 =	vsub.f32 v5, v1  }
0x442: {  	v4 =	vmul.f32 v4, v2  }
0x443: {  	v5 =	vmul.f32 v5, v3  }
0x444: {  	v4 =	vmax.f32 v4, $0.0e+00  }
0x445: {  	v5 =	vmax.f32 v5, $0.0e+00;
	v4 =	vmin.f32 v4, $1.000000000e+00  }
0x446: {  	v5 =	vmin.f32 v5, $1.000000000e+00;
	v4 =	vmul.f32 $4.095000000e+03, v4  }
0x447: {  	v5 =	vmul.f32 $4.095000000e+03, v5  }
0x448: {  	v4 =	vtrunc.f32 v4  }
0x449: {  	v5 =	vtrunc.f32 v5;
	v4 =	vcvt.f32.s32 v4  }
0x44a: {  	v5 =	vcvt.f32.s32 v5  }
0x44b: {  	v4 =	vshll.u32 v4, $0xC  }
0x44c: {  	v4 =	vadd.s32 v5, v4  }
0x44d: {  	[tilespmem:s2+$0x0] =	vst v4  }
0x44e: {  	v4 =	vld [tilespmem:s21+$0x10]  }
0x44f: {  	v5 =	vld [tilespmem:s20+$0x10];
	_ =	sdelay $0x3  }
0x450: {  	v4 =	vsub.f32 v4, v0  }
0x451: {  	v5 =	vsub.f32 v5, v1  }
0x452: {  	v4 =	vmul.f32 v4, v2  }
0x453: {  	v5 =	vmul.f32 v5, v3  }
0x454: {  	v4 =	vmax.f32 v4, $0.0e+00  }
0x455: {  	v5 =	vmax.f32 v5, $0.0e+00;
	v4 =	vmin.f32 v4, $1.000000000e+00  }
0x456: {  	v5 =	vmin.f32 v5, $1.000000000e+00;
	v4 =	vmul.f32 $4.095000000e+03, v4  }
0x457: {  	v5 =	vmul.f32 $4.095000000e+03, v5  }
0x458: {  	v4 =	vtrunc.f32 v4  }
0x459: {  	v5 =	vtrunc.f32 v5;
	v4 =	vcvt.f32.s32 v4  }
0x45a: {  	v5 =	vcvt.f32.s32 v5  }
0x45b: {  	v4 =	vshll.u32 v4, $0xC  }
0x45c: {  	v4 =	vadd.s32 v5, v4  }
0x45d: {  	s22 =	simm.s32 $0xB260;
	s21 =	simm.s32 $0x0;
	[tilespmem:s2+$0x10] =	vst v4  }
.LBB2_16:
0x45e: {  	v4 =	vld [tilespmem:s22+$0xFFFFFFE0];
	s21 =	sadd.s32 $0x4, s21;
	s20 =	sadd.s32 $0x40, s20  }
0x45f: {  	v5 =	vld [tilespmem:s20+$0xFFFFFFE0];
	p0 =	slt.u32 s21, $0xFC;
	_ =	sdelay $0x3  }
0x460: {  	v4 =	vsub.f32 v4, v0  }
0x461: {  	v5 =	vsub.f32 v5, v1  }
0x462: {  	v4 =	vmul.f32 v4, v2  }
0x463: {  	v5 =	vmul.f32 v5, v3  }
0x464: {  	v4 =	vmax.f32 v4, $0.0e+00  }
0x465: {  	v4 =	vmin.f32 v4, $1.000000000e+00;
	v5 =	vmax.f32 v5, $0.0e+00  }
0x466: {  	v5 =	vmin.f32 v5, $1.000000000e+00;
	v4 =	vmul.f32 $4.095000000e+03, v4  }
0x467: {  	v5 =	vmul.f32 $4.095000000e+03, v5  }
0x468: {  	v4 =	vtrunc.f32 v4  }
0x469: {  	v4 =	vcvt.f32.s32 v4;
	v5 =	vtrunc.f32 v5  }
0x46a: {  	v5 =	vcvt.f32.s32 v5  }
0x46b: {  	v4 =	vshll.u32 v4, $0xC  }
0x46c: {  	s2 =	sadd.s32 $0x40, s2;
	v4 =	vadd.s32 v5, v4  }
0x46d: {  	[tilespmem:s2+$0xFFFFFFE0] =	vst v4  }
0x46e: {  	v4 =	vld [tilespmem:s22+$0xFFFFFFF0]  }
0x46f: {  	v5 =	vld [tilespmem:s20+$0xFFFFFFF0];
	_ =	sdelay $0x3  }
0x470: {  	v4 =	vsub.f32 v4, v0  }
0x471: {  	v5 =	vsub.f32 v5, v1  }
0x472: {  	v4 =	vmul.f32 v4, v2  }
0x473: {  	v5 =	vmul.f32 v5, v3  }
0x474: {  	v4 =	vmax.f32 v4, $0.0e+00  }
0x475: {  	v4 =	vmin.f32 v4, $1.000000000e+00;
	v5 =	vmax.f32 v5, $0.0e+00  }
0x476: {  	v5 =	vmin.f32 v5, $1.000000000e+00;
	v4 =	vmul.f32 $4.095000000e+03, v4  }
0x477: {  	v5 =	vmul.f32 $4.095000000e+03, v5  }
0x478: {  	v4 =	vtrunc.f32 v4  }
0x479: {  	v4 =	vcvt.f32.s32 v4;
	v5 =	vtrunc.f32 v5  }
0x47a: {  	v5 =	vcvt.f32.s32 v5  }
0x47b: {  	v4 =	vshll.u32 v4, $0xC  }
0x47c: {  	v4 =	vadd.s32 v5, v4  }
0x47d: {  	[tilespmem:s2+$0xFFFFFFF0] =	vst v4  }
0x47e: {  	v4 =	vld [tilespmem:s22+$0x0]  }
0x47f: {  	v5 =	vld [tilespmem:s20+$0x0];
	_ =	sdelay $0x3  }
0x480: {  	v4 =	vsub.f32 v4, v0  }
0x481: {  	v5 =	vsub.f32 v5, v1  }
0x482: {  	v4 =	vmul.f32 v4, v2  }
0x483: {  	v5 =	vmul.f32 v5, v3  }
0x484: {  	v4 =	vmax.f32 v4, $0.0e+00  }
0x485: {  	v4 =	vmin.f32 v4, $1.000000000e+00;
	v5 =	vmax.f32 v5, $0.0e+00  }
0x486: {  	v5 =	vmin.f32 v5, $1.000000000e+00;
	v4 =	vmul.f32 $4.095000000e+03, v4  }
0x487: {  	v5 =	vmul.f32 $4.095000000e+03, v5  }
0x488: {  	v4 =	vtrunc.f32 v4  }
0x489: {  	v4 =	vcvt.f32.s32 v4;
	v5 =	vtrunc.f32 v5  }
0x48a: {  	v5 =	vcvt.f32.s32 v5  }
0x48b: {  	v4 =	vshll.u32 v4, $0xC  }
0x48c: {  	v4 =	vadd.s32 v5, v4  }
0x48d: {  	[tilespmem:s2+$0x0] =	vst v4  }
0x48e: {  	v4 =	vld [tilespmem:s22+$0x10]  }
0x48f: {  	v5 =	vld [tilespmem:s20+$0x10];
	_ =	sdelay $0x3  }
0x490: {  	v4 =	vsub.f32 v4, v0  }
0x491: {  	v5 =	vsub.f32 v5, v1  }
0x492: {  	v4 =	vmul.f32 v4, v2  }
0x493: {  	v5 =	vmul.f32 v5, v3  }
0x494: {  	v4 =	vmax.f32 v4, $0.0e+00  }
0x495: {  	v4 =	vmin.f32 v4, $1.000000000e+00;
	v5 =	vmax.f32 v5, $0.0e+00  }
0x496: {  	v5 =	vmin.f32 v5, $1.000000000e+00;
	v4 =	vmul.f32 $4.095000000e+03, v4  }
0x497: {  	v5 =	vmul.f32 $4.095000000e+03, v5  }
0x498: {  	v4 =	vtrunc.f32 v4  }
.Ltmp7:
0x499: {  	v4 =	vcvt.f32.s32 v4;
	v5 =	vtrunc.f32 v5;
	(pc) =	sbr.rel @p0 .LBB2_16-.Ltmp7, $4  }
0x49a: {  	v5 =	vcvt.f32.s32 v5  }
0x49b: {  	v4 =	vshll.u32 v4, $0xC  }
0x49c: {  	v4 =	vadd.s32 v5, v4  }
0x49d: {  	s22 =	sadd.s32 $0x40, s22;
	[tilespmem:s2+$0x10] =	vst v4  }
0x49e: {  	_ =	swait.ge [sflag:s13], $0x1000  }
0x49f: {  	[sflag:s13] =	ssyncset.done $0x0  }
0x4a0: {  	[sflag:s13] =	ssyncadd.s32 $0xFFFFF000  }
0x4a1: {  	[hbm4b:s24+s0] =	stream.linear.scatter [tilespmem:s31], [sflag:$0x6], $0x1000, $0x38;
	[tilespmem:$0x10200] =	vst v63  }
0x4a2: {  	_ =	swait.ge [sflag:s12], $0x1000  }
0x4a3: {  	[sflag:s12] =	ssyncset.done $0x0  }
0x4a4: {  	s2 =	simm.s32 $0x3000;
	[sflag:s12] =	ssyncadd.s32 $0xFFFFF000  }
0x4a5: {  	[tilespmem:s14], [sflag:$0x4] =	stream.indirect.gather [hbm4b:s28+s5], $0x1, s2, s5, $0xb8;
	[tilespmem:$0x10200] =	vst v63  }
0x4a6: {  	_ =	swait.ge [sflag:s15], $0x1000  }
0x4a7: {  	[sflag:s15] =	ssyncset.done $0x0  }
0x4a8: {  	[sflag:s15] =	ssyncadd.s32 $0xFFFFF000  }
0x4a9: {  	[hbm4b:s25+s0] =	stream.linear.scatter [tilespmem:s10], [sflag:$0x7], $0x1000, $0x38;
	[tilespmem:$0x10200] =	vst v63  }
0x4aa: {  	_ =	swait.ge [sflag:s16], $0x1000  }
0x4ab: {  	[sflag:s16] =	ssyncset.done $0x0  }
0x4ac: {  	[sflag:s16] =	ssyncadd.s32 $0xFFFFF000  }
0x4ad: {  	[hbm4b:s26+s0] =	stream.linear.scatter [tilespmem:s14], [sflag:$0x8], $0x1000, $0x38;
	[tilespmem:$0x10200] =	vst v63  }
0x4ae: {  	_ =	swait.ge [sflag:s9], $0x1000  }
0x4af: {  	[sflag:s9] =	ssyncset.done $0x0  }
0x4b0: {  	[sflag:s9] =	ssyncadd.s32 $0xFFFFF000  }
0x4b1: {  	_ =	swait.ge [sflag:s11], $0x1000  }
0x4b2: {  	[sflag:s11] =	ssyncset.done $0x0  }
0x4b3: {  	s19 =	sadd.s32 $0x1, s19;
	[sflag:s11] =	ssyncadd.s32 $0xFFFFF000  }
0x4b4: {  	p0 =	sne.s32 s19, s30;
	_ =	swait.ge [sflag:s17], $0x1000  }
.Ltmp8:
0x4b5: {  	[sflag:s17] =	ssyncset.done $0x0;
	(pc) =	sbr.rel @p0 .LBB2_1-.Ltmp8, $4  }
0x4b6: {  	[sflag:s17] =	ssyncadd.s32 $0xFFFFF000  }
0x4b7: {  	_ =	swait.ge [sflag:s12], $0x1000  }
0x4b8: {  	[sflag:s12] =	ssyncset.done $0x0  }
0x4b9: {  	[sflag:s12] =	ssyncadd.s32 $0xFFFFF000  }
0x4ba: {  	_ =	sfence.sel $0x180000  }
0x4bb: {  	[bflag:$0x0] =	sbarrier.arrive $0xFFFF  }
0x4bc: {  	_ =	strace $0x9000004A  }
0x4bd: {  	s0 =	stileid.u32;
	[bflag:$0x2] =	sbarrier.arrive $0xFFFF  }
0x4be: {  	p0 =	sne.s32 s0, $0x0;
	s0 =	rddreg [dreg:$0x2]  }
0x4bf: {  	s0 =	sadd.s32 @!p0 $0x100000, s0  }
0x4c0: {  	[sflag:s0] =	ssyncadd.tile.s32 @!p0 $0x1;
	_ =	shalt  }
.Lfunc_end2:
_tile_overlayer_lowered:
.L_overlay_start_2:
0x4c1: {  	(tag) =	ssettag $0x2  }
0x4c2: {  	s0 =	rddreg [dreg:$0x0];
	s2 =	stileid.u32  }
0x4c3: {  	s1 =	rddreg [dreg:$0x1];
	p0 =	sne.s32 s2, $0x0  }
0x4c4: {  	s3 =	rddreg [dreg:$0x2];
	[bflag:$0x3] =	sbarrier.arrive $0xFFFF;
	s2 =	simm.s32 @!p0 $0x1C0E  }
0x4c5: {  	[timem:s3], [sflag:s2] =	dma.local @!p0 [hbm:s0], s1  }
0x4c6: {  	s0 =	simm.s32 @!p0 $0xE  }
0x4c7: {  	_ =	swait.ge @!p0 [sflag:s0], s1  }
0x4c8: {  	s1 =	ssub.s32 @!p0 $0x0, s1;
	[sflag:s0] =	ssyncset.done @!p0 $0x0  }
0x4c9: {  	[sflag:s0] =	ssyncadd.s32 @!p0 s1  }
0x4ca: {  	[bflag:$0x3] =	sbarrier.arrive $0xFFFF  }
0x4cb: {  	_ =	shalt  }

// kernel: sparse-core-data-format-call.cloned.1.call-start
scs
called_computation_lowered:
.L_overlay_start_0:
0x0: {  	s2 =	sld [smem:$0x3FD9]  }
0x1: {  	s3 =	sld [smem:$0x3FFE];
	_ =	sdelay $0x1  }
0x2: {  	s1 =	srdreg.scid  }
0x3: {  	s0 =	sand.u32 $0x1, s1  }
0x4: {  	s18 =	sshll.u32 s0, $0xA;
	s2 =	sadd.s32 s3, s2  }
0x5: {  	s2 =	sadd.s32 s2, s18  }
0x6: {  	[smem:$0x3FC4] =	sst s2  }
0x7: {  	_ = 	snop  }
0x8: {  	s2 =	sld [smem:$0x3FC8];
	(tm) =	ssettm $0x1  }
0x9: {  	s19 =	sld [smem:$0x3FFB];
	_ =	sdelay $0x3  }
0xa: {  	_ =	strace s19  }
0xb: {  	s3 =	sld [smem:$0x3FFC];
	_ =	sdelay $0x3  }
0xc: {  	_ =	strace s3  }
0xd: {  	s3 =	sld [smem:$0x3FFD];
	_ =	sdelay $0x3  }
0xe: {  	_ =	strace s3  }
0xf: {  	_ =	strace $0x8FFFFFFF  }
0x10: {  	s20 =	sld [smem:$0x3FDB];
	_ =	sdelay $0x1  }
0x11: {  	s4 =	simm.s32 $_scs_section_size  }
0x12: {  	s5 =	simm.s32 $_size__tile_overlayer_lowered;
	s6 =	simm.s32 $_tile_overlayer_lowered  }
0x13: {  	s23 =	simm.s32 $0x1BFF;
	s22 =	sshll.u32 s6, $0x1;
	s3 =	sadd.s32 s4, s20  }
0x14: {  	s7 =	simm.s32 $0x0;
	s21 =	sshll.u32 s5, $0x1;
	s5 =	sadd.s32 s22, s3  }
0x15: {  	[timem:s7], [sflag:s23] =	dma.local [hbm:s5], s21  }
0x16: {  	_ =	swait.ge [sflag:s23], s21  }
0x17: {  	s4 =	ssub.s32 $0x0, s21;
	[sflag:s23] =	ssyncset.done $0x0  }
0x18: {  	[sflag:s23] =	ssyncadd.s32 s4;
	_ =	sdelay $0x1  }
0x19: {  	s24 =	simm.s32 $0x1B8B  }
0x1a: {  	_ =	swait.ge [sflag:s24], $0x1  }
0x1b: {  	[sflag:s24] =	ssyncset.done $0x0  }
0x1c: {  	s26 =	simm.s32 $0x1B8E;
	s25 =	sld [smem:$0x3FFE];
	[sflag:s24] =	ssyncadd.s32 $0xFFFFFFFF  }
0x1d: {  	s27 =	simm.s32 $execute0_lowered;
	[smem:$0x3FD2] =	sst s26  }
0x1e: {  	s5 =	sshll.u32 s27, $0x1;
	_ =	strace $0x80000046;
	[dreg:$0x1] =	wrdreg $0xFFFFFFFF  }
0x1f: {  	s28 =	simm.s32 $_size_execute0_lowered;
	s3 =	sadd.s32 s3, s5;
	[dreg:$0x0] =	wrdreg $0x0  }
0x20: {  	s5 =	sshll.u32 s28, $0x1;
	[dreg:$0x2] =	wrdreg s3  }
0x21: {  	[dreg:$0x3] =	wrdreg s5  }
0x22: {  	[dreg:$0x4] =	wrdreg $0xC0  }
0x23: {  	_ =	task [dreg:s7], $0x5FFFF  }
0x24: {  	[dreg:$0x1] =	wrdreg $0xFFFFFFFF  }
0x25: {  	[dreg:$0x0] =	wrdreg $0x60  }
0x26: {  	[dreg:$0x2] =	wrdreg s2  }
0x27: {  	[dreg:$0x3] =	wrdreg s25  }
0x28: {  	[dreg:$0x4] =	wrdreg $0x9  }
0x29: {  	_ =	task.clear_ibuf [dreg:s7], $0x5FFFF;
	_ =	strace $0x90000046  }
0x2a: {  	s29 =	simm.s32 $0x9;
	_ =	strace $0x80000048  }
0x2b: {  	_ =	swait.ge [sflag:s29], $0x1  }
0x2c: {  	[sflag:s29] =	ssyncadd.s32 $0xFFFFFFFF  }
0x2d: {  	_ =	strace $0x90000048  }
0x2e: {  	_ =	sfence  }
0x2f: {  	s30 =	sld [smem:$0x0];
	_ =	sdelay $0x2  }
0x30: {  	s31 =	sshll.u32 s1, $0xD;
	s1 =	sshrl.u32 s1, $0x2  }
0x31: {  	s3 =	sand.u32 $0x4000, s31;
	s1 =	sadd.s32 s1, s30  }
0x32: {  	s0 =	sor.u32 s3, s0;
	s1 =	sshll.u32 s1, $0x11  }
0x33: {  	s0 =	sor.u32 s1, s0  }
0x34: {  	s0 =	sadd.s32 $0x8F2B, s0  }
0x35: {  	[sflag:s0] =	ssyncadd.remote.s32 $0x1  }
0x36: {  	_ =	sfence.sel $0xFFFF  }
0x37: {  	[dreg:$0x0] =	wrdreg $0xFFFFFFFF;
	(pc) =	sbr.abs _section_cstart, $3  }
0x38: {  	[dreg:$0x1] =	wrdreg $0xFFFFFFFF  }
0x39: {  	_ =	task.clear_ibuf [dreg:s7], $0x2FFFF;
	_ =	strace $0x9FFFFFFF  }
0x3a: {  	(tm) =	ssettm $0x7FFFFFFF  }
0x3b: {  	_ =	shalt  }
tec
execute0_lowered:
.L_overlay_start_1:
0x0: {  	(tag) =	ssettag $0x1  }
0x1: {  	s2 =	rddreg [dreg:$0x0]  }
0x2: {  	s1 =	rddreg [dreg:$0x1]  }
0x3: {  	s0 =	rddreg [dreg:$0x2];
	_ =	strace $0x80000047;
	s4 =	srdreg.scid  }
0x4: {  	s6 =	simm.s32 $0x2;
	s11 =	simm.s32 $0x0;
	p0 =	por $0x0, $0x0  }
.Ltmp0:
0x5: {  	s7 =	simm.s32 $0x1000;
	s12 =	simm.s32 $0x0;
	(pc) =	sbr.rel .LBB1_1-.Ltmp0, $4  }
0x6: {  	s9 =	simm.s32 $0x0;
	s3 =	sadd.s32 $0x1000, s1;
	s5 =	sshll.u32 s4, $0x4  }
0x7: {  	s1 =	stileid.u32;
	s4 =	simm.s32 $0x1;
	s5 =	sand.u32 $0x10, s5  }
0x8: {  	s8 =	simm.s32 $0x0;
	[sflag:s4] =	ssyncpa.u1 $0x0;
	s5 =	sor.u32 s1, s5  }
0x9: {  	[sflag:s6] =	ssyncpa.u1 $0x0;
	s6 =	simm.s32 $0x800;
	s10 =	smov.u32 s5  }
.LBB1_7:
0xa: {  	s13 =	sadd.s32 $0x10, s9  }
0xb: {  	s11 =	sadd.s32 $0x20, s10;
	s15 =	smov.u32 s10;
	p2 =	sgt.s32 s13, $0x1F  }
0xc: {  	p1 =	slt.u32 s8, $0x2;
	s15 =	smov.u32 @p2 s11  }
0xd: {  	s8 =	sadd.s32 $0x1, s8;
	s13 =	simm.s32 @p2 $0x0;
	p2 =	sgt.s32 s15, $0x1FF  }
0xe: {  	s15 =	smov.u32 @p2 s5;
	p2 =	sne.s32 s8, $0x22  }
.Ltmp1:
0xf: {  	_ = 	snop;
	(pc) =	sbr.rel @!p2 .LBB1_8-.Ltmp1, $4  }
0x10: {  	s14 =	simm.s32 @!p1 $0x2  }
0x11: {  	s12 =	smov.u32 s10;
	_ =	swait.ge @!p1 [sflag:s14], $0x4000  }
0x12: {  	p0 =	por !p0, !p0;
	s11 =	smov.u32 s9;
	[sflag:s14] =	ssyncset.done @!p1 $0x0  }
0x13: {  	s9 =	smov.u32 s13;
	[sflag:s14] =	ssyncadd.s32 @!p1 $0xFFFFC000;
	s10 =	smov.u32 s15  }
.LBB1_1:
0x14: {  	p1 =	sgt.u32 s8, $0x1F  }
0x15: {  	s13 =	sxor.u32 @!p1 $0xFFFFFFFF, s8;
	s14 =	sshll.u32 @!p1 s10, $0xC  }
0x16: {  	s15 =	sshll.u32 @!p1 s9, $0x7;
	s13 =	sshll.u32 @!p1 s13, $0xE;
	s14 =	sadd.s32 @!p1 s2, s14  }
0x17: {  	s13 =	sand.u32 @!p1 $0x4000, s13;
	s14 =	sadd.s32 @!p1 s15, s14;
	s15 =	simm.s32 @!p1 $0x0  }
0x18: {  	[tilespmem:s13], [sflag:$0x1] =	stream.linear.gather @!p1 [hbm4b:s14+s15], $0x4000, $0x38;
	[tilespmem:$0x10000] =	vst v63  }
0x19: {  	p1 =	seq.s32 s8, $0x0  }
0x1a: {  	p2 =	seq.s32 @!p1 s8, $0x21  }
0x1b: {  	p1 =	por p1, p2  }
.Ltmp2:
0x1c: {  	_ = 	snop;
	(pc) =	sbr.rel @p1 .LBB1_7-.Ltmp2, $1  }
0x1d: {  	_ =	sdelay $0x3  }
0x1e: {  	s13 =	simm.s32 $0x1;
	_ =	swait.ge [sflag:s4], $0x4000;
	s16 =	sshll.u32 s8, $0xE  }
0x1f: {  	s13 =	simm.s32 @!p0 $0x0;
	[sflag:s4] =	ssyncset.done $0x0;
	s31 =	sand.u32 $0x4000, s16  }
0x20: {  	s16 =	simm.s32 $0x0;
	s14 =	sshll.u32 s13, $0xE;
	[sflag:s4] =	ssyncadd.s32 $0xFFFFC000  }
0x21: {  	s13 =	sor.u32 $0x8040, s14;
	s15 =	sor.u32 $0x40, s14;
	s14 =	sor.u32 $0x8000, s31  }
.LBB1_3:
0x22: {  	v0 =	vmov s15;
	_ =	sdelay $0x3  }
0x23: {  	s18 =	simm.s32 $0x0  }
0x24: {  	v6 =	vld.idx.msk [tilespmem:v0+s18+$0x30 ss:$0x1], $0xffff  }
0x25: {  	v7 =	vld.idx.msk [tilespmem:v0+s18+$0xFFFFFFC0 ss:$0x1], $0xffff  }
0x26: {  	v5 =	vld.idx.msk [tilespmem:v0+s18+$0xFFFFFFD0 ss:$0x1], $0xffff  }
0x27: {  	v4 =	vld.idx.msk [tilespmem:v0+s18+$0xFFFFFFE0 ss:$0x1], $0xffff  }
0x28: {  	v3 =	vld.idx.msk [tilespmem:v0+s18+$0xFFFFFFF0 ss:$0x1], $0xffff  }
0x29: {  	v1 =	vld.idx.msk [tilespmem:v0+s18+$0x0 ss:$0x1], $0xffff  }
0x2a: {  	v2 =	vld.idx.msk [tilespmem:v0+s18+$0x10 ss:$0x1], $0xffff;
	[tilespmem:s13+$0x30] =	vst v6  }
0x2b: {  	s17 =	simm.s32 $0x80;
	s19 =	simm.s32 $0x400;
	[tilespmem:s13+$0xFFFFFFC0] =	vst v7;
	v6 =	vld.idx.msk [tilespmem:v0+s18+$0x20 ss:$0x1], $0xffff;
	s18 =	smov.u32 s13  }
.LBB1_4:
0x2c: {  	p1 =	sne.s32 s19, $0xE00;
	v7 =	vld.idx.msk [tilespmem:v0+s17+$0x30 ss:$0x1], $0xffff;
	[tilespmem:s18+$0xFFFFFFD0] =	vst v5  }
0x2d: {  	v8 =	vld.idx.msk [tilespmem:v0+s17+$0xFFFFFFC0 ss:$0x1], $0xffff;
	[tilespmem:s18+$0xFFFFFFE0] =	vst v4  }
0x2e: {  	v5 =	vld.idx.msk [tilespmem:v0+s17+$0xFFFFFFD0 ss:$0x1], $0xffff;
	[tilespmem:s18+$0xFFFFFFF0] =	vst v3  }
.Ltmp3:
0x2f: {  	v4 =	vld.idx.msk [tilespmem:v0+s17+$0xFFFFFFE0 ss:$0x1], $0xffff;
	[tilespmem:s18+$0x0] =	vst v1;
	(pc) =	sbr.rel @p1 .LBB1_4-.Ltmp3, $4  }
0x30: {  	v3 =	vld.idx.msk [tilespmem:v0+s17+$0xFFFFFFF0 ss:$0x1], $0xffff;
	[tilespmem:s18+$0x10] =	vst v2  }
0x31: {  	v1 =	vld.idx.msk [tilespmem:v0+s17+$0x0 ss:$0x1], $0xffff;
	[tilespmem:s18+$0x20] =	vst v6;
	s18 =	sadd.s32 $0x800, s18  }
0x32: {  	v2 =	vld.idx.msk [tilespmem:v0+s17+$0x10 ss:$0x1], $0xffff;
	[tilespmem:s18+$0x30] =	vst v7  }
0x33: {  	[tilespmem:s18+$0xFFFFFFC0] =	vst v8;
	v6 =	vld.idx.msk [tilespmem:v0+s17+$0x20 ss:$0x1], $0xffff;
	s17 =	sshra.s32 s19, $0x2;
	s19 =	sadd.s32 $0x200, s19  }
0x34: {  	_ =	sdelay $0x2  }
0x35: {  	[tilespmem:s18+$0xFFFFFFD0] =	vst v5  }
0x36: {  	v56 =	vld.idx.msk [tilespmem:v0+s17+$0x30 ss:$0x1], $0xffff;
	[tilespmem:s18+$0xFFFFFFE0] =	vst v4  }
0x37: {  	v57 =	vld.idx.msk [tilespmem:v0+s17+$0xFFFFFFC0 ss:$0x1], $0xffff;
	[tilespmem:s18+$0xFFFFFFF0] =	vst v3  }
0x38: {  	v58 =	vld.idx.msk [tilespmem:v0+s17+$0xFFFFFFD0 ss:$0x1], $0xffff;
	[tilespmem:s18+$0x0] =	vst v1  }
0x39: {  	v59 =	vld.idx.msk [tilespmem:v0+s17+$0xFFFFFFE0 ss:$0x1], $0xffff;
	[tilespmem:s18+$0x10] =	vst v2  }
0x3a: {  	v60 =	vld.idx.msk [tilespmem:v0+s17+$0xFFFFFFF0 ss:$0x1], $0xffff;
	s31 =	sadd.s32 $0x800, s18;
	[tilespmem:s18+$0x20] =	vst v6  }
0x3b: {  	v61 =	vld.idx.msk [tilespmem:v0+s17+$0x0 ss:$0x1], $0xffff;
	[tilespmem:s31+$0x30] =	vst v56  }
0x3c: {  	v62 =	vld.idx.msk [tilespmem:v0+s17+$0x10 ss:$0x1], $0xffff;
	s16 =	sadd.s32 $0x1, s16;
	[tilespmem:s31+$0xFFFFFFC0] =	vst v57  }
0x3d: {  	v63 =	vld.idx.msk [tilespmem:v0+s17+$0x20 ss:$0x1], $0xffff;
	p1 =	sne.s32 s16, $0x10;
	[tilespmem:s31+$0xFFFFFFD0] =	vst v58  }
.Ltmp4:
0x3e: {  	[tilespmem:s31+$0xFFFFFFE0] =	vst v59;
	(pc) =	sbr.rel @p1 .LBB1_3-.Ltmp4, $4  }
0x3f: {  	[tilespmem:s31+$0xFFFFFFF0] =	vst v60  }
0x40: {  	[tilespmem:s31+$0x0] =	vst v61  }
0x41: {  	[tilespmem:s31+$0x10] =	vst v62  }
0x42: {  	s13 =	sadd.s32 $0x80, s13;
	s15 =	sadd.s32 $0x400, s15;
	[tilespmem:s31+$0x20] =	vst v63  }
.Ltmp5:
0x43: {  	(pc) =	sbr.rel .LBB1_7-.Ltmp5, $4  }
0x44: {  	s12 =	sshll.u32 s12, $0xC;
	s11 =	sshll.u32 s11, $0x4  }
0x45: {  	s11 =	sand.u32 $0x1F0, s11;
	s12 =	sadd.s32 s3, s12  }
0x46: {  	s11 =	sadd.s32 s11, s12  }
0x47: {  	[hbm4b:s11+s6] =	stream.strided.scatter [tilespmem:s14], [sflag:$0x2], $0x4000, s7, s6, $0x38;
	[tilespmem:$0x10000] =	vst v63  }
.LBB1_8:
0x48: {  	_ =	sfence.sel $0x180000  }
0x49: {  	s2 =	simm.s32 $0x1;
	[bflag:$0x0] =	sbarrier.arrive $0xFFFF  }
0x4a: {  	s31 =	simm.s32 $0x2;
	[sflag:s2] =	ssyncpa.u1 $0x1  }
0x4b: {  	[sflag:s31] =	ssyncpa.u1 $0x1  }
0x4c: {  	p0 =	sne.s32 s1, $0x0;
	_ =	strace $0x90000047  }
0x4d: {  	s0 =	sadd.s32 @!p0 $0x100000, s0;
	[bflag:$0x2] =	sbarrier.arrive $0xFFFF  }
0x4e: {  	[sflag:s0] =	ssyncadd.tile.s32 @!p0 $0x1;
	_ =	shalt  }
.Lfunc_end1:
_tile_overlayer_lowered:
.L_overlay_start_2:
0x4f: {  	(tag) =	ssettag $0x2  }
0x50: {  	s0 =	rddreg [dreg:$0x0];
	s2 =	stileid.u32  }
0x51: {  	s1 =	rddreg [dreg:$0x1];
	p0 =	sne.s32 s2, $0x0  }
0x52: {  	s3 =	rddreg [dreg:$0x2];
	[bflag:$0x3] =	sbarrier.arrive $0xFFFF;
	s2 =	simm.s32 @!p0 $0x1C01  }
0x53: {  	[timem:s3], [sflag:s2] =	dma.local @!p0 [hbm:s0], s1  }
0x54: {  	s0 =	simm.s32 @!p0 $0x1  }
0x55: {  	_ =	swait.ge @!p0 [sflag:s0], s1  }
0x56: {  	s1 =	ssub.s32 @!p0 $0x0, s1;
	[sflag:s0] =	ssyncset.done @!p0 $0x0  }
0x57: {  	[sflag:s0] =	ssyncadd.s32 @!p0 s1  }
0x58: {  	[bflag:$0x3] =	sbarrier.arrive $0xFFFF  }
0x59: {  	_ =	shalt  }

</sc_bundles>
